<compile_context>
chip_gen: v7x
topology: tpu7x:2x2x1
jax: 0.10.2.dev20260603
libtpu: 0.0.44.dev20260713+nightly
codegen_flags: <defaults>
</compile_context>

<pallas_src>
import functools

import jax
import jax.numpy as jnp
import numpy as np
from jax import lax
from jax.experimental import pallas as pl
from jax.experimental.pallas import tpu as pltpu
from jax.experimental.pallas import tpu_sc as plsc

_N = 10000
_D = 128
_E = 320000
_B = 1024
_TAU = 0.2

_NC = 2
_NS = 16
_NW = _NC * _NS
_K = 128
_CH = 80
_EPW = _CH * _K
_NPAD = 10240
_ZR = 128
_RPS = _NPAD // _NS
_GPW = 3 * _B // _NW
_PAD = _NW * _EPW - _E

_PAD_EDGES = np.stack([
    np.arange(_PAD, dtype=np.int32) % _N,
    _N + np.arange(_PAD, dtype=np.int32) % (_NPAD - _N),
])


@functools.cache
def _make_segment_sum():
    mesh = plsc.VectorSubcoreMesh(core_axis_name="c", subcore_axis_name="s",
                                  num_cores=_NC, num_subcores=_NS)
    return functools.partial(
        pl.kernel,
        out_type=jax.ShapeDtypeStruct((_NC, _NPAD, _D), jnp.float32),
        mesh=mesh,
        scratch_types=[
            pltpu.VMEM((_EPW,), jnp.int32),
            pltpu.VMEM((4, _K), jnp.int32),
            pltpu.VMEM((_K, _D), jnp.float32),
            pltpu.VMEM((_K, _D), jnp.float32),
            pltpu.VMEM_SHARED((_NPAD, _D), jnp.float32),
            pltpu.SemaphoreType.DMA,
            pltpu.SemaphoreType.DMA,
            pltpu.SemaphoreType.DMA,
            pltpu.SemaphoreType.DMA,
            pltpu.SemaphoreType.DMA,
        ],
    )(_segment_sum_body)


def _segment_sum_body(table, edges, pads, zeros_hbm, out, src_v, dring,
                      rows0, rows1, acc, sem_g0, sem_g1, sem_s, sem_i0,
                      sem_i1):
    c = lax.axis_index("c")
    s = lax.axis_index("s")
    wid = s * _NC + c
    base = wid * _EPW
    real31 = _E - (_NW - 1) * _EPW

    def load_dst(j, slot, sem):
        off = base + j * _K

        @pl.when(off + _K <= _E)
        def _real():
            pltpu.async_copy(edges.at[1, pl.ds(off, _K)], dring.at[slot],
                             sem)

        @pl.when(off >= _E)
        def _padded():
            pltpu.async_copy(pads.at[1, pl.ds(off - _E, _K)],
                             dring.at[slot], sem)

    @pl.when(wid < _NW - 1)
    def _src_full():
        pltpu.sync_copy(edges.at[0, pl.ds(base, _EPW)], src_v)

    @pl.when(wid == _NW - 1)
    def _src_split():
        pltpu.sync_copy(edges.at[0, pl.ds(base, real31)],
                        src_v.at[pl.ds(0, real31)])
        pltpu.sync_copy(pads.at[0], src_v.at[pl.ds(real31, _PAD)])

    def start_gather(j, buf, sem):
        pltpu.async_copy(table.at[src_v.at[pl.ds(j * _K, _K // 2)]],
                         buf.at[pl.ds(0, _K // 2)], sem)
        pltpu.async_copy(table.at[src_v.at[pl.ds(j * _K + _K // 2, _K // 2)]],
                         buf.at[pl.ds(_K // 2, _K // 2)], sem)

    def wait_gather(j, buf, sem):
        pltpu.make_async_copy(table.at[src_v.at[pl.ds(j * _K, _K // 2)]],
                              buf.at[pl.ds(0, _K // 2)], sem).wait()
        pltpu.make_async_copy(
            table.at[src_v.at[pl.ds(j * _K + _K // 2, _K // 2)]],
            buf.at[pl.ds(_K // 2, _K // 2)], sem).wait()

    load_dst(0, 0, sem_i0)
    pltpu.make_async_copy(edges.at[1, pl.ds(base, _K)], dring.at[0],
                          sem_i0).wait()
    start_gather(0, rows0, sem_g0)
    load_dst(1, 1, sem_i1)
    for t in range(_RPS // _ZR):
        pltpu.async_copy(zeros_hbm, acc.at[pl.ds(s * _RPS + t * _ZR, _ZR)],
                         sem_s)
    for t in range(_RPS // _ZR):
        pltpu.make_async_copy(
            zeros_hbm, acc.at[pl.ds(s * _RPS + t * _ZR, _ZR)], sem_s).wait()
    plsc.subcore_barrier()

    rows = (rows0, rows1)
    sem_g = (sem_g0, sem_g1)
    sem_i = (sem_i0, sem_i1)

    def step(j, rslot, dslot):
        orslot = 1 - rslot

        @pl.when(j >= 1)
        def _drain_prev_scatter():
            pltpu.make_async_copy(
                rows[orslot], acc.at[dring.at[(dslot + 3) % 4]],
                sem_s).wait()

        @pl.when(j + 1 < _CH)
        def _start_next_gather():
            start_gather(j + 1, rows[orslot], sem_g[orslot])

        wait_gather(j, rows[rslot], sem_g[rslot])

        @pl.when(j >= 1)
        def _wait_dst():
            pltpu.make_async_copy(edges.at[1, pl.ds(base + j * _K, _K)],
                                  dring.at[dslot], sem_i[rslot]).wait()

        pltpu.async_copy(rows[rslot], acc.at[dring.at[dslot]], sem_s,
                         add=True)

        @pl.when(j + 2 < _CH)
        def _start_next_dst():
            load_dst(j + 2, (dslot + 2) % 4, sem_i[rslot])

    def body(g, carry):
        for u in range(4):
            step(4 * g + u, u % 2, u)
        return carry

    lax.fori_loop(0, _CH // 4, body, 0)
    pltpu.make_async_copy(rows[1], acc.at[dring.at[3]], sem_s).wait()
    plsc.subcore_barrier()
    pltpu.sync_copy(acc.at[pl.ds(s * _RPS, _RPS)],
                    out.at[c, pl.ds(s * _RPS, _RPS)])


@functools.cache
def _make_gather_rows():
    mesh = plsc.VectorSubcoreMesh(core_axis_name="c", subcore_axis_name="s",
                                  num_cores=_NC, num_subcores=_NS)
    return functools.partial(
        pl.kernel,
        out_type=jax.ShapeDtypeStruct((3 * _B, _D), jnp.float32),
        mesh=mesh,
        scratch_types=[
            pltpu.VMEM((_GPW,), jnp.int32),
            pltpu.VMEM((_GPW, _D), jnp.float32),
            pltpu.SemaphoreType.DMA,
        ],
    )(_gather_rows_body)


def _gather_rows_body(table, idx, out, idx_v, rows_v, sem):
    c = lax.axis_index("c")
    s = lax.axis_index("s")
    base = (s * _NC + c) * _GPW
    pltpu.sync_copy(idx.at[pl.ds(base, _GPW)], idx_v)
    pltpu.async_copy(table.at[idx_v], rows_v, sem).wait()
    pltpu.sync_copy(rows_v, out.at[pl.ds(base, _GPW)])


def _mlp_block(eps_ref, x_ref, pa_ref, pb_ref, w1_ref, b1_ref, w2_ref,
               b2_ref, o_ref):
    z = (1.0 + eps_ref[0]) * x_ref[...] + pa_ref[0] + pb_ref[0]
    z = jnp.maximum(
        jnp.dot(z, w1_ref[...], preferred_element_type=jnp.float32)
        + b1_ref[...], 0.0)
    z = jnp.dot(z, w2_ref[...], preferred_element_type=jnp.float32) \
        + b2_ref[...]
    o_ref[...] = jnp.maximum(z, 0.0)


def _gin_mlp(x, parts, W1, b1, W2, b2, eps):
    R = 1000
    return pl.pallas_call(
        _mlp_block,
        grid=(_N // R,),
        in_specs=[
            pl.BlockSpec(memory_space=pltpu.SMEM),
            pl.BlockSpec((R, _D), lambda i: (i, 0)),
            pl.BlockSpec((1, R, _D), lambda i: (0, i, 0)),
            pl.BlockSpec((1, R, _D), lambda i: (1, i, 0)),
            pl.BlockSpec((_D, _D), lambda i: (0, 0)),
            pl.BlockSpec((1, _D), lambda i: (0, 0)),
            pl.BlockSpec((_D, _D), lambda i: (0, 0)),
            pl.BlockSpec((1, _D), lambda i: (0, 0)),
        ],
        out_specs=pl.BlockSpec((R, _D), lambda i: (i, 0)),
        out_shape=jax.ShapeDtypeStruct((_N, _D), jnp.float32),
    )(eps.reshape(1), x, parts, parts, W1, b1.reshape(1, _D), W2,
      b2.reshape(1, _D))


def _head_block(g_ref, p1_ref, pb1_ref, p2_ref, pb2_ref, o_ref):
    z = jnp.maximum(
        jnp.dot(g_ref[...], p1_ref[...], preferred_element_type=jnp.float32)
        + pb1_ref[...], 0.0)
    z = jnp.dot(z, p2_ref[...], preferred_element_type=jnp.float32) \
        + pb2_ref[...]
    sv = z[0:_B]
    sa = z[_B:2 * _B]
    sb = z[2 * _B:3 * _B]

    def cos(u, w):
        un = jnp.sqrt(jnp.sum(u * u, axis=1, keepdims=True))
        wn = jnp.sqrt(jnp.sum(w * w, axis=1, keepdims=True))
        return jnp.sum(u * w, axis=1, keepdims=True) / jnp.maximum(
            un * wn, 1e-8)

    pos = cos(sv, sa)
    neg = cos(sv, sb)
    num = jnp.exp(pos / _TAU)
    den = num + jnp.exp(neg / _TAU)
    o_ref[0, 0] = -jnp.sum(jnp.log(num / den)) / _B


def _head(g, P1, pb1, P2, pb2):
    return pl.pallas_call(
        _head_block,
        out_shape=jax.ShapeDtypeStruct((1, 1), jnp.float32),
        out_specs=pl.BlockSpec(memory_space=pltpu.SMEM),
    )(g, P1, pb1.reshape(1, _D), P2, pb2.reshape(1, _D))


def kernel(x, edge_index, v, a, b, W1_0, b1_0, W2_0, b2_0, eps_0, W1_1,
           b1_1, W2_1, b2_1, eps_1, P1, pb1, P2, pb2):
    pads = jnp.asarray(_PAD_EDGES)
    zrows = jnp.zeros((_ZR, _D), jnp.float32)

    segsum = _make_segment_sum()
    p0 = segsum(x, edge_index, pads, zrows)
    h = _gin_mlp(x, p0, W1_0, b1_0, W2_0, b2_0, eps_0)
    p1 = segsum(h, edge_index, pads, zrows)
    emb = _gin_mlp(h, p1, W1_1, b1_1, W2_1, b2_1, eps_1)

    idx = jnp.concatenate([v, a, b])
    g = _make_gather_rows()(emb, idx)
    loss = _head(g, P1, pb1, P2, pb2)
    return loss[0, 0]

# --- scband reference (transcript-rebuilt; emitter-appended) ---
"""Pipeline reference for scband-edge-pred-graph-prompt-34110630265411 (READ-ONLY COPY).

The authoritative reference and input builder live on the scoring server;
editing this copy changes nothing except your own understanding.
"""

import jax, jax.numpy as jnp
import numpy as np

N = 10000
E = 320000
D = 128
H = 128
B = 1024
TAU = 0.2


def setup_inputs(seed: int = 0) -> dict:
    key = jax.random.key(seed)
    ks = jax.random.split(key, 16)
    inp = {}
    inp['x'] = jax.random.normal(ks[0], (N, D), dtype=jnp.float32)
    inp['edge_index'] = jax.random.randint(ks[1], (2, E), 0, N, dtype=jnp.int32)
    inp['v'] = jax.random.randint(ks[2], (B,), 0, N, dtype=jnp.int32)
    inp['a'] = jax.random.randint(ks[3], (B,), 0, N, dtype=jnp.int32)
    inp['b'] = jax.random.randint(ks[4], (B,), 0, N, dtype=jnp.int32)
    s = 1.0 / np.sqrt(D)
    # GIN layer 0 MLP params
    inp['W1_0'] = jax.random.normal(ks[5], (D, H), dtype=jnp.float32) * s
    inp['b1_0'] = jnp.zeros((H,), dtype=jnp.float32)
    inp['W2_0'] = jax.random.normal(ks[6], (H, H), dtype=jnp.float32) * s
    inp['b2_0'] = jnp.zeros((H,), dtype=jnp.float32)
    inp['eps_0'] = jnp.zeros((), dtype=jnp.float32)
    # GIN layer 1 MLP params
    inp['W1_1'] = jax.random.normal(ks[7], (H, H), dtype=jnp.float32) * s
    inp['b1_1'] = jnp.zeros((H,), dtype=jnp.float32)
    inp['W2_1'] = jax.random.normal(ks[8], (H, H), dtype=jnp.float32) * s
    inp['b2_1'] = jnp.zeros((H,), dtype=jnp.float32)
    inp['eps_1'] = jnp.zeros((), dtype=jnp.float32)
    # projection head params
    inp['P1'] = jax.random.normal(ks[9], (H, H), dtype=jnp.float32) * s
    inp['pb1'] = jnp.zeros((H,), dtype=jnp.float32)
    inp['P2'] = jax.random.normal(ks[10], (H, H), dtype=jnp.float32) * s
    inp['pb2'] = jnp.zeros((H,), dtype=jnp.float32)
    return inp


def _gin_layer(h, src, dst, W1, b1, W2, b2, eps):
    # GIN aggregation: sum over incoming neighbors (scatter-add), plus (1+eps)*self
    agg = jnp.zeros_like(h).at[dst].add(h[src])
    z = (1.0 + eps) * h + agg
    z = jnp.maximum(z @ W1 + b1, 0.0)
    z = z @ W2 + b2
    return jnp.maximum(z, 0.0)


def _cos(u, w):
    un = jnp.linalg.norm(u, axis=-1)
    wn = jnp.linalg.norm(w, axis=-1)
    return jnp.sum(u * w, axis=-1) / jnp.maximum(un * wn, 1e-8)


def reference(x, edge_index, v, a, b, W1_0, b1_0, W2_0, b2_0, eps_0, W1_1, b1_1, W2_1, b2_1, eps_1, P1, pb1, P2, pb2):
    src = edge_index[0]
    dst = edge_index[1]
    h = _gin_layer(x, src, dst, W1_0, b1_0, W2_0, b2_0, eps_0)
    emb = _gin_layer(h, src, dst, W1_1, b1_1, W2_1, b2_1, eps_1)

    def proj(z):
        z = jnp.maximum(z @ P1 + pb1, 0.0)
        return z @ P2 + pb2

    s_v = proj(emb[v])
    s_a = proj(emb[a])
    s_b = proj(emb[b])
    pos_sim = _cos(s_v, s_a)
    neg_sim = _cos(s_v, s_b)
    numerator = jnp.exp(pos_sim / TAU)
    denominator = numerator + jnp.exp(neg_sim / TAU)
    loss = -jnp.log(numerator / denominator).mean()
    return loss

if __name__ == "__main__":
    import jax
    _d = setup_inputs()
    print(jax.jit(kernel)(*tuple(_d.values())))

</pallas_src>

<mosaic_0001>
#map = affine_map<(d0, d1) -> (0, 0)>
#map1 = affine_map<(d0, d1) -> (0)>
module attributes {stable_mosaic.version = 14 : i64} {
  func.func @_gather_rows_body(%arg0: i32, %arg1: i32, %arg2: memref<10000x128xf32, #tpu.memory_space<hbm>>, %arg3: memref<3072xi32, #tpu.memory_space<hbm>>, %arg4: memref<3072x128xf32, #tpu.memory_space<hbm>>, %arg5: memref<96xi32, #tpu.memory_space<vmem>>, %arg6: memref<96x128xf32, #tpu.memory_space<vmem>>, %arg7: memref<!tpu.dma_semaphore, #tpu.memory_space<semaphore_mem>>) attributes {dimension_semantics = [#tpu.dimension_semantics<core_parallel>, #tpu.dimension_semantics<subcore_parallel>], iteration_bounds = array<i64: 2, 16>, scalar_prefetch = 0 : i64, scratch_operands = 3 : i64, tpu.core_type = #tpu.core_type<sc_vector_subcore>, window_params = [{transform_indices = #map}, {transform_indices = #map1}, {transform_indices = #map}]} {
    %mul3A = arith.constant 2 : i32
    %mul3A_0 = arith.muli %arg1, %mul3A : i32
    %add3A = arith.addi %mul3A_0, %arg0 : i32
    %mul3A_1 = arith.constant 96 : i32
    %mul3A_2 = arith.muli %add3A, %mul3A_1 : i32
    "tpu.region"() ({
      %run_scoped3A = tpu.sem_alloc : memref<!tpu.dma_semaphore, #tpu.memory_space<semaphore_mem>>
      %dma_start3A_7 = tpu.memref_slice %arg3[%mul3A_2] : memref<3072xi32, #tpu.memory_space<hbm>> -> memref<96xi32, #tpu.memory_space<hbm>>
      %dma_start3A_8 = tpu.memref_slice %arg3[%mul3A_2] : memref<3072xi32, #tpu.memory_space<hbm>> -> memref<96xi32, #tpu.memory_space<hbm>>
      tpu.enqueue_dma source(%dma_start3A_8 : memref<96xi32, #tpu.memory_space<hbm>>) target(%arg5 : memref<96xi32, #tpu.memory_space<vmem>>) target_semaphore(%run_scoped3A : memref<!tpu.dma_semaphore, #tpu.memory_space<semaphore_mem>>)
      %dma_wait3A_9 = tpu.memref_slice %arg3[%mul3A_2] : memref<3072xi32, #tpu.memory_space<hbm>> -> memref<96xi32, #tpu.memory_space<hbm>>
      %dma_wait3A_10 = tpu.memref_slice %arg3[%mul3A_2] : memref<3072xi32, #tpu.memory_space<hbm>> -> memref<96xi32, #tpu.memory_space<hbm>>
      tpu.wait_dma2 semaphore(%run_scoped3A : memref<!tpu.dma_semaphore, #tpu.memory_space<semaphore_mem>>) src(%dma_wait3A_10 : memref<96xi32, #tpu.memory_space<hbm>>) dst(%arg5 : memref<96xi32, #tpu.memory_space<vmem>>)
      tpu.yield
    }) : () -> ()
    %dma_start3A = arith.constant 0 : i32
    %dma_start3A_3 = arith.constant 0 : i32
    %dma_start3A_4 = tpu.memref_slice %arg2[%dma_start3A, %dma_start3A_3] : memref<10000x128xf32, #tpu.memory_space<hbm>> -> memref<10000x128xf32, #tpu.memory_space<hbm>>
    tpu.enqueue_indirect_dma source(%dma_start3A_4 : memref<10000x128xf32, #tpu.memory_space<hbm>>) target(%arg6 : memref<96x128xf32, #tpu.memory_space<vmem>>) offsets(%arg5 : memref<96xi32, #tpu.memory_space<vmem>>) semaphore(%arg7 : memref<!tpu.dma_semaphore, #tpu.memory_space<semaphore_mem>>)
    %dma_wait3A = arith.constant 0 : i32
    %dma_wait3A_5 = arith.constant 0 : i32
    %dma_wait3A_6 = tpu.memref_slice %arg2[%dma_wait3A, %dma_wait3A_5] : memref<10000x128xf32, #tpu.memory_space<hbm>> -> memref<10000x128xf32, #tpu.memory_space<hbm>>
    tpu.wait_indirect_dma semaphore(%arg7 : memref<!tpu.dma_semaphore, #tpu.memory_space<semaphore_mem>>) src(%dma_wait3A_6 : memref<10000x128xf32, #tpu.memory_space<hbm>>) dst(%arg6 : memref<96x128xf32, #tpu.memory_space<vmem>>)
    "tpu.region"() ({
      %run_scoped3A = tpu.sem_alloc : memref<!tpu.dma_semaphore, #tpu.memory_space<semaphore_mem>>
      %dma_start3A_7 = arith.constant 0 : i32
      %dma_start3A_8 = tpu.memref_slice %arg4[%mul3A_2, %dma_start3A_7] : memref<3072x128xf32, #tpu.memory_space<hbm>> -> memref<96x128xf32, #tpu.memory_space<hbm>>
      %dma_start3A_9 = arith.constant 0 : i32
      %dma_start3A_10 = tpu.memref_slice %arg4[%mul3A_2, %dma_start3A_9] : memref<3072x128xf32, #tpu.memory_space<hbm>> -> memref<96x128xf32, #tpu.memory_space<hbm>>
      tpu.enqueue_dma source(%arg6 : memref<96x128xf32, #tpu.memory_space<vmem>>) target(%dma_start3A_10 : memref<96x128xf32, #tpu.memory_space<hbm>>) target_semaphore(%run_scoped3A : memref<!tpu.dma_semaphore, #tpu.memory_space<semaphore_mem>>)
      %dma_wait3A_11 = arith.constant 0 : i32
      %dma_wait3A_12 = tpu.memref_slice %arg4[%mul3A_2, %dma_wait3A_11] : memref<3072x128xf32, #tpu.memory_space<hbm>> -> memref<96x128xf32, #tpu.memory_space<hbm>>
      %dma_wait3A_13 = arith.constant 0 : i32
      %dma_wait3A_14 = tpu.memref_slice %arg4[%mul3A_2, %dma_wait3A_13] : memref<3072x128xf32, #tpu.memory_space<hbm>> -> memref<96x128xf32, #tpu.memory_space<hbm>>
      tpu.wait_dma2 semaphore(%run_scoped3A : memref<!tpu.dma_semaphore, #tpu.memory_space<semaphore_mem>>) src(%arg6 : memref<96x128xf32, #tpu.memory_space<vmem>>) dst(%dma_wait3A_14 : memref<96x128xf32, #tpu.memory_space<hbm>>)
      tpu.yield
    }) : () -> ()
    return
  }
}

#map = affine_map<(d0, d1) -> (0, 0)>
#map1 = affine_map<(d0, d1) -> (0, 0, 0)>
module attributes {stable_mosaic.version = 14 : i64} {
  func.func @_segment_sum_body(%arg0: i32, %arg1: i32, %arg2: memref<10000x128xf32, #tpu.memory_space<hbm>>, %arg3: memref<2x320000xi32, #tpu.memory_space<hbm>>, %arg4: memref<2x7680xi32, #tpu.memory_space<hbm>>, %arg5: memref<128x128xf32, #tpu.memory_space<hbm>>, %arg6: memref<2x10240x128xf32, #tpu.memory_space<hbm>>, %arg7: memref<10240xi32, #tpu.memory_space<vmem>>, %arg8: memref<4x128xi32, #tpu.memory_space<vmem>>, %arg9: memref<128x128xf32, #tpu.memory_space<vmem>>, %arg10: memref<128x128xf32, #tpu.memory_space<vmem>>, %arg11: memref<10240x128xf32, #tpu.memory_space<vmem_shared>>, %arg12: memref<!tpu.dma_semaphore, #tpu.memory_space<semaphore_mem>>, %arg13: memref<!tpu.dma_semaphore, #tpu.memory_space<semaphore_mem>>, %arg14: memref<!tpu.dma_semaphore, #tpu.memory_space<semaphore_mem>>, %arg15: memref<!tpu.dma_semaphore, #tpu.memory_space<semaphore_mem>>, %arg16: memref<!tpu.dma_semaphore, #tpu.memory_space<semaphore_mem>>) attributes {dimension_semantics = [#tpu.dimension_semantics<core_parallel>, #tpu.dimension_semantics<subcore_parallel>], iteration_bounds = array<i64: 2, 16>, scalar_prefetch = 0 : i64, scratch_operands = 10 : i64, tpu.core_type = #tpu.core_type<sc_vector_subcore>, window_params = [{transform_indices = #map}, {transform_indices = #map}, {transform_indices = #map}, {transform_indices = #map}, {transform_indices = #map1}]} {
    %mul3A = arith.constant 2 : i32
    %mul3A_0 = arith.muli %arg1, %mul3A : i32
    %add3A = arith.addi %mul3A_0, %arg0 : i32
    %mul3A_1 = arith.constant 10240 : i32
    %mul3A_2 = arith.muli %add3A, %mul3A_1 : i32
    %lt3A = arith.constant 31 : i32
    %lt3A_3 = arith.cmpi slt, %add3A, %lt3A : i32
    %convert_element_type3A = arith.extui %lt3A_3 : i1 to i32
    %cond3A = arith.constant 0 : i32
    %cond3A_4 = arith.cmpi ne, %convert_element_type3A, %cond3A : i32
    scf.if %cond3A_4 {
      %run_scoped3A = arith.constant 0 : i32
      "tpu.region"() ({
        %run_scoped3A_138 = tpu.sem_alloc : memref<!tpu.dma_semaphore, #tpu.memory_space<semaphore_mem>>
        %dma_start3A_139 = tpu.memref_slice %arg3[%run_scoped3A, %mul3A_2] : memref<2x320000xi32, #tpu.memory_space<hbm>> -> memref<1x10240xi32, #tpu.memory_space<hbm>>
        %dma_start3A_140 = tpu.memref_squeeze %dma_start3A_139 : memref<1x10240xi32, #tpu.memory_space<hbm>> -> memref<10240xi32, #tpu.memory_space<hbm>>
        %dma_start3A_141 = tpu.memref_slice %arg3[%run_scoped3A, %mul3A_2] : memref<2x320000xi32, #tpu.memory_space<hbm>> -> memref<1x10240xi32, #tpu.memory_space<hbm>>
        %dma_start3A_142 = tpu.memref_squeeze %dma_start3A_141 : memref<1x10240xi32, #tpu.memory_space<hbm>> -> memref<10240xi32, #tpu.memory_space<hbm>>
        tpu.enqueue_dma source(%dma_start3A_142 : memref<10240xi32, #tpu.memory_space<hbm>>) target(%arg7 : memref<10240xi32, #tpu.memory_space<vmem>>) target_semaphore(%run_scoped3A_138 : memref<!tpu.dma_semaphore, #tpu.memory_space<semaphore_mem>>)
        %dma_wait3A_143 = tpu.memref_slice %arg3[%run_scoped3A, %mul3A_2] : memref<2x320000xi32, #tpu.memory_space<hbm>> -> memref<1x10240xi32, #tpu.memory_space<hbm>>
        %dma_wait3A_144 = tpu.memref_squeeze %dma_wait3A_143 : memref<1x10240xi32, #tpu.memory_space<hbm>> -> memref<10240xi32, #tpu.memory_space<hbm>>
        %dma_wait3A_145 = tpu.memref_slice %arg3[%run_scoped3A, %mul3A_2] : memref<2x320000xi32, #tpu.memory_space<hbm>> -> memref<1x10240xi32, #tpu.memory_space<hbm>>
        %dma_wait3A_146 = tpu.memref_squeeze %dma_wait3A_145 : memref<1x10240xi32, #tpu.memory_space<hbm>> -> memref<10240xi32, #tpu.memory_space<hbm>>
        tpu.wait_dma2 semaphore(%run_scoped3A_138 : memref<!tpu.dma_semaphore, #tpu.memory_space<semaphore_mem>>) src(%dma_wait3A_146 : memref<10240xi32, #tpu.memory_space<hbm>>) dst(%arg7 : memref<10240xi32, #tpu.memory_space<vmem>>)
        tpu.yield
      }) : () -> ()
    } else {
    }
    %eq3A = arith.constant 31 : i32
    %eq3A_5 = arith.cmpi eq, %add3A, %eq3A : i32
    %convert_element_type3A_6 = arith.extui %eq3A_5 : i1 to i32
    %cond3A_7 = arith.constant 0 : i32
    %cond3A_8 = arith.cmpi ne, %convert_element_type3A_6, %cond3A_7 : i32
    scf.if %cond3A_8 {
      %run_scoped3A = arith.constant 0 : i32
      "tpu.region"() ({
        %run_scoped3A_139 = tpu.sem_alloc : memref<!tpu.dma_semaphore, #tpu.memory_space<semaphore_mem>>
        %dma_start3A_140 = arith.constant 0 : i32
        %dma_start3A_141 = tpu.memref_slice %arg7[%dma_start3A_140] : memref<10240xi32, #tpu.memory_space<vmem>> -> memref<2560xi32, #tpu.memory_space<vmem>>
        %dma_start3A_142 = tpu.memref_slice %arg3[%run_scoped3A, %mul3A_2] : memref<2x320000xi32, #tpu.memory_space<hbm>> -> memref<1x2560xi32, #tpu.memory_space<hbm>>
        %dma_start3A_143 = tpu.memref_squeeze %dma_start3A_142 : memref<1x2560xi32, #tpu.memory_space<hbm>> -> memref<2560xi32, #tpu.memory_space<hbm>>
        %dma_start3A_144 = arith.constant 0 : i32
        %dma_start3A_145 = tpu.memref_slice %arg7[%dma_start3A_144] : memref<10240xi32, #tpu.memory_space<vmem>> -> memref<2560xi32, #tpu.memory_space<vmem>>
        %dma_start3A_146 = tpu.memref_slice %arg3[%run_scoped3A, %mul3A_2] : memref<2x320000xi32, #tpu.memory_space<hbm>> -> memref<1x2560xi32, #tpu.memory_space<hbm>>
        %dma_start3A_147 = tpu.memref_squeeze %dma_start3A_146 : memref<1x2560xi32, #tpu.memory_space<hbm>> -> memref<2560xi32, #tpu.memory_space<hbm>>
        tpu.enqueue_dma source(%dma_start3A_147 : memref<2560xi32, #tpu.memory_space<hbm>>) target(%dma_start3A_145 : memref<2560xi32, #tpu.memory_space<vmem>>) target_semaphore(%run_scoped3A_139 : memref<!tpu.dma_semaphore, #tpu.memory_space<semaphore_mem>>)
        %dma_wait3A_148 = arith.constant 0 : i32
        %dma_wait3A_149 = tpu.memref_slice %arg7[%dma_wait3A_148] : memref<10240xi32, #tpu.memory_space<vmem>> -> memref<2560xi32, #tpu.memory_space<vmem>>
        %dma_wait3A_150 = tpu.memref_slice %arg3[%run_scoped3A, %mul3A_2] : memref<2x320000xi32, #tpu.memory_space<hbm>> -> memref<1x2560xi32, #tpu.memory_space<hbm>>
        %dma_wait3A_151 = tpu.memref_squeeze %dma_wait3A_150 : memref<1x2560xi32, #tpu.memory_space<hbm>> -> memref<2560xi32, #tpu.memory_space<hbm>>
        %dma_wait3A_152 = arith.constant 0 : i32
        %dma_wait3A_153 = tpu.memref_slice %arg7[%dma_wait3A_152] : memref<10240xi32, #tpu.memory_space<vmem>> -> memref<2560xi32, #tpu.memory_space<vmem>>
        %dma_wait3A_154 = tpu.memref_slice %arg3[%run_scoped3A, %mul3A_2] : memref<2x320000xi32, #tpu.memory_space<hbm>> -> memref<1x2560xi32, #tpu.memory_space<hbm>>
        %dma_wait3A_155 = tpu.memref_squeeze %dma_wait3A_154 : memref<1x2560xi32, #tpu.memory_space<hbm>> -> memref<2560xi32, #tpu.memory_space<hbm>>
        tpu.wait_dma2 semaphore(%run_scoped3A_139 : memref<!tpu.dma_semaphore, #tpu.memory_space<semaphore_mem>>) src(%dma_wait3A_155 : memref<2560xi32, #tpu.memory_space<hbm>>) dst(%dma_wait3A_153 : memref<2560xi32, #tpu.memory_space<vmem>>)
        tpu.yield
      }) : () -> ()
      %run_scoped3A_138 = arith.constant 0 : i32
      "tpu.region"() ({
        %run_scoped3A_139 = tpu.sem_alloc : memref<!tpu.dma_semaphore, #tpu.memory_space<semaphore_mem>>
        %dma_start3A_140 = arith.constant 2560 : i32
        %dma_start3A_141 = tpu.memref_slice %arg7[%dma_start3A_140] : memref<10240xi32, #tpu.memory_space<vmem>> -> memref<7680xi32, #tpu.memory_space<vmem>>
        %dma_start3A_142 = arith.constant 0 : i32
        %dma_start3A_143 = tpu.memref_slice %arg4[%run_scoped3A_138, %dma_start3A_142] : memref<2x7680xi32, #tpu.memory_space<hbm>> -> memref<1x7680xi32, #tpu.memory_space<hbm>>
        %dma_start3A_144 = tpu.memref_squeeze %dma_start3A_143 : memref<1x7680xi32, #tpu.memory_space<hbm>> -> memref<7680xi32, #tpu.memory_space<hbm>>
        %dma_start3A_145 = arith.constant 2560 : i32
        %dma_start3A_146 = tpu.memref_slice %arg7[%dma_start3A_145] : memref<10240xi32, #tpu.memory_space<vmem>> -> memref<7680xi32, #tpu.memory_space<vmem>>
        %dma_start3A_147 = arith.constant 0 : i32
        %dma_start3A_148 = tpu.memref_slice %arg4[%run_scoped3A_138, %dma_start3A_147] : memref<2x7680xi32, #tpu.memory_space<hbm>> -> memref<1x7680xi32, #tpu.memory_space<hbm>>
        %dma_start3A_149 = tpu.memref_squeeze %dma_start3A_148 : memref<1x7680xi32, #tpu.memory_space<hbm>> -> memref<7680xi32, #tpu.memory_space<hbm>>
        tpu.enqueue_dma source(%dma_start3A_149 : memref<7680xi32, #tpu.memory_space<hbm>>) target(%dma_start3A_146 : memref<7680xi32, #tpu.memory_space<vmem>>) target_semaphore(%run_scoped3A_139 : memref<!tpu.dma_semaphore, #tpu.memory_space<semaphore_mem>>)
        %dma_wait3A_150 = arith.constant 2560 : i32
        %dma_wait3A_151 = tpu.memref_slice %arg7[%dma_wait3A_150] : memref<10240xi32, #tpu.memory_space<vmem>> -> memref<7680xi32, #tpu.memory_space<vmem>>
        %dma_wait3A_152 = arith.constant 0 : i32
        %dma_wait3A_153 = tpu.memref_slice %arg4[%run_scoped3A_138, %dma_wait3A_152] : memref<2x7680xi32, #tpu.memory_space<hbm>> -> memref<1x7680xi32, #tpu.memory_space<hbm>>
        %dma_wait3A_154 = tpu.memref_squeeze %dma_wait3A_153 : memref<1x7680xi32, #tpu.memory_space<hbm>> -> memref<7680xi32, #tpu.memory_space<hbm>>
        %dma_wait3A_155 = arith.constant 2560 : i32
        %dma_wait3A_156 = tpu.memref_slice %arg7[%dma_wait3A_155] : memref<10240xi32, #tpu.memory_space<vmem>> -> memref<7680xi32, #tpu.memory_space<vmem>>
        %dma_wait3A_157 = arith.constant 0 : i32
        %dma_wait3A_158 = tpu.memref_slice %arg4[%run_scoped3A_138, %dma_wait3A_157] : memref<2x7680xi32, #tpu.memory_space<hbm>> -> memref<1x7680xi32, #tpu.memory_space<hbm>>
        %dma_wait3A_159 = tpu.memref_squeeze %dma_wait3A_158 : memref<1x7680xi32, #tpu.memory_space<hbm>> -> memref<7680xi32, #tpu.memory_space<hbm>>
        tpu.wait_dma2 semaphore(%run_scoped3A_139 : memref<!tpu.dma_semaphore, #tpu.memory_space<semaphore_mem>>) src(%dma_wait3A_159 : memref<7680xi32, #tpu.memory_space<hbm>>) dst(%dma_wait3A_156 : memref<7680xi32, #tpu.memory_space<vmem>>)
        tpu.yield
      }) : () -> ()
    } else {
    }
    %add3A_9 = arith.constant 0 : i32
    %add3A_10 = arith.addi %mul3A_2, %add3A_9 : i32
    %add3A_11 = arith.constant 128 : i32
    %add3A_12 = arith.addi %add3A_10, %add3A_11 : i32
    %le3A = arith.constant 320000 : i32
    %le3A_13 = arith.cmpi sle, %add3A_12, %le3A : i32
    %convert_element_type3A_14 = arith.extui %le3A_13 : i1 to i32
    %cond3A_15 = arith.constant 0 : i32
    %cond3A_16 = arith.cmpi ne, %convert_element_type3A_14, %cond3A_15 : i32
    scf.if %cond3A_16 {
      %dma_start3A_138 = arith.constant 1 : i32
      %dma_start3A_139 = arith.constant 0 : i32
      %dma_start3A_140 = arith.constant 0 : i32
      %dma_start3A_141 = tpu.memref_slice %arg8[%dma_start3A_139, %dma_start3A_140] : memref<4x128xi32, #tpu.memory_space<vmem>> -> memref<1x128xi32, #tpu.memory_space<vmem>>
      %dma_start3A_142 = tpu.memref_squeeze %dma_start3A_141 : memref<1x128xi32, #tpu.memory_space<vmem>> -> memref<128xi32, #tpu.memory_space<vmem>>
      %dma_start3A_143 = tpu.memref_slice %arg3[%dma_start3A_138, %add3A_10] : memref<2x320000xi32, #tpu.memory_space<hbm>> -> memref<1x128xi32, #tpu.memory_space<hbm>>
      %dma_start3A_144 = tpu.memref_squeeze %dma_start3A_143 : memref<1x128xi32, #tpu.memory_space<hbm>> -> memref<128xi32, #tpu.memory_space<hbm>>
      %dma_start3A_145 = arith.constant 0 : i32
      %dma_start3A_146 = tpu.memref_slice %arg8[%dma_start3A_139, %dma_start3A_145] : memref<4x128xi32, #tpu.memory_space<vmem>> -> memref<1x128xi32, #tpu.memory_space<vmem>>
      %dma_start3A_147 = tpu.memref_squeeze %dma_start3A_146 : memref<1x128xi32, #tpu.memory_space<vmem>> -> memref<128xi32, #tpu.memory_space<vmem>>
      %dma_start3A_148 = tpu.memref_slice %arg3[%dma_start3A_138, %add3A_10] : memref<2x320000xi32, #tpu.memory_space<hbm>> -> memref<1x128xi32, #tpu.memory_space<hbm>>
      %dma_start3A_149 = tpu.memref_squeeze %dma_start3A_148 : memref<1x128xi32, #tpu.memory_space<hbm>> -> memref<128xi32, #tpu.memory_space<hbm>>
      tpu.enqueue_dma source(%dma_start3A_149 : memref<128xi32, #tpu.memory_space<hbm>>) target(%dma_start3A_147 : memref<128xi32, #tpu.memory_space<vmem>>) target_semaphore(%arg15 : memref<!tpu.dma_semaphore, #tpu.memory_space<semaphore_mem>>)
    } else {
    }
    %ge3A = arith.constant 320000 : i32
    %ge3A_17 = arith.cmpi sge, %add3A_10, %ge3A : i32
    %convert_element_type3A_18 = arith.extui %ge3A_17 : i1 to i32
    %cond3A_19 = arith.constant 0 : i32
    %cond3A_20 = arith.cmpi ne, %convert_element_type3A_18, %cond3A_19 : i32
    scf.if %cond3A_20 {
      %sub3A = arith.constant 320000 : i32
      %sub3A_138 = arith.subi %add3A_10, %sub3A : i32
      %dma_start3A_139 = arith.constant 1 : i32
      %dma_start3A_140 = arith.constant 0 : i32
      %dma_start3A_141 = arith.constant 0 : i32
      %dma_start3A_142 = tpu.memref_slice %arg8[%dma_start3A_140, %dma_start3A_141] : memref<4x128xi32, #tpu.memory_space<vmem>> -> memref<1x128xi32, #tpu.memory_space<vmem>>
      %dma_start3A_143 = tpu.memref_squeeze %dma_start3A_142 : memref<1x128xi32, #tpu.memory_space<vmem>> -> memref<128xi32, #tpu.memory_space<vmem>>
      %dma_start3A_144 = tpu.memref_slice %arg4[%dma_start3A_139, %sub3A_138] : memref<2x7680xi32, #tpu.memory_space<hbm>> -> memref<1x128xi32, #tpu.memory_space<hbm>>
      %dma_start3A_145 = tpu.memref_squeeze %dma_start3A_144 : memref<1x128xi32, #tpu.memory_space<hbm>> -> memref<128xi32, #tpu.memory_space<hbm>>
      %dma_start3A_146 = arith.constant 0 : i32
      %dma_start3A_147 = tpu.memref_slice %arg8[%dma_start3A_140, %dma_start3A_146] : memref<4x128xi32, #tpu.memory_space<vmem>> -> memref<1x128xi32, #tpu.memory_space<vmem>>
      %dma_start3A_148 = tpu.memref_squeeze %dma_start3A_147 : memref<1x128xi32, #tpu.memory_space<vmem>> -> memref<128xi32, #tpu.memory_space<vmem>>
      %dma_start3A_149 = tpu.memref_slice %arg4[%dma_start3A_139, %sub3A_138] : memref<2x7680xi32, #tpu.memory_space<hbm>> -> memref<1x128xi32, #tpu.memory_space<hbm>>
      %dma_start3A_150 = tpu.memref_squeeze %dma_start3A_149 : memref<1x128xi32, #tpu.memory_space<hbm>> -> memref<128xi32, #tpu.memory_space<hbm>>
      tpu.enqueue_dma source(%dma_start3A_150 : memref<128xi32, #tpu.memory_space<hbm>>) target(%dma_start3A_148 : memref<128xi32, #tpu.memory_space<vmem>>) target_semaphore(%arg15 : memref<!tpu.dma_semaphore, #tpu.memory_space<semaphore_mem>>)
    } else {
    }
    %dma_wait3A = arith.constant 1 : i32
    %dma_wait3A_21 = arith.constant 0 : i32
    %dma_wait3A_22 = arith.constant 0 : i32
    %dma_wait3A_23 = tpu.memref_slice %arg8[%dma_wait3A_21, %dma_wait3A_22] : memref<4x128xi32, #tpu.memory_space<vmem>> -> memref<1x128xi32, #tpu.memory_space<vmem>>
    %dma_wait3A_24 = tpu.memref_squeeze %dma_wait3A_23 : memref<1x128xi32, #tpu.memory_space<vmem>> -> memref<128xi32, #tpu.memory_space<vmem>>
    %dma_wait3A_25 = tpu.memref_slice %arg3[%dma_wait3A, %mul3A_2] : memref<2x320000xi32, #tpu.memory_space<hbm>> -> memref<1x128xi32, #tpu.memory_space<hbm>>
    %dma_wait3A_26 = tpu.memref_squeeze %dma_wait3A_25 : memref<1x128xi32, #tpu.memory_space<hbm>> -> memref<128xi32, #tpu.memory_space<hbm>>
    %dma_wait3A_27 = arith.constant 0 : i32
    %dma_wait3A_28 = tpu.memref_slice %arg8[%dma_wait3A_21, %dma_wait3A_27] : memref<4x128xi32, #tpu.memory_space<vmem>> -> memref<1x128xi32, #tpu.memory_space<vmem>>
    %dma_wait3A_29 = tpu.memref_squeeze %dma_wait3A_28 : memref<1x128xi32, #tpu.memory_space<vmem>> -> memref<128xi32, #tpu.memory_space<vmem>>
    %dma_wait3A_30 = tpu.memref_slice %arg3[%dma_wait3A, %mul3A_2] : memref<2x320000xi32, #tpu.memory_space<hbm>> -> memref<1x128xi32, #tpu.memory_space<hbm>>
    %dma_wait3A_31 = tpu.memref_squeeze %dma_wait3A_30 : memref<1x128xi32, #tpu.memory_space<hbm>> -> memref<128xi32, #tpu.memory_space<hbm>>
    tpu.wait_dma2 semaphore(%arg15 : memref<!tpu.dma_semaphore, #tpu.memory_space<semaphore_mem>>) src(%dma_wait3A_31 : memref<128xi32, #tpu.memory_space<hbm>>) dst(%dma_wait3A_29 : memref<128xi32, #tpu.memory_space<vmem>>)
    %dma_start3A = arith.constant 0 : i32
    %dma_start3A_32 = arith.constant 0 : i32
    %dma_start3A_33 = tpu.memref_slice %arg9[%dma_start3A, %dma_start3A_32] : memref<128x128xf32, #tpu.memory_space<vmem>> -> memref<64x128xf32, #tpu.memory_space<vmem>>
    %dma_start3A_34 = arith.constant 0 : i32
    %dma_start3A_35 = tpu.memref_slice %arg7[%dma_start3A_34] : memref<10240xi32, #tpu.memory_space<vmem>> -> memref<64xi32, #tpu.memory_space<vmem>>
    %dma_start3A_36 = arith.constant 0 : i32
    %dma_start3A_37 = arith.constant 0 : i32
    %dma_start3A_38 = tpu.memref_slice %arg2[%dma_start3A_36, %dma_start3A_37] : memref<10000x128xf32, #tpu.memory_space<hbm>> -> memref<10000x128xf32, #tpu.memory_space<hbm>>
    tpu.enqueue_indirect_dma source(%dma_start3A_38 : memref<10000x128xf32, #tpu.memory_space<hbm>>) target(%dma_start3A_33 : memref<64x128xf32, #tpu.memory_space<vmem>>) offsets(%dma_start3A_35 : memref<64xi32, #tpu.memory_space<vmem>>) semaphore(%arg12 : memref<!tpu.dma_semaphore, #tpu.memory_space<semaphore_mem>>)
    %dma_start3A_39 = arith.constant 64 : i32
    %dma_start3A_40 = arith.constant 0 : i32
    %dma_start3A_41 = tpu.memref_slice %arg9[%dma_start3A_39, %dma_start3A_40] : memref<128x128xf32, #tpu.memory_space<vmem>> -> memref<64x128xf32, #tpu.memory_space<vmem>>
    %dma_start3A_42 = arith.constant 64 : i32
    %dma_start3A_43 = tpu.memref_slice %arg7[%dma_start3A_42] : memref<10240xi32, #tpu.memory_space<vmem>> -> memref<64xi32, #tpu.memory_space<vmem>>
    %dma_start3A_44 = arith.constant 0 : i32
    %dma_start3A_45 = arith.constant 0 : i32
    %dma_start3A_46 = tpu.memref_slice %arg2[%dma_start3A_44, %dma_start3A_45] : memref<10000x128xf32, #tpu.memory_space<hbm>> -> memref<10000x128xf32, #tpu.memory_space<hbm>>
    tpu.enqueue_indirect_dma source(%dma_start3A_46 : memref<10000x128xf32, #tpu.memory_space<hbm>>) target(%dma_start3A_41 : memref<64x128xf32, #tpu.memory_space<vmem>>) offsets(%dma_start3A_43 : memref<64xi32, #tpu.memory_space<vmem>>) semaphore(%arg12 : memref<!tpu.dma_semaphore, #tpu.memory_space<semaphore_mem>>)
    %add3A_47 = arith.constant 128 : i32
    %add3A_48 = arith.addi %mul3A_2, %add3A_47 : i32
    %add3A_49 = arith.constant 128 : i32
    %add3A_50 = arith.addi %add3A_48, %add3A_49 : i32
    %le3A_51 = arith.constant 320000 : i32
    %le3A_52 = arith.cmpi sle, %add3A_50, %le3A_51 : i32
    %convert_element_type3A_53 = arith.extui %le3A_52 : i1 to i32
    %cond3A_54 = arith.constant 0 : i32
    %cond3A_55 = arith.cmpi ne, %convert_element_type3A_53, %cond3A_54 : i32
    scf.if %cond3A_55 {
      %dma_start3A_138 = arith.constant 1 : i32
      %dma_start3A_139 = arith.constant 1 : i32
      %dma_start3A_140 = arith.constant 0 : i32
      %dma_start3A_141 = tpu.memref_slice %arg8[%dma_start3A_139, %dma_start3A_140] : memref<4x128xi32, #tpu.memory_space<vmem>> -> memref<1x128xi32, #tpu.memory_space<vmem>>
      %dma_start3A_142 = tpu.memref_squeeze %dma_start3A_141 : memref<1x128xi32, #tpu.memory_space<vmem>> -> memref<128xi32, #tpu.memory_space<vmem>>
      %dma_start3A_143 = tpu.memref_slice %arg3[%dma_start3A_138, %add3A_48] : memref<2x320000xi32, #tpu.memory_space<hbm>> -> memref<1x128xi32, #tpu.memory_space<hbm>>
      %dma_start3A_144 = tpu.memref_squeeze %dma_start3A_143 : memref<1x128xi32, #tpu.memory_space<hbm>> -> memref<128xi32, #tpu.memory_space<hbm>>
      %dma_start3A_145 = arith.constant 0 : i32
      %dma_start3A_146 = tpu.memref_slice %arg8[%dma_start3A_139, %dma_start3A_145] : memref<4x128xi32, #tpu.memory_space<vmem>> -> memref<1x128xi32, #tpu.memory_space<vmem>>
      %dma_start3A_147 = tpu.memref_squeeze %dma_start3A_146 : memref<1x128xi32, #tpu.memory_space<vmem>> -> memref<128xi32, #tpu.memory_space<vmem>>
      %dma_start3A_148 = tpu.memref_slice %arg3[%dma_start3A_138, %add3A_48] : memref<2x320000xi32, #tpu.memory_space<hbm>> -> memref<1x128xi32, #tpu.memory_space<hbm>>
      %dma_start3A_149 = tpu.memref_squeeze %dma_start3A_148 : memref<1x128xi32, #tpu.memory_space<hbm>> -> memref<128xi32, #tpu.memory_space<hbm>>
      tpu.enqueue_dma source(%dma_start3A_149 : memref<128xi32, #tpu.memory_space<hbm>>) target(%dma_start3A_147 : memref<128xi32, #tpu.memory_space<vmem>>) target_semaphore(%arg16 : memref<!tpu.dma_semaphore, #tpu.memory_space<semaphore_mem>>)
    } else {
    }
    %ge3A_56 = arith.constant 320000 : i32
    %ge3A_57 = arith.cmpi sge, %add3A_48, %ge3A_56 : i32
    %convert_element_type3A_58 = arith.extui %ge3A_57 : i1 to i32
    %cond3A_59 = arith.constant 0 : i32
    %cond3A_60 = arith.cmpi ne, %convert_element_type3A_58, %cond3A_59 : i32
    scf.if %cond3A_60 {
      %sub3A = arith.constant 320000 : i32
      %sub3A_138 = arith.subi %add3A_48, %sub3A : i32
      %dma_start3A_139 = arith.constant 1 : i32
      %dma_start3A_140 = arith.constant 1 : i32
      %dma_start3A_141 = arith.constant 0 : i32
      %dma_start3A_142 = tpu.memref_slice %arg8[%dma_start3A_140, %dma_start3A_141] : memref<4x128xi32, #tpu.memory_space<vmem>> -> memref<1x128xi32, #tpu.memory_space<vmem>>
      %dma_start3A_143 = tpu.memref_squeeze %dma_start3A_142 : memref<1x128xi32, #tpu.memory_space<vmem>> -> memref<128xi32, #tpu.memory_space<vmem>>
      %dma_start3A_144 = tpu.memref_slice %arg4[%dma_start3A_139, %sub3A_138] : memref<2x7680xi32, #tpu.memory_space<hbm>> -> memref<1x128xi32, #tpu.memory_space<hbm>>
      %dma_start3A_145 = tpu.memref_squeeze %dma_start3A_144 : memref<1x128xi32, #tpu.memory_space<hbm>> -> memref<128xi32, #tpu.memory_space<hbm>>
      %dma_start3A_146 = arith.constant 0 : i32
      %dma_start3A_147 = tpu.memref_slice %arg8[%dma_start3A_140, %dma_start3A_146] : memref<4x128xi32, #tpu.memory_space<vmem>> -> memref<1x128xi32, #tpu.memory_space<vmem>>
      %dma_start3A_148 = tpu.memref_squeeze %dma_start3A_147 : memref<1x128xi32, #tpu.memory_space<vmem>> -> memref<128xi32, #tpu.memory_space<vmem>>
      %dma_start3A_149 = tpu.memref_slice %arg4[%dma_start3A_139, %sub3A_138] : memref<2x7680xi32, #tpu.memory_space<hbm>> -> memref<1x128xi32, #tpu.memory_space<hbm>>
      %dma_start3A_150 = tpu.memref_squeeze %dma_start3A_149 : memref<1x128xi32, #tpu.memory_space<hbm>> -> memref<128xi32, #tpu.memory_space<hbm>>
      tpu.enqueue_dma source(%dma_start3A_150 : memref<128xi32, #tpu.memory_space<hbm>>) target(%dma_start3A_148 : memref<128xi32, #tpu.memory_space<vmem>>) target_semaphore(%arg16 : memref<!tpu.dma_semaphore, #tpu.memory_space<semaphore_mem>>)
    } else {
    }
    %mul3A_61 = arith.constant 640 : i32
    %mul3A_62 = arith.muli %arg1, %mul3A_61 : i32
    %add3A_63 = arith.constant 0 : i32
    %add3A_64 = arith.addi %mul3A_62, %add3A_63 : i32
    %dma_start3A_65 = arith.constant 0 : i32
    %dma_start3A_66 = tpu.memref_slice %arg11[%add3A_64, %dma_start3A_65] : memref<10240x128xf32, #tpu.memory_space<vmem_shared>> -> memref<128x128xf32, #tpu.memory_space<vmem_shared>>
    tpu.enqueue_dma source(%arg5 : memref<128x128xf32, #tpu.memory_space<hbm>>) target(%dma_start3A_66 : memref<128x128xf32, #tpu.memory_space<vmem_shared>>) target_semaphore(%arg14 : memref<!tpu.dma_semaphore, #tpu.memory_space<semaphore_mem>>)
    %mul3A_67 = arith.constant 640 : i32
    %mul3A_68 = arith.muli %arg1, %mul3A_67 : i32
    %add3A_69 = arith.constant 128 : i32
    %add3A_70 = arith.addi %mul3A_68, %add3A_69 : i32
    %dma_start3A_71 = arith.constant 0 : i32
    %dma_start3A_72 = tpu.memref_slice %arg11[%add3A_70, %dma_start3A_71] : memref<10240x128xf32, #tpu.memory_space<vmem_shared>> -> memref<128x128xf32, #tpu.memory_space<vmem_shared>>
    tpu.enqueue_dma source(%arg5 : memref<128x128xf32, #tpu.memory_space<hbm>>) target(%dma_start3A_72 : memref<128x128xf32, #tpu.memory_space<vmem_shared>>) target_semaphore(%arg14 : memref<!tpu.dma_semaphore, #tpu.memory_space<semaphore_mem>>)
    %mul3A_73 = arith.constant 640 : i32
    %mul3A_74 = arith.muli %arg1, %mul3A_73 : i32
    %add3A_75 = arith.constant 256 : i32
    %add3A_76 = arith.addi %mul3A_74, %add3A_75 : i32
    %dma_start3A_77 = arith.constant 0 : i32
    %dma_start3A_78 = tpu.memref_slice %arg11[%add3A_76, %dma_start3A_77] : memref<10240x128xf32, #tpu.memory_space<vmem_shared>> -> memref<128x128xf32, #tpu.memory_space<vmem_shared>>
    tpu.enqueue_dma source(%arg5 : memref<128x128xf32, #tpu.memory_space<hbm>>) target(%dma_start3A_78 : memref<128x128xf32, #tpu.memory_space<vmem_shared>>) target_semaphore(%arg14 : memref<!tpu.dma_semaphore, #tpu.memory_space<semaphore_mem>>)
    %mul3A_79 = arith.constant 640 : i32
    %mul3A_80 = arith.muli %arg1, %mul3A_79 : i32
    %add3A_81 = arith.constant 384 : i32
    %add3A_82 = arith.addi %mul3A_80, %add3A_81 : i32
    %dma_start3A_83 = arith.constant 0 : i32
    %dma_start3A_84 = tpu.memref_slice %arg11[%add3A_82, %dma_start3A_83] : memref<10240x128xf32, #tpu.memory_space<vmem_shared>> -> memref<128x128xf32, #tpu.memory_space<vmem_shared>>
    tpu.enqueue_dma source(%arg5 : memref<128x128xf32, #tpu.memory_space<hbm>>) target(%dma_start3A_84 : memref<128x128xf32, #tpu.memory_space<vmem_shared>>) target_semaphore(%arg14 : memref<!tpu.dma_semaphore, #tpu.memory_space<semaphore_mem>>)
    %mul3A_85 = arith.constant 640 : i32
    %mul3A_86 = arith.muli %arg1, %mul3A_85 : i32
    %add3A_87 = arith.constant 512 : i32
    %add3A_88 = arith.addi %mul3A_86, %add3A_87 : i32
    %dma_start3A_89 = arith.constant 0 : i32
    %dma_start3A_90 = tpu.memref_slice %arg11[%add3A_88, %dma_start3A_89] : memref<10240x128xf32, #tpu.memory_space<vmem_shared>> -> memref<128x128xf32, #tpu.memory_space<vmem_shared>>
    tpu.enqueue_dma source(%arg5 : memref<128x128xf32, #tpu.memory_space<hbm>>) target(%dma_start3A_90 : memref<128x128xf32, #tpu.memory_space<vmem_shared>>) target_semaphore(%arg14 : memref<!tpu.dma_semaphore, #tpu.memory_space<semaphore_mem>>)
    %mul3A_91 = arith.constant 640 : i32
    %mul3A_92 = arith.muli %arg1, %mul3A_91 : i32
    %add3A_93 = arith.constant 0 : i32
    %add3A_94 = arith.addi %mul3A_92, %add3A_93 : i32
    %dma_wait3A_95 = arith.constant 0 : i32
    %dma_wait3A_96 = tpu.memref_slice %arg11[%add3A_94, %dma_wait3A_95] : memref<10240x128xf32, #tpu.memory_space<vmem_shared>> -> memref<128x128xf32, #tpu.memory_space<vmem_shared>>
    tpu.wait_dma2 semaphore(%arg14 : memref<!tpu.dma_semaphore, #tpu.memory_space<semaphore_mem>>) src(%arg5 : memref<128x128xf32, #tpu.memory_space<hbm>>) dst(%dma_wait3A_96 : memref<128x128xf32, #tpu.memory_space<vmem_shared>>)
    %mul3A_97 = arith.constant 640 : i32
    %mul3A_98 = arith.muli %arg1, %mul3A_97 : i32
    %add3A_99 = arith.constant 128 : i32
    %add3A_100 = arith.addi %mul3A_98, %add3A_99 : i32
    %dma_wait3A_101 = arith.constant 0 : i32
    %dma_wait3A_102 = tpu.memref_slice %arg11[%add3A_100, %dma_wait3A_101] : memref<10240x128xf32, #tpu.memory_space<vmem_shared>> -> memref<128x128xf32, #tpu.memory_space<vmem_shared>>
    tpu.wait_dma2 semaphore(%arg14 : memref<!tpu.dma_semaphore, #tpu.memory_space<semaphore_mem>>) src(%arg5 : memref<128x128xf32, #tpu.memory_space<hbm>>) dst(%dma_wait3A_102 : memref<128x128xf32, #tpu.memory_space<vmem_shared>>)
    %mul3A_103 = arith.constant 640 : i32
    %mul3A_104 = arith.muli %arg1, %mul3A_103 : i32
    %add3A_105 = arith.constant 256 : i32
    %add3A_106 = arith.addi %mul3A_104, %add3A_105 : i32
    %dma_wait3A_107 = arith.constant 0 : i32
    %dma_wait3A_108 = tpu.memref_slice %arg11[%add3A_106, %dma_wait3A_107] : memref<10240x128xf32, #tpu.memory_space<vmem_shared>> -> memref<128x128xf32, #tpu.memory_space<vmem_shared>>
    tpu.wait_dma2 semaphore(%arg14 : memref<!tpu.dma_semaphore, #tpu.memory_space<semaphore_mem>>) src(%arg5 : memref<128x128xf32, #tpu.memory_space<hbm>>) dst(%dma_wait3A_108 : memref<128x128xf32, #tpu.memory_space<vmem_shared>>)
    %mul3A_109 = arith.constant 640 : i32
    %mul3A_110 = arith.muli %arg1, %mul3A_109 : i32
    %add3A_111 = arith.constant 384 : i32
    %add3A_112 = arith.addi %mul3A_110, %add3A_111 : i32
    %dma_wait3A_113 = arith.constant 0 : i32
    %dma_wait3A_114 = tpu.memref_slice %arg11[%add3A_112, %dma_wait3A_113] : memref<10240x128xf32, #tpu.memory_space<vmem_shared>> -> memref<128x128xf32, #tpu.memory_space<vmem_shared>>
    tpu.wait_dma2 semaphore(%arg14 : memref<!tpu.dma_semaphore, #tpu.memory_space<semaphore_mem>>) src(%arg5 : memref<128x128xf32, #tpu.memory_space<hbm>>) dst(%dma_wait3A_114 : memref<128x128xf32, #tpu.memory_space<vmem_shared>>)
    %mul3A_115 = arith.constant 640 : i32
    %mul3A_116 = arith.muli %arg1, %mul3A_115 : i32
    %add3A_117 = arith.constant 512 : i32
    %add3A_118 = arith.addi %mul3A_116, %add3A_117 : i32
    %dma_wait3A_119 = arith.constant 0 : i32
    %dma_wait3A_120 = tpu.memref_slice %arg11[%add3A_118, %dma_wait3A_119] : memref<10240x128xf32, #tpu.memory_space<vmem_shared>> -> memref<128x128xf32, #tpu.memory_space<vmem_shared>>
    tpu.wait_dma2 semaphore(%arg14 : memref<!tpu.dma_semaphore, #tpu.memory_space<semaphore_mem>>) src(%arg5 : memref<128x128xf32, #tpu.memory_space<hbm>>) dst(%dma_wait3A_120 : memref<128x128xf32, #tpu.memory_space<vmem_shared>>)
    %barrier3A = arith.constant 0 : index
    tpu.barrier barrier_id(%barrier3A)
    %scan3A = arith.constant 0 : i32
    %scan3A_121 = arith.constant 0 : i32
    %scan3A_122 = arith.constant 20 : i32
    %scan3A_123 = arith.addi %scan3A_121, %scan3A_122 : i32
    %scan3A_124 = arith.constant 1 : i32
    scf.for %scan3A_138 = %scan3A_121 to %scan3A_123 step %scan3A_124  : i32 {
      %mul3A_139 = arith.constant 4 : i32
      %mul3A_140 = arith.muli %mul3A_139, %scan3A_138 : i32
      %add3A_141 = arith.constant 0 : i32
      %add3A_142 = arith.addi %mul3A_140, %add3A_141 : i32
      %ge3A_143 = arith.constant 1 : i32
      %ge3A_144 = arith.cmpi sge, %add3A_142, %ge3A_143 : i32
      %convert_element_type3A_145 = arith.extui %ge3A_144 : i1 to i32
      %cond3A_146 = arith.constant 0 : i32
      %cond3A_147 = arith.cmpi ne, %convert_element_type3A_145, %cond3A_146 : i32
      scf.if %cond3A_147 {
        %dma_wait3A_359 = arith.constant 3 : i32
        %dma_wait3A_360 = arith.constant 0 : i32
        %dma_wait3A_361 = tpu.memref_slice %arg8[%dma_wait3A_359, %dma_wait3A_360] : memref<4x128xi32, #tpu.memory_space<vmem>> -> memref<1x128xi32, #tpu.memory_space<vmem>>
        %dma_wait3A_362 = tpu.memref_squeeze %dma_wait3A_361 : memref<1x128xi32, #tpu.memory_space<vmem>> -> memref<128xi32, #tpu.memory_space<vmem>>
        %dma_wait3A_363 = arith.constant 0 : i32
        %dma_wait3A_364 = arith.constant 0 : i32
        %dma_wait3A_365 = tpu.memref_slice %arg11[%dma_wait3A_363, %dma_wait3A_364] : memref<10240x128xf32, #tpu.memory_space<vmem_shared>> -> memref<10240x128xf32, #tpu.memory_space<vmem_shared>>
        tpu.wait_indirect_dma semaphore(%arg14 : memref<!tpu.dma_semaphore, #tpu.memory_space<semaphore_mem>>) src(%arg10 : memref<128x128xf32, #tpu.memory_space<vmem>>) dst(%dma_wait3A_365 : memref<10240x128xf32, #tpu.memory_space<vmem_shared>>)
      } else {
      }
      %add3A_148 = arith.constant 1 : i32
      %add3A_149 = arith.addi %add3A_142, %add3A_148 : i32
      %lt3A_150 = arith.constant 80 : i32
      %lt3A_151 = arith.cmpi slt, %add3A_149, %lt3A_150 : i32
      %convert_element_type3A_152 = arith.extui %lt3A_151 : i1 to i32
      %cond3A_153 = arith.constant 0 : i32
      %cond3A_154 = arith.cmpi ne, %convert_element_type3A_152, %cond3A_153 : i32
      scf.if %cond3A_154 {
        %add3A_359 = arith.constant 1 : i32
        %add3A_360 = arith.addi %add3A_142, %add3A_359 : i32
        %mul3A_361 = arith.constant 128 : i32
        %mul3A_362 = arith.muli %add3A_360, %mul3A_361 : i32
        %dma_start3A_363 = arith.constant 0 : i32
        %dma_start3A_364 = arith.constant 0 : i32
        %dma_start3A_365 = tpu.memref_slice %arg10[%dma_start3A_363, %dma_start3A_364] : memref<128x128xf32, #tpu.memory_space<vmem>> -> memref<64x128xf32, #tpu.memory_space<vmem>>
        %dma_start3A_366 = tpu.memref_slice %arg7[%mul3A_362] : memref<10240xi32, #tpu.memory_space<vmem>> -> memref<64xi32, #tpu.memory_space<vmem>>
        %dma_start3A_367 = arith.constant 0 : i32
        %dma_start3A_368 = arith.constant 0 : i32
        %dma_start3A_369 = tpu.memref_slice %arg2[%dma_start3A_367, %dma_start3A_368] : memref<10000x128xf32, #tpu.memory_space<hbm>> -> memref<10000x128xf32, #tpu.memory_space<hbm>>
        tpu.enqueue_indirect_dma source(%dma_start3A_369 : memref<10000x128xf32, #tpu.memory_space<hbm>>) target(%dma_start3A_365 : memref<64x128xf32, #tpu.memory_space<vmem>>) offsets(%dma_start3A_366 : memref<64xi32, #tpu.memory_space<vmem>>) semaphore(%arg13 : memref<!tpu.dma_semaphore, #tpu.memory_space<semaphore_mem>>)
        %mul3A_370 = arith.constant 128 : i32
        %mul3A_371 = arith.muli %add3A_360, %mul3A_370 : i32
        %add3A_372 = arith.constant 64 : i32
        %add3A_373 = arith.addi %mul3A_371, %add3A_372 : i32
        %dma_start3A_374 = arith.constant 64 : i32
        %dma_start3A_375 = arith.constant 0 : i32
        %dma_start3A_376 = tpu.memref_slice %arg10[%dma_start3A_374, %dma_start3A_375] : memref<128x128xf32, #tpu.memory_space<vmem>> -> memref<64x128xf32, #tpu.memory_space<vmem>>
        %dma_start3A_377 = tpu.memref_slice %arg7[%add3A_373] : memref<10240xi32, #tpu.memory_space<vmem>> -> memref<64xi32, #tpu.memory_space<vmem>>
        %dma_start3A_378 = arith.constant 0 : i32
        %dma_start3A_379 = arith.constant 0 : i32
        %dma_start3A_380 = tpu.memref_slice %arg2[%dma_start3A_378, %dma_start3A_379] : memref<10000x128xf32, #tpu.memory_space<hbm>> -> memref<10000x128xf32, #tpu.memory_space<hbm>>
        tpu.enqueue_indirect_dma source(%dma_start3A_380 : memref<10000x128xf32, #tpu.memory_space<hbm>>) target(%dma_start3A_376 : memref<64x128xf32, #tpu.memory_space<vmem>>) offsets(%dma_start3A_377 : memref<64xi32, #tpu.memory_space<vmem>>) semaphore(%arg13 : memref<!tpu.dma_semaphore, #tpu.memory_space<semaphore_mem>>)
      } else {
      }
      %mul3A_155 = arith.constant 128 : i32
      %mul3A_156 = arith.muli %add3A_142, %mul3A_155 : i32
      %dma_wait3A_157 = arith.constant 0 : i32
      %dma_wait3A_158 = arith.constant 0 : i32
      %dma_wait3A_159 = tpu.memref_slice %arg9[%dma_wait3A_157, %dma_wait3A_158] : memref<128x128xf32, #tpu.memory_space<vmem>> -> memref<64x128xf32, #tpu.memory_space<vmem>>
      %dma_wait3A_160 = tpu.memref_slice %arg7[%mul3A_156] : memref<10240xi32, #tpu.memory_space<vmem>> -> memref<64xi32, #tpu.memory_space<vmem>>
      %dma_wait3A_161 = arith.constant 0 : i32
      %dma_wait3A_162 = arith.constant 0 : i32
      %dma_wait3A_163 = tpu.memref_slice %arg2[%dma_wait3A_161, %dma_wait3A_162] : memref<10000x128xf32, #tpu.memory_space<hbm>> -> memref<10000x128xf32, #tpu.memory_space<hbm>>
      tpu.wait_indirect_dma semaphore(%arg12 : memref<!tpu.dma_semaphore, #tpu.memory_space<semaphore_mem>>) src(%dma_wait3A_163 : memref<10000x128xf32, #tpu.memory_space<hbm>>) dst(%dma_wait3A_159 : memref<64x128xf32, #tpu.memory_space<vmem>>)
      %mul3A_164 = arith.constant 128 : i32
      %mul3A_165 = arith.muli %add3A_142, %mul3A_164 : i32
      %add3A_166 = arith.constant 64 : i32
      %add3A_167 = arith.addi %mul3A_165, %add3A_166 : i32
      %dma_wait3A_168 = arith.constant 64 : i32
      %dma_wait3A_169 = arith.constant 0 : i32
      %dma_wait3A_170 = tpu.memref_slice %arg9[%dma_wait3A_168, %dma_wait3A_169] : memref<128x128xf32, #tpu.memory_space<vmem>> -> memref<64x128xf32, #tpu.memory_space<vmem>>
      %dma_wait3A_171 = tpu.memref_slice %arg7[%add3A_167] : memref<10240xi32, #tpu.memory_space<vmem>> -> memref<64xi32, #tpu.memory_space<vmem>>
      %dma_wait3A_172 = arith.constant 0 : i32
      %dma_wait3A_173 = arith.constant 0 : i32
      %dma_wait3A_174 = tpu.memref_slice %arg2[%dma_wait3A_172, %dma_wait3A_173] : memref<10000x128xf32, #tpu.memory_space<hbm>> -> memref<10000x128xf32, #tpu.memory_space<hbm>>
      tpu.wait_indirect_dma semaphore(%arg12 : memref<!tpu.dma_semaphore, #tpu.memory_space<semaphore_mem>>) src(%dma_wait3A_174 : memref<10000x128xf32, #tpu.memory_space<hbm>>) dst(%dma_wait3A_170 : memref<64x128xf32, #tpu.memory_space<vmem>>)
      %ge3A_175 = arith.constant 1 : i32
      %ge3A_176 = arith.cmpi sge, %add3A_142, %ge3A_175 : i32
      %convert_element_type3A_177 = arith.extui %ge3A_176 : i1 to i32
      %cond3A_178 = arith.constant 0 : i32
      %cond3A_179 = arith.cmpi ne, %convert_element_type3A_177, %cond3A_178 : i32
      scf.if %cond3A_179 {
        %mul3A_359 = arith.constant 128 : i32
        %mul3A_360 = arith.muli %add3A_142, %mul3A_359 : i32
        %add3A_361 = arith.addi %mul3A_2, %mul3A_360 : i32
        %dma_wait3A_362 = arith.constant 1 : i32
        %dma_wait3A_363 = arith.constant 0 : i32
        %dma_wait3A_364 = arith.constant 0 : i32
        %dma_wait3A_365 = tpu.memref_slice %arg8[%dma_wait3A_363, %dma_wait3A_364] : memref<4x128xi32, #tpu.memory_space<vmem>> -> memref<1x128xi32, #tpu.memory_space<vmem>>
        %dma_wait3A_366 = tpu.memref_squeeze %dma_wait3A_365 : memref<1x128xi32, #tpu.memory_space<vmem>> -> memref<128xi32, #tpu.memory_space<vmem>>
        %dma_wait3A_367 = tpu.memref_slice %arg3[%dma_wait3A_362, %add3A_361] : memref<2x320000xi32, #tpu.memory_space<hbm>> -> memref<1x128xi32, #tpu.memory_space<hbm>>
        %dma_wait3A_368 = tpu.memref_squeeze %dma_wait3A_367 : memref<1x128xi32, #tpu.memory_space<hbm>> -> memref<128xi32, #tpu.memory_space<hbm>>
        %dma_wait3A_369 = arith.constant 0 : i32
        %dma_wait3A_370 = tpu.memref_slice %arg8[%dma_wait3A_363, %dma_wait3A_369] : memref<4x128xi32, #tpu.memory_space<vmem>> -> memref<1x128xi32, #tpu.memory_space<vmem>>
        %dma_wait3A_371 = tpu.memref_squeeze %dma_wait3A_370 : memref<1x128xi32, #tpu.memory_space<vmem>> -> memref<128xi32, #tpu.memory_space<vmem>>
        %dma_wait3A_372 = tpu.memref_slice %arg3[%dma_wait3A_362, %add3A_361] : memref<2x320000xi32, #tpu.memory_space<hbm>> -> memref<1x128xi32, #tpu.memory_space<hbm>>
        %dma_wait3A_373 = tpu.memref_squeeze %dma_wait3A_372 : memref<1x128xi32, #tpu.memory_space<hbm>> -> memref<128xi32, #tpu.memory_space<hbm>>
        tpu.wait_dma2 semaphore(%arg15 : memref<!tpu.dma_semaphore, #tpu.memory_space<semaphore_mem>>) src(%dma_wait3A_373 : memref<128xi32, #tpu.memory_space<hbm>>) dst(%dma_wait3A_371 : memref<128xi32, #tpu.memory_space<vmem>>)
      } else {
      }
      %dma_start3A_180 = arith.constant 0 : i32
      %dma_start3A_181 = arith.constant 0 : i32
      %dma_start3A_182 = tpu.memref_slice %arg8[%dma_start3A_180, %dma_start3A_181] : memref<4x128xi32, #tpu.memory_space<vmem>> -> memref<1x128xi32, #tpu.memory_space<vmem>>
      %dma_start3A_183 = tpu.memref_squeeze %dma_start3A_182 : memref<1x128xi32, #tpu.memory_space<vmem>> -> memref<128xi32, #tpu.memory_space<vmem>>
      %dma_start3A_184 = arith.constant 0 : i32
      %dma_start3A_185 = arith.constant 0 : i32
      %dma_start3A_186 = tpu.memref_slice %arg11[%dma_start3A_184, %dma_start3A_185] : memref<10240x128xf32, #tpu.memory_space<vmem_shared>> -> memref<10240x128xf32, #tpu.memory_space<vmem_shared>>
      tpu.enqueue_indirect_dma source(%arg9 : memref<128x128xf32, #tpu.memory_space<vmem>>) target(%dma_start3A_186 : memref<10240x128xf32, #tpu.memory_space<vmem_shared>>) offsets(%dma_start3A_183 : memref<128xi32, #tpu.memory_space<vmem>>) semaphore(%arg14 : memref<!tpu.dma_semaphore, #tpu.memory_space<semaphore_mem>>) {add = true}
      %add3A_187 = arith.constant 2 : i32
      %add3A_188 = arith.addi %add3A_142, %add3A_187 : i32
      %lt3A_189 = arith.constant 80 : i32
      %lt3A_190 = arith.cmpi slt, %add3A_188, %lt3A_189 : i32
      %convert_element_type3A_191 = arith.extui %lt3A_190 : i1 to i32
      %cond3A_192 = arith.constant 0 : i32
      %cond3A_193 = arith.cmpi ne, %convert_element_type3A_191, %cond3A_192 : i32
      scf.if %cond3A_193 {
        %add3A_359 = arith.constant 2 : i32
        %add3A_360 = arith.addi %add3A_142, %add3A_359 : i32
        %mul3A_361 = arith.constant 128 : i32
        %mul3A_362 = arith.muli %add3A_360, %mul3A_361 : i32
        %add3A_363 = arith.addi %mul3A_2, %mul3A_362 : i32
        %add3A_364 = arith.constant 128 : i32
        %add3A_365 = arith.addi %add3A_363, %add3A_364 : i32
        %le3A_366 = arith.constant 320000 : i32
        %le3A_367 = arith.cmpi sle, %add3A_365, %le3A_366 : i32
        %convert_element_type3A_368 = arith.extui %le3A_367 : i1 to i32
        %cond3A_369 = arith.constant 0 : i32
        %cond3A_370 = arith.cmpi ne, %convert_element_type3A_368, %cond3A_369 : i32
        scf.if %cond3A_370 {
          %dma_start3A_376 = arith.constant 1 : i32
          %dma_start3A_377 = arith.constant 2 : i32
          %dma_start3A_378 = arith.constant 0 : i32
          %dma_start3A_379 = tpu.memref_slice %arg8[%dma_start3A_377, %dma_start3A_378] : memref<4x128xi32, #tpu.memory_space<vmem>> -> memref<1x128xi32, #tpu.memory_space<vmem>>
          %dma_start3A_380 = tpu.memref_squeeze %dma_start3A_379 : memref<1x128xi32, #tpu.memory_space<vmem>> -> memref<128xi32, #tpu.memory_space<vmem>>
          %dma_start3A_381 = tpu.memref_slice %arg3[%dma_start3A_376, %add3A_363] : memref<2x320000xi32, #tpu.memory_space<hbm>> -> memref<1x128xi32, #tpu.memory_space<hbm>>
          %dma_start3A_382 = tpu.memref_squeeze %dma_start3A_381 : memref<1x128xi32, #tpu.memory_space<hbm>> -> memref<128xi32, #tpu.memory_space<hbm>>
          %dma_start3A_383 = arith.constant 0 : i32
          %dma_start3A_384 = tpu.memref_slice %arg8[%dma_start3A_377, %dma_start3A_383] : memref<4x128xi32, #tpu.memory_space<vmem>> -> memref<1x128xi32, #tpu.memory_space<vmem>>
          %dma_start3A_385 = tpu.memref_squeeze %dma_start3A_384 : memref<1x128xi32, #tpu.memory_space<vmem>> -> memref<128xi32, #tpu.memory_space<vmem>>
          %dma_start3A_386 = tpu.memref_slice %arg3[%dma_start3A_376, %add3A_363] : memref<2x320000xi32, #tpu.memory_space<hbm>> -> memref<1x128xi32, #tpu.memory_space<hbm>>
          %dma_start3A_387 = tpu.memref_squeeze %dma_start3A_386 : memref<1x128xi32, #tpu.memory_space<hbm>> -> memref<128xi32, #tpu.memory_space<hbm>>
          tpu.enqueue_dma source(%dma_start3A_387 : memref<128xi32, #tpu.memory_space<hbm>>) target(%dma_start3A_385 : memref<128xi32, #tpu.memory_space<vmem>>) target_semaphore(%arg15 : memref<!tpu.dma_semaphore, #tpu.memory_space<semaphore_mem>>)
        } else {
        }
        %ge3A_371 = arith.constant 320000 : i32
        %ge3A_372 = arith.cmpi sge, %add3A_363, %ge3A_371 : i32
        %convert_element_type3A_373 = arith.extui %ge3A_372 : i1 to i32
        %cond3A_374 = arith.constant 0 : i32
        %cond3A_375 = arith.cmpi ne, %convert_element_type3A_373, %cond3A_374 : i32
        scf.if %cond3A_375 {
          %sub3A = arith.constant 320000 : i32
          %sub3A_376 = arith.subi %add3A_363, %sub3A : i32
          %dma_start3A_377 = arith.constant 1 : i32
          %dma_start3A_378 = arith.constant 2 : i32
          %dma_start3A_379 = arith.constant 0 : i32
          %dma_start3A_380 = tpu.memref_slice %arg8[%dma_start3A_378, %dma_start3A_379] : memref<4x128xi32, #tpu.memory_space<vmem>> -> memref<1x128xi32, #tpu.memory_space<vmem>>
          %dma_start3A_381 = tpu.memref_squeeze %dma_start3A_380 : memref<1x128xi32, #tpu.memory_space<vmem>> -> memref<128xi32, #tpu.memory_space<vmem>>
          %dma_start3A_382 = tpu.memref_slice %arg4[%dma_start3A_377, %sub3A_376] : memref<2x7680xi32, #tpu.memory_space<hbm>> -> memref<1x128xi32, #tpu.memory_space<hbm>>
          %dma_start3A_383 = tpu.memref_squeeze %dma_start3A_382 : memref<1x128xi32, #tpu.memory_space<hbm>> -> memref<128xi32, #tpu.memory_space<hbm>>
          %dma_start3A_384 = arith.constant 0 : i32
          %dma_start3A_385 = tpu.memref_slice %arg8[%dma_start3A_378, %dma_start3A_384] : memref<4x128xi32, #tpu.memory_space<vmem>> -> memref<1x128xi32, #tpu.memory_space<vmem>>
          %dma_start3A_386 = tpu.memref_squeeze %dma_start3A_385 : memref<1x128xi32, #tpu.memory_space<vmem>> -> memref<128xi32, #tpu.memory_space<vmem>>
          %dma_start3A_387 = tpu.memref_slice %arg4[%dma_start3A_377, %sub3A_376] : memref<2x7680xi32, #tpu.memory_space<hbm>> -> memref<1x128xi32, #tpu.memory_space<hbm>>
          %dma_start3A_388 = tpu.memref_squeeze %dma_start3A_387 : memref<1x128xi32, #tpu.memory_space<hbm>> -> memref<128xi32, #tpu.memory_space<hbm>>
          tpu.enqueue_dma source(%dma_start3A_388 : memref<128xi32, #tpu.memory_space<hbm>>) target(%dma_start3A_386 : memref<128xi32, #tpu.memory_space<vmem>>) target_semaphore(%arg15 : memref<!tpu.dma_semaphore, #tpu.memory_space<semaphore_mem>>)
        } else {
        }
      } else {
      }
      %mul3A_194 = arith.constant 4 : i32
      %mul3A_195 = arith.muli %mul3A_194, %scan3A_138 : i32
      %add3A_196 = arith.constant 1 : i32
      %add3A_197 = arith.addi %mul3A_195, %add3A_196 : i32
      %ge3A_198 = arith.constant 1 : i32
      %ge3A_199 = arith.cmpi sge, %add3A_197, %ge3A_198 : i32
      %convert_element_type3A_200 = arith.extui %ge3A_199 : i1 to i32
      %cond3A_201 = arith.constant 0 : i32
      %cond3A_202 = arith.cmpi ne, %convert_element_type3A_200, %cond3A_201 : i32
      scf.if %cond3A_202 {
        %dma_wait3A_359 = arith.constant 0 : i32
        %dma_wait3A_360 = arith.constant 0 : i32
        %dma_wait3A_361 = tpu.memref_slice %arg8[%dma_wait3A_359, %dma_wait3A_360] : memref<4x128xi32, #tpu.memory_space<vmem>> -> memref<1x128xi32, #tpu.memory_space<vmem>>
        %dma_wait3A_362 = tpu.memref_squeeze %dma_wait3A_361 : memref<1x128xi32, #tpu.memory_space<vmem>> -> memref<128xi32, #tpu.memory_space<vmem>>
        %dma_wait3A_363 = arith.constant 0 : i32
        %dma_wait3A_364 = arith.constant 0 : i32
        %dma_wait3A_365 = tpu.memref_slice %arg11[%dma_wait3A_363, %dma_wait3A_364] : memref<10240x128xf32, #tpu.memory_space<vmem_shared>> -> memref<10240x128xf32, #tpu.memory_space<vmem_shared>>
        tpu.wait_indirect_dma semaphore(%arg14 : memref<!tpu.dma_semaphore, #tpu.memory_space<semaphore_mem>>) src(%arg9 : memref<128x128xf32, #tpu.memory_space<vmem>>) dst(%dma_wait3A_365 : memref<10240x128xf32, #tpu.memory_space<vmem_shared>>)
      } else {
      }
      %add3A_203 = arith.constant 1 : i32
      %add3A_204 = arith.addi %add3A_197, %add3A_203 : i32
      %lt3A_205 = arith.constant 80 : i32
      %lt3A_206 = arith.cmpi slt, %add3A_204, %lt3A_205 : i32
      %convert_element_type3A_207 = arith.extui %lt3A_206 : i1 to i32
      %cond3A_208 = arith.constant 0 : i32
      %cond3A_209 = arith.cmpi ne, %convert_element_type3A_207, %cond3A_208 : i32
      scf.if %cond3A_209 {
        %add3A_359 = arith.constant 1 : i32
        %add3A_360 = arith.addi %add3A_197, %add3A_359 : i32
        %mul3A_361 = arith.constant 128 : i32
        %mul3A_362 = arith.muli %add3A_360, %mul3A_361 : i32
        %dma_start3A_363 = arith.constant 0 : i32
        %dma_start3A_364 = arith.constant 0 : i32
        %dma_start3A_365 = tpu.memref_slice %arg9[%dma_start3A_363, %dma_start3A_364] : memref<128x128xf32, #tpu.memory_space<vmem>> -> memref<64x128xf32, #tpu.memory_space<vmem>>
        %dma_start3A_366 = tpu.memref_slice %arg7[%mul3A_362] : memref<10240xi32, #tpu.memory_space<vmem>> -> memref<64xi32, #tpu.memory_space<vmem>>
        %dma_start3A_367 = arith.constant 0 : i32
        %dma_start3A_368 = arith.constant 0 : i32
        %dma_start3A_369 = tpu.memref_slice %arg2[%dma_start3A_367, %dma_start3A_368] : memref<10000x128xf32, #tpu.memory_space<hbm>> -> memref<10000x128xf32, #tpu.memory_space<hbm>>
        tpu.enqueue_indirect_dma source(%dma_start3A_369 : memref<10000x128xf32, #tpu.memory_space<hbm>>) target(%dma_start3A_365 : memref<64x128xf32, #tpu.memory_space<vmem>>) offsets(%dma_start3A_366 : memref<64xi32, #tpu.memory_space<vmem>>) semaphore(%arg12 : memref<!tpu.dma_semaphore, #tpu.memory_space<semaphore_mem>>)
        %mul3A_370 = arith.constant 128 : i32
        %mul3A_371 = arith.muli %add3A_360, %mul3A_370 : i32
        %add3A_372 = arith.constant 64 : i32
        %add3A_373 = arith.addi %mul3A_371, %add3A_372 : i32
        %dma_start3A_374 = arith.constant 64 : i32
        %dma_start3A_375 = arith.constant 0 : i32
        %dma_start3A_376 = tpu.memref_slice %arg9[%dma_start3A_374, %dma_start3A_375] : memref<128x128xf32, #tpu.memory_space<vmem>> -> memref<64x128xf32, #tpu.memory_space<vmem>>
        %dma_start3A_377 = tpu.memref_slice %arg7[%add3A_373] : memref<10240xi32, #tpu.memory_space<vmem>> -> memref<64xi32, #tpu.memory_space<vmem>>
        %dma_start3A_378 = arith.constant 0 : i32
        %dma_start3A_379 = arith.constant 0 : i32
        %dma_start3A_380 = tpu.memref_slice %arg2[%dma_start3A_378, %dma_start3A_379] : memref<10000x128xf32, #tpu.memory_space<hbm>> -> memref<10000x128xf32, #tpu.memory_space<hbm>>
        tpu.enqueue_indirect_dma source(%dma_start3A_380 : memref<10000x128xf32, #tpu.memory_space<hbm>>) target(%dma_start3A_376 : memref<64x128xf32, #tpu.memory_space<vmem>>) offsets(%dma_start3A_377 : memref<64xi32, #tpu.memory_space<vmem>>) semaphore(%arg12 : memref<!tpu.dma_semaphore, #tpu.memory_space<semaphore_mem>>)
      } else {
      }
      %mul3A_210 = arith.constant 128 : i32
      %mul3A_211 = arith.muli %add3A_197, %mul3A_210 : i32
      %dma_wait3A_212 = arith.constant 0 : i32
      %dma_wait3A_213 = arith.constant 0 : i32
      %dma_wait3A_214 = tpu.memref_slice %arg10[%dma_wait3A_212, %dma_wait3A_213] : memref<128x128xf32, #tpu.memory_space<vmem>> -> memref<64x128xf32, #tpu.memory_space<vmem>>
      %dma_wait3A_215 = tpu.memref_slice %arg7[%mul3A_211] : memref<10240xi32, #tpu.memory_space<vmem>> -> memref<64xi32, #tpu.memory_space<vmem>>
      %dma_wait3A_216 = arith.constant 0 : i32
      %dma_wait3A_217 = arith.constant 0 : i32
      %dma_wait3A_218 = tpu.memref_slice %arg2[%dma_wait3A_216, %dma_wait3A_217] : memref<10000x128xf32, #tpu.memory_space<hbm>> -> memref<10000x128xf32, #tpu.memory_space<hbm>>
      tpu.wait_indirect_dma semaphore(%arg13 : memref<!tpu.dma_semaphore, #tpu.memory_space<semaphore_mem>>) src(%dma_wait3A_218 : memref<10000x128xf32, #tpu.memory_space<hbm>>) dst(%dma_wait3A_214 : memref<64x128xf32, #tpu.memory_space<vmem>>)
      %mul3A_219 = arith.constant 128 : i32
      %mul3A_220 = arith.muli %add3A_197, %mul3A_219 : i32
      %add3A_221 = arith.constant 64 : i32
      %add3A_222 = arith.addi %mul3A_220, %add3A_221 : i32
      %dma_wait3A_223 = arith.constant 64 : i32
      %dma_wait3A_224 = arith.constant 0 : i32
      %dma_wait3A_225 = tpu.memref_slice %arg10[%dma_wait3A_223, %dma_wait3A_224] : memref<128x128xf32, #tpu.memory_space<vmem>> -> memref<64x128xf32, #tpu.memory_space<vmem>>
      %dma_wait3A_226 = tpu.memref_slice %arg7[%add3A_222] : memref<10240xi32, #tpu.memory_space<vmem>> -> memref<64xi32, #tpu.memory_space<vmem>>
      %dma_wait3A_227 = arith.constant 0 : i32
      %dma_wait3A_228 = arith.constant 0 : i32
      %dma_wait3A_229 = tpu.memref_slice %arg2[%dma_wait3A_227, %dma_wait3A_228] : memref<10000x128xf32, #tpu.memory_space<hbm>> -> memref<10000x128xf32, #tpu.memory_space<hbm>>
      tpu.wait_indirect_dma semaphore(%arg13 : memref<!tpu.dma_semaphore, #tpu.memory_space<semaphore_mem>>) src(%dma_wait3A_229 : memref<10000x128xf32, #tpu.memory_space<hbm>>) dst(%dma_wait3A_225 : memref<64x128xf32, #tpu.memory_space<vmem>>)
      %ge3A_230 = arith.constant 1 : i32
      %ge3A_231 = arith.cmpi sge, %add3A_197, %ge3A_230 : i32
      %convert_element_type3A_232 = arith.extui %ge3A_231 : i1 to i32
      %cond3A_233 = arith.constant 0 : i32
      %cond3A_234 = arith.cmpi ne, %convert_element_type3A_232, %cond3A_233 : i32
      scf.if %cond3A_234 {
        %mul3A_359 = arith.constant 128 : i32
        %mul3A_360 = arith.muli %add3A_197, %mul3A_359 : i32
        %add3A_361 = arith.addi %mul3A_2, %mul3A_360 : i32
        %dma_wait3A_362 = arith.constant 1 : i32
        %dma_wait3A_363 = arith.constant 1 : i32
        %dma_wait3A_364 = arith.constant 0 : i32
        %dma_wait3A_365 = tpu.memref_slice %arg8[%dma_wait3A_363, %dma_wait3A_364] : memref<4x128xi32, #tpu.memory_space<vmem>> -> memref<1x128xi32, #tpu.memory_space<vmem>>
        %dma_wait3A_366 = tpu.memref_squeeze %dma_wait3A_365 : memref<1x128xi32, #tpu.memory_space<vmem>> -> memref<128xi32, #tpu.memory_space<vmem>>
        %dma_wait3A_367 = tpu.memref_slice %arg3[%dma_wait3A_362, %add3A_361] : memref<2x320000xi32, #tpu.memory_space<hbm>> -> memref<1x128xi32, #tpu.memory_space<hbm>>
        %dma_wait3A_368 = tpu.memref_squeeze %dma_wait3A_367 : memref<1x128xi32, #tpu.memory_space<hbm>> -> memref<128xi32, #tpu.memory_space<hbm>>
        %dma_wait3A_369 = arith.constant 0 : i32
        %dma_wait3A_370 = tpu.memref_slice %arg8[%dma_wait3A_363, %dma_wait3A_369] : memref<4x128xi32, #tpu.memory_space<vmem>> -> memref<1x128xi32, #tpu.memory_space<vmem>>
        %dma_wait3A_371 = tpu.memref_squeeze %dma_wait3A_370 : memref<1x128xi32, #tpu.memory_space<vmem>> -> memref<128xi32, #tpu.memory_space<vmem>>
        %dma_wait3A_372 = tpu.memref_slice %arg3[%dma_wait3A_362, %add3A_361] : memref<2x320000xi32, #tpu.memory_space<hbm>> -> memref<1x128xi32, #tpu.memory_space<hbm>>
        %dma_wait3A_373 = tpu.memref_squeeze %dma_wait3A_372 : memref<1x128xi32, #tpu.memory_space<hbm>> -> memref<128xi32, #tpu.memory_space<hbm>>
        tpu.wait_dma2 semaphore(%arg16 : memref<!tpu.dma_semaphore, #tpu.memory_space<semaphore_mem>>) src(%dma_wait3A_373 : memref<128xi32, #tpu.memory_space<hbm>>) dst(%dma_wait3A_371 : memref<128xi32, #tpu.memory_space<vmem>>)
      } else {
      }
      %dma_start3A_235 = arith.constant 1 : i32
      %dma_start3A_236 = arith.constant 0 : i32
      %dma_start3A_237 = tpu.memref_slice %arg8[%dma_start3A_235, %dma_start3A_236] : memref<4x128xi32, #tpu.memory_space<vmem>> -> memref<1x128xi32, #tpu.memory_space<vmem>>
      %dma_start3A_238 = tpu.memref_squeeze %dma_start3A_237 : memref<1x128xi32, #tpu.memory_space<vmem>> -> memref<128xi32, #tpu.memory_space<vmem>>
      %dma_start3A_239 = arith.constant 0 : i32
      %dma_start3A_240 = arith.constant 0 : i32
      %dma_start3A_241 = tpu.memref_slice %arg11[%dma_start3A_239, %dma_start3A_240] : memref<10240x128xf32, #tpu.memory_space<vmem_shared>> -> memref<10240x128xf32, #tpu.memory_space<vmem_shared>>
      tpu.enqueue_indirect_dma source(%arg10 : memref<128x128xf32, #tpu.memory_space<vmem>>) target(%dma_start3A_241 : memref<10240x128xf32, #tpu.memory_space<vmem_shared>>) offsets(%dma_start3A_238 : memref<128xi32, #tpu.memory_space<vmem>>) semaphore(%arg14 : memref<!tpu.dma_semaphore, #tpu.memory_space<semaphore_mem>>) {add = true}
      %add3A_242 = arith.constant 2 : i32
      %add3A_243 = arith.addi %add3A_197, %add3A_242 : i32
      %lt3A_244 = arith.constant 80 : i32
      %lt3A_245 = arith.cmpi slt, %add3A_243, %lt3A_244 : i32
      %convert_element_type3A_246 = arith.extui %lt3A_245 : i1 to i32
      %cond3A_247 = arith.constant 0 : i32
      %cond3A_248 = arith.cmpi ne, %convert_element_type3A_246, %cond3A_247 : i32
      scf.if %cond3A_248 {
        %add3A_359 = arith.constant 2 : i32
        %add3A_360 = arith.addi %add3A_197, %add3A_359 : i32
        %mul3A_361 = arith.constant 128 : i32
        %mul3A_362 = arith.muli %add3A_360, %mul3A_361 : i32
        %add3A_363 = arith.addi %mul3A_2, %mul3A_362 : i32
        %add3A_364 = arith.constant 128 : i32
        %add3A_365 = arith.addi %add3A_363, %add3A_364 : i32
        %le3A_366 = arith.constant 320000 : i32
        %le3A_367 = arith.cmpi sle, %add3A_365, %le3A_366 : i32
        %convert_element_type3A_368 = arith.extui %le3A_367 : i1 to i32
        %cond3A_369 = arith.constant 0 : i32
        %cond3A_370 = arith.cmpi ne, %convert_element_type3A_368, %cond3A_369 : i32
        scf.if %cond3A_370 {
          %dma_start3A_376 = arith.constant 1 : i32
          %dma_start3A_377 = arith.constant 3 : i32
          %dma_start3A_378 = arith.constant 0 : i32
          %dma_start3A_379 = tpu.memref_slice %arg8[%dma_start3A_377, %dma_start3A_378] : memref<4x128xi32, #tpu.memory_space<vmem>> -> memref<1x128xi32, #tpu.memory_space<vmem>>
          %dma_start3A_380 = tpu.memref_squeeze %dma_start3A_379 : memref<1x128xi32, #tpu.memory_space<vmem>> -> memref<128xi32, #tpu.memory_space<vmem>>
          %dma_start3A_381 = tpu.memref_slice %arg3[%dma_start3A_376, %add3A_363] : memref<2x320000xi32, #tpu.memory_space<hbm>> -> memref<1x128xi32, #tpu.memory_space<hbm>>
          %dma_start3A_382 = tpu.memref_squeeze %dma_start3A_381 : memref<1x128xi32, #tpu.memory_space<hbm>> -> memref<128xi32, #tpu.memory_space<hbm>>
          %dma_start3A_383 = arith.constant 0 : i32
          %dma_start3A_384 = tpu.memref_slice %arg8[%dma_start3A_377, %dma_start3A_383] : memref<4x128xi32, #tpu.memory_space<vmem>> -> memref<1x128xi32, #tpu.memory_space<vmem>>
          %dma_start3A_385 = tpu.memref_squeeze %dma_start3A_384 : memref<1x128xi32, #tpu.memory_space<vmem>> -> memref<128xi32, #tpu.memory_space<vmem>>
          %dma_start3A_386 = tpu.memref_slice %arg3[%dma_start3A_376, %add3A_363] : memref<2x320000xi32, #tpu.memory_space<hbm>> -> memref<1x128xi32, #tpu.memory_space<hbm>>
          %dma_start3A_387 = tpu.memref_squeeze %dma_start3A_386 : memref<1x128xi32, #tpu.memory_space<hbm>> -> memref<128xi32, #tpu.memory_space<hbm>>
          tpu.enqueue_dma source(%dma_start3A_387 : memref<128xi32, #tpu.memory_space<hbm>>) target(%dma_start3A_385 : memref<128xi32, #tpu.memory_space<vmem>>) target_semaphore(%arg16 : memref<!tpu.dma_semaphore, #tpu.memory_space<semaphore_mem>>)
        } else {
        }
        %ge3A_371 = arith.constant 320000 : i32
        %ge3A_372 = arith.cmpi sge, %add3A_363, %ge3A_371 : i32
        %convert_element_type3A_373 = arith.extui %ge3A_372 : i1 to i32
        %cond3A_374 = arith.constant 0 : i32
        %cond3A_375 = arith.cmpi ne, %convert_element_type3A_373, %cond3A_374 : i32
        scf.if %cond3A_375 {
          %sub3A = arith.constant 320000 : i32
          %sub3A_376 = arith.subi %add3A_363, %sub3A : i32
          %dma_start3A_377 = arith.constant 1 : i32
          %dma_start3A_378 = arith.constant 3 : i32
          %dma_start3A_379 = arith.constant 0 : i32
          %dma_start3A_380 = tpu.memref_slice %arg8[%dma_start3A_378, %dma_start3A_379] : memref<4x128xi32, #tpu.memory_space<vmem>> -> memref<1x128xi32, #tpu.memory_space<vmem>>
          %dma_start3A_381 = tpu.memref_squeeze %dma_start3A_380 : memref<1x128xi32, #tpu.memory_space<vmem>> -> memref<128xi32, #tpu.memory_space<vmem>>
          %dma_start3A_382 = tpu.memref_slice %arg4[%dma_start3A_377, %sub3A_376] : memref<2x7680xi32, #tpu.memory_space<hbm>> -> memref<1x128xi32, #tpu.memory_space<hbm>>
          %dma_start3A_383 = tpu.memref_squeeze %dma_start3A_382 : memref<1x128xi32, #tpu.memory_space<hbm>> -> memref<128xi32, #tpu.memory_space<hbm>>
          %dma_start3A_384 = arith.constant 0 : i32
          %dma_start3A_385 = tpu.memref_slice %arg8[%dma_start3A_378, %dma_start3A_384] : memref<4x128xi32, #tpu.memory_space<vmem>> -> memref<1x128xi32, #tpu.memory_space<vmem>>
          %dma_start3A_386 = tpu.memref_squeeze %dma_start3A_385 : memref<1x128xi32, #tpu.memory_space<vmem>> -> memref<128xi32, #tpu.memory_space<vmem>>
          %dma_start3A_387 = tpu.memref_slice %arg4[%dma_start3A_377, %sub3A_376] : memref<2x7680xi32, #tpu.memory_space<hbm>> -> memref<1x128xi32, #tpu.memory_space<hbm>>
          %dma_start3A_388 = tpu.memref_squeeze %dma_start3A_387 : memref<1x128xi32, #tpu.memory_space<hbm>> -> memref<128xi32, #tpu.memory_space<hbm>>
          tpu.enqueue_dma source(%dma_start3A_388 : memref<128xi32, #tpu.memory_space<hbm>>) target(%dma_start3A_386 : memref<128xi32, #tpu.memory_space<vmem>>) target_semaphore(%arg16 : memref<!tpu.dma_semaphore, #tpu.memory_space<semaphore_mem>>)
        } else {
        }
      } else {
      }
      %mul3A_249 = arith.constant 4 : i32
      %mul3A_250 = arith.muli %mul3A_249, %scan3A_138 : i32
      %add3A_251 = arith.constant 2 : i32
      %add3A_252 = arith.addi %mul3A_250, %add3A_251 : i32
      %ge3A_253 = arith.constant 1 : i32
      %ge3A_254 = arith.cmpi sge, %add3A_252, %ge3A_253 : i32
      %convert_element_type3A_255 = arith.extui %ge3A_254 : i1 to i32
      %cond3A_256 = arith.constant 0 : i32
      %cond3A_257 = arith.cmpi ne, %convert_element_type3A_255, %cond3A_256 : i32
      scf.if %cond3A_257 {
        %dma_wait3A_359 = arith.constant 1 : i32
        %dma_wait3A_360 = arith.constant 0 : i32
        %dma_wait3A_361 = tpu.memref_slice %arg8[%dma_wait3A_359, %dma_wait3A_360] : memref<4x128xi32, #tpu.memory_space<vmem>> -> memref<1x128xi32, #tpu.memory_space<vmem>>
        %dma_wait3A_362 = tpu.memref_squeeze %dma_wait3A_361 : memref<1x128xi32, #tpu.memory_space<vmem>> -> memref<128xi32, #tpu.memory_space<vmem>>
        %dma_wait3A_363 = arith.constant 0 : i32
        %dma_wait3A_364 = arith.constant 0 : i32
        %dma_wait3A_365 = tpu.memref_slice %arg11[%dma_wait3A_363, %dma_wait3A_364] : memref<10240x128xf32, #tpu.memory_space<vmem_shared>> -> memref<10240x128xf32, #tpu.memory_space<vmem_shared>>
        tpu.wait_indirect_dma semaphore(%arg14 : memref<!tpu.dma_semaphore, #tpu.memory_space<semaphore_mem>>) src(%arg10 : memref<128x128xf32, #tpu.memory_space<vmem>>) dst(%dma_wait3A_365 : memref<10240x128xf32, #tpu.memory_space<vmem_shared>>)
      } else {
      }
      %add3A_258 = arith.constant 1 : i32
      %add3A_259 = arith.addi %add3A_252, %add3A_258 : i32
      %lt3A_260 = arith.constant 80 : i32
      %lt3A_261 = arith.cmpi slt, %add3A_259, %lt3A_260 : i32
      %convert_element_type3A_262 = arith.extui %lt3A_261 : i1 to i32
      %cond3A_263 = arith.constant 0 : i32
      %cond3A_264 = arith.cmpi ne, %convert_element_type3A_262, %cond3A_263 : i32
      scf.if %cond3A_264 {
        %add3A_359 = arith.constant 1 : i32
        %add3A_360 = arith.addi %add3A_252, %add3A_359 : i32
        %mul3A_361 = arith.constant 128 : i32
        %mul3A_362 = arith.muli %add3A_360, %mul3A_361 : i32
        %dma_start3A_363 = arith.constant 0 : i32
        %dma_start3A_364 = arith.constant 0 : i32
        %dma_start3A_365 = tpu.memref_slice %arg10[%dma_start3A_363, %dma_start3A_364] : memref<128x128xf32, #tpu.memory_space<vmem>> -> memref<64x128xf32, #tpu.memory_space<vmem>>
        %dma_start3A_366 = tpu.memref_slice %arg7[%mul3A_362] : memref<10240xi32, #tpu.memory_space<vmem>> -> memref<64xi32, #tpu.memory_space<vmem>>
        %dma_start3A_367 = arith.constant 0 : i32
        %dma_start3A_368 = arith.constant 0 : i32
        %dma_start3A_369 = tpu.memref_slice %arg2[%dma_start3A_367, %dma_start3A_368] : memref<10000x128xf32, #tpu.memory_space<hbm>> -> memref<10000x128xf32, #tpu.memory_space<hbm>>
        tpu.enqueue_indirect_dma source(%dma_start3A_369 : memref<10000x128xf32, #tpu.memory_space<hbm>>) target(%dma_start3A_365 : memref<64x128xf32, #tpu.memory_space<vmem>>) offsets(%dma_start3A_366 : memref<64xi32, #tpu.memory_space<vmem>>) semaphore(%arg13 : memref<!tpu.dma_semaphore, #tpu.memory_space<semaphore_mem>>)
        %mul3A_370 = arith.constant 128 : i32
        %mul3A_371 = arith.muli %add3A_360, %mul3A_370 : i32
        %add3A_372 = arith.constant 64 : i32
        %add3A_373 = arith.addi %mul3A_371, %add3A_372 : i32
        %dma_start3A_374 = arith.constant 64 : i32
        %dma_start3A_375 = arith.constant 0 : i32
        %dma_start3A_376 = tpu.memref_slice %arg10[%dma_start3A_374, %dma_start3A_375] : memref<128x128xf32, #tpu.memory_space<vmem>> -> memref<64x128xf32, #tpu.memory_space<vmem>>
        %dma_start3A_377 = tpu.memref_slice %arg7[%add3A_373] : memref<10240xi32, #tpu.memory_space<vmem>> -> memref<64xi32, #tpu.memory_space<vmem>>
        %dma_start3A_378 = arith.constant 0 : i32
        %dma_start3A_379 = arith.constant 0 : i32
        %dma_start3A_380 = tpu.memref_slice %arg2[%dma_start3A_378, %dma_start3A_379] : memref<10000x128xf32, #tpu.memory_space<hbm>> -> memref<10000x128xf32, #tpu.memory_space<hbm>>
        tpu.enqueue_indirect_dma source(%dma_start3A_380 : memref<10000x128xf32, #tpu.memory_space<hbm>>) target(%dma_start3A_376 : memref<64x128xf32, #tpu.memory_space<vmem>>) offsets(%dma_start3A_377 : memref<64xi32, #tpu.memory_space<vmem>>) semaphore(%arg13 : memref<!tpu.dma_semaphore, #tpu.memory_space<semaphore_mem>>)
      } else {
      }
      %mul3A_265 = arith.constant 128 : i32
      %mul3A_266 = arith.muli %add3A_252, %mul3A_265 : i32
      %dma_wait3A_267 = arith.constant 0 : i32
      %dma_wait3A_268 = arith.constant 0 : i32
      %dma_wait3A_269 = tpu.memref_slice %arg9[%dma_wait3A_267, %dma_wait3A_268] : memref<128x128xf32, #tpu.memory_space<vmem>> -> memref<64x128xf32, #tpu.memory_space<vmem>>
      %dma_wait3A_270 = tpu.memref_slice %arg7[%mul3A_266] : memref<10240xi32, #tpu.memory_space<vmem>> -> memref<64xi32, #tpu.memory_space<vmem>>
      %dma_wait3A_271 = arith.constant 0 : i32
      %dma_wait3A_272 = arith.constant 0 : i32
      %dma_wait3A_273 = tpu.memref_slice %arg2[%dma_wait3A_271, %dma_wait3A_272] : memref<10000x128xf32, #tpu.memory_space<hbm>> -> memref<10000x128xf32, #tpu.memory_space<hbm>>
      tpu.wait_indirect_dma semaphore(%arg12 : memref<!tpu.dma_semaphore, #tpu.memory_space<semaphore_mem>>) src(%dma_wait3A_273 : memref<10000x128xf32, #tpu.memory_space<hbm>>) dst(%dma_wait3A_269 : memref<64x128xf32, #tpu.memory_space<vmem>>)
      %mul3A_274 = arith.constant 128 : i32
      %mul3A_275 = arith.muli %add3A_252, %mul3A_274 : i32
      %add3A_276 = arith.constant 64 : i32
      %add3A_277 = arith.addi %mul3A_275, %add3A_276 : i32
      %dma_wait3A_278 = arith.constant 64 : i32
      %dma_wait3A_279 = arith.constant 0 : i32
      %dma_wait3A_280 = tpu.memref_slice %arg9[%dma_wait3A_278, %dma_wait3A_279] : memref<128x128xf32, #tpu.memory_space<vmem>> -> memref<64x128xf32, #tpu.memory_space<vmem>>
      %dma_wait3A_281 = tpu.memref_slice %arg7[%add3A_277] : memref<10240xi32, #tpu.memory_space<vmem>> -> memref<64xi32, #tpu.memory_space<vmem>>
      %dma_wait3A_282 = arith.constant 0 : i32
      %dma_wait3A_283 = arith.constant 0 : i32
      %dma_wait3A_284 = tpu.memref_slice %arg2[%dma_wait3A_282, %dma_wait3A_283] : memref<10000x128xf32, #tpu.memory_space<hbm>> -> memref<10000x128xf32, #tpu.memory_space<hbm>>
      tpu.wait_indirect_dma semaphore(%arg12 : memref<!tpu.dma_semaphore, #tpu.memory_space<semaphore_mem>>) src(%dma_wait3A_284 : memref<10000x128xf32, #tpu.memory_space<hbm>>) dst(%dma_wait3A_280 : memref<64x128xf32, #tpu.memory_space<vmem>>)
      %ge3A_285 = arith.constant 1 : i32
      %ge3A_286 = arith.cmpi sge, %add3A_252, %ge3A_285 : i32
      %convert_element_type3A_287 = arith.extui %ge3A_286 : i1 to i32
      %cond3A_288 = arith.constant 0 : i32
      %cond3A_289 = arith.cmpi ne, %convert_element_type3A_287, %cond3A_288 : i32
      scf.if %cond3A_289 {
        %mul3A_359 = arith.constant 128 : i32
        %mul3A_360 = arith.muli %add3A_252, %mul3A_359 : i32
        %add3A_361 = arith.addi %mul3A_2, %mul3A_360 : i32
        %dma_wait3A_362 = arith.constant 1 : i32
        %dma_wait3A_363 = arith.constant 2 : i32
        %dma_wait3A_364 = arith.constant 0 : i32
        %dma_wait3A_365 = tpu.memref_slice %arg8[%dma_wait3A_363, %dma_wait3A_364] : memref<4x128xi32, #tpu.memory_space<vmem>> -> memref<1x128xi32, #tpu.memory_space<vmem>>
        %dma_wait3A_366 = tpu.memref_squeeze %dma_wait3A_365 : memref<1x128xi32, #tpu.memory_space<vmem>> -> memref<128xi32, #tpu.memory_space<vmem>>
        %dma_wait3A_367 = tpu.memref_slice %arg3[%dma_wait3A_362, %add3A_361] : memref<2x320000xi32, #tpu.memory_space<hbm>> -> memref<1x128xi32, #tpu.memory_space<hbm>>
        %dma_wait3A_368 = tpu.memref_squeeze %dma_wait3A_367 : memref<1x128xi32, #tpu.memory_space<hbm>> -> memref<128xi32, #tpu.memory_space<hbm>>
        %dma_wait3A_369 = arith.constant 0 : i32
        %dma_wait3A_370 = tpu.memref_slice %arg8[%dma_wait3A_363, %dma_wait3A_369] : memref<4x128xi32, #tpu.memory_space<vmem>> -> memref<1x128xi32, #tpu.memory_space<vmem>>
        %dma_wait3A_371 = tpu.memref_squeeze %dma_wait3A_370 : memref<1x128xi32, #tpu.memory_space<vmem>> -> memref<128xi32, #tpu.memory_space<vmem>>
        %dma_wait3A_372 = tpu.memref_slice %arg3[%dma_wait3A_362, %add3A_361] : memref<2x320000xi32, #tpu.memory_space<hbm>> -> memref<1x128xi32, #tpu.memory_space<hbm>>
        %dma_wait3A_373 = tpu.memref_squeeze %dma_wait3A_372 : memref<1x128xi32, #tpu.memory_space<hbm>> -> memref<128xi32, #tpu.memory_space<hbm>>
        tpu.wait_dma2 semaphore(%arg15 : memref<!tpu.dma_semaphore, #tpu.memory_space<semaphore_mem>>) src(%dma_wait3A_373 : memref<128xi32, #tpu.memory_space<hbm>>) dst(%dma_wait3A_371 : memref<128xi32, #tpu.memory_space<vmem>>)
      } else {
      }
      %dma_start3A_290 = arith.constant 2 : i32
      %dma_start3A_291 = arith.constant 0 : i32
      %dma_start3A_292 = tpu.memref_slice %arg8[%dma_start3A_290, %dma_start3A_291] : memref<4x128xi32, #tpu.memory_space<vmem>> -> memref<1x128xi32, #tpu.memory_space<vmem>>
      %dma_start3A_293 = tpu.memref_squeeze %dma_start3A_292 : memref<1x128xi32, #tpu.memory_space<vmem>> -> memref<128xi32, #tpu.memory_space<vmem>>
      %dma_start3A_294 = arith.constant 0 : i32
      %dma_start3A_295 = arith.constant 0 : i32
      %dma_start3A_296 = tpu.memref_slice %arg11[%dma_start3A_294, %dma_start3A_295] : memref<10240x128xf32, #tpu.memory_space<vmem_shared>> -> memref<10240x128xf32, #tpu.memory_space<vmem_shared>>
      tpu.enqueue_indirect_dma source(%arg9 : memref<128x128xf32, #tpu.memory_space<vmem>>) target(%dma_start3A_296 : memref<10240x128xf32, #tpu.memory_space<vmem_shared>>) offsets(%dma_start3A_293 : memref<128xi32, #tpu.memory_space<vmem>>) semaphore(%arg14 : memref<!tpu.dma_semaphore, #tpu.memory_space<semaphore_mem>>) {add = true}
      %add3A_297 = arith.constant 2 : i32
      %add3A_298 = arith.addi %add3A_252, %add3A_297 : i32
      %lt3A_299 = arith.constant 80 : i32
      %lt3A_300 = arith.cmpi slt, %add3A_298, %lt3A_299 : i32
      %convert_element_type3A_301 = arith.extui %lt3A_300 : i1 to i32
      %cond3A_302 = arith.constant 0 : i32
      %cond3A_303 = arith.cmpi ne, %convert_element_type3A_301, %cond3A_302 : i32
      scf.if %cond3A_303 {
        %add3A_359 = arith.constant 2 : i32
        %add3A_360 = arith.addi %add3A_252, %add3A_359 : i32
        %mul3A_361 = arith.constant 128 : i32
        %mul3A_362 = arith.muli %add3A_360, %mul3A_361 : i32
        %add3A_363 = arith.addi %mul3A_2, %mul3A_362 : i32
        %add3A_364 = arith.constant 128 : i32
        %add3A_365 = arith.addi %add3A_363, %add3A_364 : i32
        %le3A_366 = arith.constant 320000 : i32
        %le3A_367 = arith.cmpi sle, %add3A_365, %le3A_366 : i32
        %convert_element_type3A_368 = arith.extui %le3A_367 : i1 to i32
        %cond3A_369 = arith.constant 0 : i32
        %cond3A_370 = arith.cmpi ne, %convert_element_type3A_368, %cond3A_369 : i32
        scf.if %cond3A_370 {
          %dma_start3A_376 = arith.constant 1 : i32
          %dma_start3A_377 = arith.constant 0 : i32
          %dma_start3A_378 = arith.constant 0 : i32
          %dma_start3A_379 = tpu.memref_slice %arg8[%dma_start3A_377, %dma_start3A_378] : memref<4x128xi32, #tpu.memory_space<vmem>> -> memref<1x128xi32, #tpu.memory_space<vmem>>
          %dma_start3A_380 = tpu.memref_squeeze %dma_start3A_379 : memref<1x128xi32, #tpu.memory_space<vmem>> -> memref<128xi32, #tpu.memory_space<vmem>>
          %dma_start3A_381 = tpu.memref_slice %arg3[%dma_start3A_376, %add3A_363] : memref<2x320000xi32, #tpu.memory_space<hbm>> -> memref<1x128xi32, #tpu.memory_space<hbm>>
          %dma_start3A_382 = tpu.memref_squeeze %dma_start3A_381 : memref<1x128xi32, #tpu.memory_space<hbm>> -> memref<128xi32, #tpu.memory_space<hbm>>
          %dma_start3A_383 = arith.constant 0 : i32
          %dma_start3A_384 = tpu.memref_slice %arg8[%dma_start3A_377, %dma_start3A_383] : memref<4x128xi32, #tpu.memory_space<vmem>> -> memref<1x128xi32, #tpu.memory_space<vmem>>
          %dma_start3A_385 = tpu.memref_squeeze %dma_start3A_384 : memref<1x128xi32, #tpu.memory_space<vmem>> -> memref<128xi32, #tpu.memory_space<vmem>>
          %dma_start3A_386 = tpu.memref_slice %arg3[%dma_start3A_376, %add3A_363] : memref<2x320000xi32, #tpu.memory_space<hbm>> -> memref<1x128xi32, #tpu.memory_space<hbm>>
          %dma_start3A_387 = tpu.memref_squeeze %dma_start3A_386 : memref<1x128xi32, #tpu.memory_space<hbm>> -> memref<128xi32, #tpu.memory_space<hbm>>
          tpu.enqueue_dma source(%dma_start3A_387 : memref<128xi32, #tpu.memory_space<hbm>>) target(%dma_start3A_385 : memref<128xi32, #tpu.memory_space<vmem>>) target_semaphore(%arg15 : memref<!tpu.dma_semaphore, #tpu.memory_space<semaphore_mem>>)
        } else {
        }
        %ge3A_371 = arith.constant 320000 : i32
        %ge3A_372 = arith.cmpi sge, %add3A_363, %ge3A_371 : i32
        %convert_element_type3A_373 = arith.extui %ge3A_372 : i1 to i32
        %cond3A_374 = arith.constant 0 : i32
        %cond3A_375 = arith.cmpi ne, %convert_element_type3A_373, %cond3A_374 : i32
        scf.if %cond3A_375 {
          %sub3A = arith.constant 320000 : i32
          %sub3A_376 = arith.subi %add3A_363, %sub3A : i32
          %dma_start3A_377 = arith.constant 1 : i32
          %dma_start3A_378 = arith.constant 0 : i32
          %dma_start3A_379 = arith.constant 0 : i32
          %dma_start3A_380 = tpu.memref_slice %arg8[%dma_start3A_378, %dma_start3A_379] : memref<4x128xi32, #tpu.memory_space<vmem>> -> memref<1x128xi32, #tpu.memory_space<vmem>>
          %dma_start3A_381 = tpu.memref_squeeze %dma_start3A_380 : memref<1x128xi32, #tpu.memory_space<vmem>> -> memref<128xi32, #tpu.memory_space<vmem>>
          %dma_start3A_382 = tpu.memref_slice %arg4[%dma_start3A_377, %sub3A_376] : memref<2x7680xi32, #tpu.memory_space<hbm>> -> memref<1x128xi32, #tpu.memory_space<hbm>>
          %dma_start3A_383 = tpu.memref_squeeze %dma_start3A_382 : memref<1x128xi32, #tpu.memory_space<hbm>> -> memref<128xi32, #tpu.memory_space<hbm>>
          %dma_start3A_384 = arith.constant 0 : i32
          %dma_start3A_385 = tpu.memref_slice %arg8[%dma_start3A_378, %dma_start3A_384] : memref<4x128xi32, #tpu.memory_space<vmem>> -> memref<1x128xi32, #tpu.memory_space<vmem>>
          %dma_start3A_386 = tpu.memref_squeeze %dma_start3A_385 : memref<1x128xi32, #tpu.memory_space<vmem>> -> memref<128xi32, #tpu.memory_space<vmem>>
          %dma_start3A_387 = tpu.memref_slice %arg4[%dma_start3A_377, %sub3A_376] : memref<2x7680xi32, #tpu.memory_space<hbm>> -> memref<1x128xi32, #tpu.memory_space<hbm>>
          %dma_start3A_388 = tpu.memref_squeeze %dma_start3A_387 : memref<1x128xi32, #tpu.memory_space<hbm>> -> memref<128xi32, #tpu.memory_space<hbm>>
          tpu.enqueue_dma source(%dma_start3A_388 : memref<128xi32, #tpu.memory_space<hbm>>) target(%dma_start3A_386 : memref<128xi32, #tpu.memory_space<vmem>>) target_semaphore(%arg15 : memref<!tpu.dma_semaphore, #tpu.memory_space<semaphore_mem>>)
        } else {
        }
      } else {
      }
      %mul3A_304 = arith.constant 4 : i32
      %mul3A_305 = arith.muli %mul3A_304, %scan3A_138 : i32
      %add3A_306 = arith.constant 3 : i32
      %add3A_307 = arith.addi %mul3A_305, %add3A_306 : i32
      %ge3A_308 = arith.constant 1 : i32
      %ge3A_309 = arith.cmpi sge, %add3A_307, %ge3A_308 : i32
      %convert_element_type3A_310 = arith.extui %ge3A_309 : i1 to i32
      %cond3A_311 = arith.constant 0 : i32
      %cond3A_312 = arith.cmpi ne, %convert_element_type3A_310, %cond3A_311 : i32
      scf.if %cond3A_312 {
        %dma_wait3A_359 = arith.constant 2 : i32
        %dma_wait3A_360 = arith.constant 0 : i32
        %dma_wait3A_361 = tpu.memref_slice %arg8[%dma_wait3A_359, %dma_wait3A_360] : memref<4x128xi32, #tpu.memory_space<vmem>> -> memref<1x128xi32, #tpu.memory_space<vmem>>
        %dma_wait3A_362 = tpu.memref_squeeze %dma_wait3A_361 : memref<1x128xi32, #tpu.memory_space<vmem>> -> memref<128xi32, #tpu.memory_space<vmem>>
        %dma_wait3A_363 = arith.constant 0 : i32
        %dma_wait3A_364 = arith.constant 0 : i32
        %dma_wait3A_365 = tpu.memref_slice %arg11[%dma_wait3A_363, %dma_wait3A_364] : memref<10240x128xf32, #tpu.memory_space<vmem_shared>> -> memref<10240x128xf32, #tpu.memory_space<vmem_shared>>
        tpu.wait_indirect_dma semaphore(%arg14 : memref<!tpu.dma_semaphore, #tpu.memory_space<semaphore_mem>>) src(%arg9 : memref<128x128xf32, #tpu.memory_space<vmem>>) dst(%dma_wait3A_365 : memref<10240x128xf32, #tpu.memory_space<vmem_shared>>)
      } else {
      }
      %add3A_313 = arith.constant 1 : i32
      %add3A_314 = arith.addi %add3A_307, %add3A_313 : i32
      %lt3A_315 = arith.constant 80 : i32
      %lt3A_316 = arith.cmpi slt, %add3A_314, %lt3A_315 : i32
      %convert_element_type3A_317 = arith.extui %lt3A_316 : i1 to i32
      %cond3A_318 = arith.constant 0 : i32
      %cond3A_319 = arith.cmpi ne, %convert_element_type3A_317, %cond3A_318 : i32
      scf.if %cond3A_319 {
        %add3A_359 = arith.constant 1 : i32
        %add3A_360 = arith.addi %add3A_307, %add3A_359 : i32
        %mul3A_361 = arith.constant 128 : i32
        %mul3A_362 = arith.muli %add3A_360, %mul3A_361 : i32
        %dma_start3A_363 = arith.constant 0 : i32
        %dma_start3A_364 = arith.constant 0 : i32
        %dma_start3A_365 = tpu.memref_slice %arg9[%dma_start3A_363, %dma_start3A_364] : memref<128x128xf32, #tpu.memory_space<vmem>> -> memref<64x128xf32, #tpu.memory_space<vmem>>
        %dma_start3A_366 = tpu.memref_slice %arg7[%mul3A_362] : memref<10240xi32, #tpu.memory_space<vmem>> -> memref<64xi32, #tpu.memory_space<vmem>>
        %dma_start3A_367 = arith.constant 0 : i32
        %dma_start3A_368 = arith.constant 0 : i32
        %dma_start3A_369 = tpu.memref_slice %arg2[%dma_start3A_367, %dma_start3A_368] : memref<10000x128xf32, #tpu.memory_space<hbm>> -> memref<10000x128xf32, #tpu.memory_space<hbm>>
        tpu.enqueue_indirect_dma source(%dma_start3A_369 : memref<10000x128xf32, #tpu.memory_space<hbm>>) target(%dma_start3A_365 : memref<64x128xf32, #tpu.memory_space<vmem>>) offsets(%dma_start3A_366 : memref<64xi32, #tpu.memory_space<vmem>>) semaphore(%arg12 : memref<!tpu.dma_semaphore, #tpu.memory_space<semaphore_mem>>)
        %mul3A_370 = arith.constant 128 : i32
        %mul3A_371 = arith.muli %add3A_360, %mul3A_370 : i32
        %add3A_372 = arith.constant 64 : i32
        %add3A_373 = arith.addi %mul3A_371, %add3A_372 : i32
        %dma_start3A_374 = arith.constant 64 : i32
        %dma_start3A_375 = arith.constant 0 : i32
        %dma_start3A_376 = tpu.memref_slice %arg9[%dma_start3A_374, %dma_start3A_375] : memref<128x128xf32, #tpu.memory_space<vmem>> -> memref<64x128xf32, #tpu.memory_space<vmem>>
        %dma_start3A_377 = tpu.memref_slice %arg7[%add3A_373] : memref<10240xi32, #tpu.memory_space<vmem>> -> memref<64xi32, #tpu.memory_space<vmem>>
        %dma_start3A_378 = arith.constant 0 : i32
        %dma_start3A_379 = arith.constant 0 : i32
        %dma_start3A_380 = tpu.memref_slice %arg2[%dma_start3A_378, %dma_start3A_379] : memref<10000x128xf32, #tpu.memory_space<hbm>> -> memref<10000x128xf32, #tpu.memory_space<hbm>>
        tpu.enqueue_indirect_dma source(%dma_start3A_380 : memref<10000x128xf32, #tpu.memory_space<hbm>>) target(%dma_start3A_376 : memref<64x128xf32, #tpu.memory_space<vmem>>) offsets(%dma_start3A_377 : memref<64xi32, #tpu.memory_space<vmem>>) semaphore(%arg12 : memref<!tpu.dma_semaphore, #tpu.memory_space<semaphore_mem>>)
      } else {
      }
      %mul3A_320 = arith.constant 128 : i32
      %mul3A_321 = arith.muli %add3A_307, %mul3A_320 : i32
      %dma_wait3A_322 = arith.constant 0 : i32
      %dma_wait3A_323 = arith.constant 0 : i32
      %dma_wait3A_324 = tpu.memref_slice %arg10[%dma_wait3A_322, %dma_wait3A_323] : memref<128x128xf32, #tpu.memory_space<vmem>> -> memref<64x128xf32, #tpu.memory_space<vmem>>
      %dma_wait3A_325 = tpu.memref_slice %arg7[%mul3A_321] : memref<10240xi32, #tpu.memory_space<vmem>> -> memref<64xi32, #tpu.memory_space<vmem>>
      %dma_wait3A_326 = arith.constant 0 : i32
      %dma_wait3A_327 = arith.constant 0 : i32
      %dma_wait3A_328 = tpu.memref_slice %arg2[%dma_wait3A_326, %dma_wait3A_327] : memref<10000x128xf32, #tpu.memory_space<hbm>> -> memref<10000x128xf32, #tpu.memory_space<hbm>>
      tpu.wait_indirect_dma semaphore(%arg13 : memref<!tpu.dma_semaphore, #tpu.memory_space<semaphore_mem>>) src(%dma_wait3A_328 : memref<10000x128xf32, #tpu.memory_space<hbm>>) dst(%dma_wait3A_324 : memref<64x128xf32, #tpu.memory_space<vmem>>)
      %mul3A_329 = arith.constant 128 : i32
      %mul3A_330 = arith.muli %add3A_307, %mul3A_329 : i32
      %add3A_331 = arith.constant 64 : i32
      %add3A_332 = arith.addi %mul3A_330, %add3A_331 : i32
      %dma_wait3A_333 = arith.constant 64 : i32
      %dma_wait3A_334 = arith.constant 0 : i32
      %dma_wait3A_335 = tpu.memref_slice %arg10[%dma_wait3A_333, %dma_wait3A_334] : memref<128x128xf32, #tpu.memory_space<vmem>> -> memref<64x128xf32, #tpu.memory_space<vmem>>
      %dma_wait3A_336 = tpu.memref_slice %arg7[%add3A_332] : memref<10240xi32, #tpu.memory_space<vmem>> -> memref<64xi32, #tpu.memory_space<vmem>>
      %dma_wait3A_337 = arith.constant 0 : i32
      %dma_wait3A_338 = arith.constant 0 : i32
      %dma_wait3A_339 = tpu.memref_slice %arg2[%dma_wait3A_337, %dma_wait3A_338] : memref<10000x128xf32, #tpu.memory_space<hbm>> -> memref<10000x128xf32, #tpu.memory_space<hbm>>
      tpu.wait_indirect_dma semaphore(%arg13 : memref<!tpu.dma_semaphore, #tpu.memory_space<semaphore_mem>>) src(%dma_wait3A_339 : memref<10000x128xf32, #tpu.memory_space<hbm>>) dst(%dma_wait3A_335 : memref<64x128xf32, #tpu.memory_space<vmem>>)
      %ge3A_340 = arith.constant 1 : i32
      %ge3A_341 = arith.cmpi sge, %add3A_307, %ge3A_340 : i32
      %convert_element_type3A_342 = arith.extui %ge3A_341 : i1 to i32
      %cond3A_343 = arith.constant 0 : i32
      %cond3A_344 = arith.cmpi ne, %convert_element_type3A_342, %cond3A_343 : i32
      scf.if %cond3A_344 {
        %mul3A_359 = arith.constant 128 : i32
        %mul3A_360 = arith.muli %add3A_307, %mul3A_359 : i32
        %add3A_361 = arith.addi %mul3A_2, %mul3A_360 : i32
        %dma_wait3A_362 = arith.constant 1 : i32
        %dma_wait3A_363 = arith.constant 3 : i32
        %dma_wait3A_364 = arith.constant 0 : i32
        %dma_wait3A_365 = tpu.memref_slice %arg8[%dma_wait3A_363, %dma_wait3A_364] : memref<4x128xi32, #tpu.memory_space<vmem>> -> memref<1x128xi32, #tpu.memory_space<vmem>>
        %dma_wait3A_366 = tpu.memref_squeeze %dma_wait3A_365 : memref<1x128xi32, #tpu.memory_space<vmem>> -> memref<128xi32, #tpu.memory_space<vmem>>
        %dma_wait3A_367 = tpu.memref_slice %arg3[%dma_wait3A_362, %add3A_361] : memref<2x320000xi32, #tpu.memory_space<hbm>> -> memref<1x128xi32, #tpu.memory_space<hbm>>
        %dma_wait3A_368 = tpu.memref_squeeze %dma_wait3A_367 : memref<1x128xi32, #tpu.memory_space<hbm>> -> memref<128xi32, #tpu.memory_space<hbm>>
        %dma_wait3A_369 = arith.constant 0 : i32
        %dma_wait3A_370 = tpu.memref_slice %arg8[%dma_wait3A_363, %dma_wait3A_369] : memref<4x128xi32, #tpu.memory_space<vmem>> -> memref<1x128xi32, #tpu.memory_space<vmem>>
        %dma_wait3A_371 = tpu.memref_squeeze %dma_wait3A_370 : memref<1x128xi32, #tpu.memory_space<vmem>> -> memref<128xi32, #tpu.memory_space<vmem>>
        %dma_wait3A_372 = tpu.memref_slice %arg3[%dma_wait3A_362, %add3A_361] : memref<2x320000xi32, #tpu.memory_space<hbm>> -> memref<1x128xi32, #tpu.memory_space<hbm>>
        %dma_wait3A_373 = tpu.memref_squeeze %dma_wait3A_372 : memref<1x128xi32, #tpu.memory_space<hbm>> -> memref<128xi32, #tpu.memory_space<hbm>>
        tpu.wait_dma2 semaphore(%arg16 : memref<!tpu.dma_semaphore, #tpu.memory_space<semaphore_mem>>) src(%dma_wait3A_373 : memref<128xi32, #tpu.memory_space<hbm>>) dst(%dma_wait3A_371 : memref<128xi32, #tpu.memory_space<vmem>>)
      } else {
      }
      %dma_start3A_345 = arith.constant 3 : i32
      %dma_start3A_346 = arith.constant 0 : i32
      %dma_start3A_347 = tpu.memref_slice %arg8[%dma_start3A_345, %dma_start3A_346] : memref<4x128xi32, #tpu.memory_space<vmem>> -> memref<1x128xi32, #tpu.memory_space<vmem>>
      %dma_start3A_348 = tpu.memref_squeeze %dma_start3A_347 : memref<1x128xi32, #tpu.memory_space<vmem>> -> memref<128xi32, #tpu.memory_space<vmem>>
      %dma_start3A_349 = arith.constant 0 : i32
      %dma_start3A_350 = arith.constant 0 : i32
      %dma_start3A_351 = tpu.memref_slice %arg11[%dma_start3A_349, %dma_start3A_350] : memref<10240x128xf32, #tpu.memory_space<vmem_shared>> -> memref<10240x128xf32, #tpu.memory_space<vmem_shared>>
      tpu.enqueue_indirect_dma source(%arg10 : memref<128x128xf32, #tpu.memory_space<vmem>>) target(%dma_start3A_351 : memref<10240x128xf32, #tpu.memory_space<vmem_shared>>) offsets(%dma_start3A_348 : memref<128xi32, #tpu.memory_space<vmem>>) semaphore(%arg14 : memref<!tpu.dma_semaphore, #tpu.memory_space<semaphore_mem>>) {add = true}
      %add3A_352 = arith.constant 2 : i32
      %add3A_353 = arith.addi %add3A_307, %add3A_352 : i32
      %lt3A_354 = arith.constant 80 : i32
      %lt3A_355 = arith.cmpi slt, %add3A_353, %lt3A_354 : i32
      %convert_element_type3A_356 = arith.extui %lt3A_355 : i1 to i32
      %cond3A_357 = arith.constant 0 : i32
      %cond3A_358 = arith.cmpi ne, %convert_element_type3A_356, %cond3A_357 : i32
      scf.if %cond3A_358 {
        %add3A_359 = arith.constant 2 : i32
        %add3A_360 = arith.addi %add3A_307, %add3A_359 : i32
        %mul3A_361 = arith.constant 128 : i32
        %mul3A_362 = arith.muli %add3A_360, %mul3A_361 : i32
        %add3A_363 = arith.addi %mul3A_2, %mul3A_362 : i32
        %add3A_364 = arith.constant 128 : i32
        %add3A_365 = arith.addi %add3A_363, %add3A_364 : i32
        %le3A_366 = arith.constant 320000 : i32
        %le3A_367 = arith.cmpi sle, %add3A_365, %le3A_366 : i32
        %convert_element_type3A_368 = arith.extui %le3A_367 : i1 to i32
        %cond3A_369 = arith.constant 0 : i32
        %cond3A_370 = arith.cmpi ne, %convert_element_type3A_368, %cond3A_369 : i32
        scf.if %cond3A_370 {
          %dma_start3A_376 = arith.constant 1 : i32
          %dma_start3A_377 = arith.constant 1 : i32
          %dma_start3A_378 = arith.constant 0 : i32
          %dma_start3A_379 = tpu.memref_slice %arg8[%dma_start3A_377, %dma_start3A_378] : memref<4x128xi32, #tpu.memory_space<vmem>> -> memref<1x128xi32, #tpu.memory_space<vmem>>
          %dma_start3A_380 = tpu.memref_squeeze %dma_start3A_379 : memref<1x128xi32, #tpu.memory_space<vmem>> -> memref<128xi32, #tpu.memory_space<vmem>>
          %dma_start3A_381 = tpu.memref_slice %arg3[%dma_start3A_376, %add3A_363] : memref<2x320000xi32, #tpu.memory_space<hbm>> -> memref<1x128xi32, #tpu.memory_space<hbm>>
          %dma_start3A_382 = tpu.memref_squeeze %dma_start3A_381 : memref<1x128xi32, #tpu.memory_space<hbm>> -> memref<128xi32, #tpu.memory_space<hbm>>
          %dma_start3A_383 = arith.constant 0 : i32
          %dma_start3A_384 = tpu.memref_slice %arg8[%dma_start3A_377, %dma_start3A_383] : memref<4x128xi32, #tpu.memory_space<vmem>> -> memref<1x128xi32, #tpu.memory_space<vmem>>
          %dma_start3A_385 = tpu.memref_squeeze %dma_start3A_384 : memref<1x128xi32, #tpu.memory_space<vmem>> -> memref<128xi32, #tpu.memory_space<vmem>>
          %dma_start3A_386 = tpu.memref_slice %arg3[%dma_start3A_376, %add3A_363] : memref<2x320000xi32, #tpu.memory_space<hbm>> -> memref<1x128xi32, #tpu.memory_space<hbm>>
          %dma_start3A_387 = tpu.memref_squeeze %dma_start3A_386 : memref<1x128xi32, #tpu.memory_space<hbm>> -> memref<128xi32, #tpu.memory_space<hbm>>
          tpu.enqueue_dma source(%dma_start3A_387 : memref<128xi32, #tpu.memory_space<hbm>>) target(%dma_start3A_385 : memref<128xi32, #tpu.memory_space<vmem>>) target_semaphore(%arg16 : memref<!tpu.dma_semaphore, #tpu.memory_space<semaphore_mem>>)
        } else {
        }
        %ge3A_371 = arith.constant 320000 : i32
        %ge3A_372 = arith.cmpi sge, %add3A_363, %ge3A_371 : i32
        %convert_element_type3A_373 = arith.extui %ge3A_372 : i1 to i32
        %cond3A_374 = arith.constant 0 : i32
        %cond3A_375 = arith.cmpi ne, %convert_element_type3A_373, %cond3A_374 : i32
        scf.if %cond3A_375 {
          %sub3A = arith.constant 320000 : i32
          %sub3A_376 = arith.subi %add3A_363, %sub3A : i32
          %dma_start3A_377 = arith.constant 1 : i32
          %dma_start3A_378 = arith.constant 1 : i32
          %dma_start3A_379 = arith.constant 0 : i32
          %dma_start3A_380 = tpu.memref_slice %arg8[%dma_start3A_378, %dma_start3A_379] : memref<4x128xi32, #tpu.memory_space<vmem>> -> memref<1x128xi32, #tpu.memory_space<vmem>>
          %dma_start3A_381 = tpu.memref_squeeze %dma_start3A_380 : memref<1x128xi32, #tpu.memory_space<vmem>> -> memref<128xi32, #tpu.memory_space<vmem>>
          %dma_start3A_382 = tpu.memref_slice %arg4[%dma_start3A_377, %sub3A_376] : memref<2x7680xi32, #tpu.memory_space<hbm>> -> memref<1x128xi32, #tpu.memory_space<hbm>>
          %dma_start3A_383 = tpu.memref_squeeze %dma_start3A_382 : memref<1x128xi32, #tpu.memory_space<hbm>> -> memref<128xi32, #tpu.memory_space<hbm>>
          %dma_start3A_384 = arith.constant 0 : i32
          %dma_start3A_385 = tpu.memref_slice %arg8[%dma_start3A_378, %dma_start3A_384] : memref<4x128xi32, #tpu.memory_space<vmem>> -> memref<1x128xi32, #tpu.memory_space<vmem>>
          %dma_start3A_386 = tpu.memref_squeeze %dma_start3A_385 : memref<1x128xi32, #tpu.memory_space<vmem>> -> memref<128xi32, #tpu.memory_space<vmem>>
          %dma_start3A_387 = tpu.memref_slice %arg4[%dma_start3A_377, %sub3A_376] : memref<2x7680xi32, #tpu.memory_space<hbm>> -> memref<1x128xi32, #tpu.memory_space<hbm>>
          %dma_start3A_388 = tpu.memref_squeeze %dma_start3A_387 : memref<1x128xi32, #tpu.memory_space<hbm>> -> memref<128xi32, #tpu.memory_space<hbm>>
          tpu.enqueue_dma source(%dma_start3A_388 : memref<128xi32, #tpu.memory_space<hbm>>) target(%dma_start3A_386 : memref<128xi32, #tpu.memory_space<vmem>>) target_semaphore(%arg16 : memref<!tpu.dma_semaphore, #tpu.memory_space<semaphore_mem>>)
        } else {
        }
      } else {
      }
    }
    %scan3A_125 = arith.constant 20 : i32
    %dma_wait3A_126 = arith.constant 3 : i32
    %dma_wait3A_127 = arith.constant 0 : i32
    %dma_wait3A_128 = tpu.memref_slice %arg8[%dma_wait3A_126, %dma_wait3A_127] : memref<4x128xi32, #tpu.memory_space<vmem>> -> memref<1x128xi32, #tpu.memory_space<vmem>>
    %dma_wait3A_129 = tpu.memref_squeeze %dma_wait3A_128 : memref<1x128xi32, #tpu.memory_space<vmem>> -> memref<128xi32, #tpu.memory_space<vmem>>
    %dma_wait3A_130 = arith.constant 0 : i32
    %dma_wait3A_131 = arith.constant 0 : i32
    %dma_wait3A_132 = tpu.memref_slice %arg11[%dma_wait3A_130, %dma_wait3A_131] : memref<10240x128xf32, #tpu.memory_space<vmem_shared>> -> memref<10240x128xf32, #tpu.memory_space<vmem_shared>>
    tpu.wait_indirect_dma semaphore(%arg14 : memref<!tpu.dma_semaphore, #tpu.memory_space<semaphore_mem>>) src(%arg10 : memref<128x128xf32, #tpu.memory_space<vmem>>) dst(%dma_wait3A_132 : memref<10240x128xf32, #tpu.memory_space<vmem_shared>>)
    %barrier3A_133 = arith.constant 0 : index
    tpu.barrier barrier_id(%barrier3A_133)
    %mul3A_134 = arith.constant 640 : i32
    %mul3A_135 = arith.muli %arg1, %mul3A_134 : i32
    %mul3A_136 = arith.constant 640 : i32
    %mul3A_137 = arith.muli %arg1, %mul3A_136 : i32
    "tpu.region"() ({
      %run_scoped3A = tpu.sem_alloc : memref<!tpu.dma_semaphore, #tpu.memory_space<semaphore_mem>>
      %dma_start3A_138 = arith.constant 0 : i32
      %dma_start3A_139 = tpu.memref_slice %arg6[%arg0, %mul3A_137, %dma_start3A_138] : memref<2x10240x128xf32, #tpu.memory_space<hbm>> -> memref<1x640x128xf32, #tpu.memory_space<hbm>>
      %dma_start3A_140 = tpu.memref_squeeze %dma_start3A_139 : memref<1x640x128xf32, #tpu.memory_space<hbm>> -> memref<640x128xf32, #tpu.memory_space<hbm>>
      %dma_start3A_141 = arith.constant 0 : i32
      %dma_start3A_142 = tpu.memref_slice %arg11[%mul3A_135, %dma_start3A_141] : memref<10240x128xf32, #tpu.memory_space<vmem_shared>> -> memref<640x128xf32, #tpu.memory_space<vmem_shared>>
      tpu.enqueue_dma source(%dma_start3A_142 : memref<640x128xf32, #tpu.memory_space<vmem_shared>>) target(%dma_start3A_140 : memref<640x128xf32, #tpu.memory_space<hbm>>) target_semaphore(%run_scoped3A : memref<!tpu.dma_semaphore, #tpu.memory_space<semaphore_mem>>)
      %dma_wait3A_143 = arith.constant 0 : i32
      %dma_wait3A_144 = tpu.memref_slice %arg6[%arg0, %mul3A_137, %dma_wait3A_143] : memref<2x10240x128xf32, #tpu.memory_space<hbm>> -> memref<1x640x128xf32, #tpu.memory_space<hbm>>
      %dma_wait3A_145 = tpu.memref_squeeze %dma_wait3A_144 : memref<1x640x128xf32, #tpu.memory_space<hbm>> -> memref<640x128xf32, #tpu.memory_space<hbm>>
      %dma_wait3A_146 = arith.constant 0 : i32
      %dma_wait3A_147 = tpu.memref_slice %arg11[%mul3A_135, %dma_wait3A_146] : memref<10240x128xf32, #tpu.memory_space<vmem_shared>> -> memref<640x128xf32, #tpu.memory_space<vmem_shared>>
      tpu.wait_dma2 semaphore(%run_scoped3A : memref<!tpu.dma_semaphore, #tpu.memory_space<semaphore_mem>>) src(%dma_wait3A_147 : memref<640x128xf32, #tpu.memory_space<vmem_shared>>) dst(%dma_wait3A_145 : memref<640x128xf32, #tpu.memory_space<hbm>>)
      tpu.yield
    }) : () -> ()
    return
  }
}

#map = affine_map<(d0, d1) -> (0, 0)>
#map1 = affine_map<(d0, d1) -> (0, 0, 0)>
module attributes {stable_mosaic.version = 14 : i64} {
  func.func @_segment_sum_body(%arg0: i32, %arg1: i32, %arg2: memref<10000x128xf32, #tpu.memory_space<hbm>>, %arg3: memref<2x320000xi32, #tpu.memory_space<hbm>>, %arg4: memref<2x7680xi32, #tpu.memory_space<hbm>>, %arg5: memref<128x128xf32, #tpu.memory_space<hbm>>, %arg6: memref<2x10240x128xf32, #tpu.memory_space<hbm>>, %arg7: memref<10240xi32, #tpu.memory_space<vmem>>, %arg8: memref<4x128xi32, #tpu.memory_space<vmem>>, %arg9: memref<128x128xf32, #tpu.memory_space<vmem>>, %arg10: memref<128x128xf32, #tpu.memory_space<vmem>>, %arg11: memref<10240x128xf32, #tpu.memory_space<vmem_shared>>, %arg12: memref<!tpu.dma_semaphore, #tpu.memory_space<semaphore_mem>>, %arg13: memref<!tpu.dma_semaphore, #tpu.memory_space<semaphore_mem>>, %arg14: memref<!tpu.dma_semaphore, #tpu.memory_space<semaphore_mem>>, %arg15: memref<!tpu.dma_semaphore, #tpu.memory_space<semaphore_mem>>, %arg16: memref<!tpu.dma_semaphore, #tpu.memory_space<semaphore_mem>>) attributes {dimension_semantics = [#tpu.dimension_semantics<core_parallel>, #tpu.dimension_semantics<subcore_parallel>], iteration_bounds = array<i64: 2, 16>, scalar_prefetch = 0 : i64, scratch_operands = 10 : i64, tpu.core_type = #tpu.core_type<sc_vector_subcore>, window_params = [{transform_indices = #map}, {transform_indices = #map}, {transform_indices = #map}, {transform_indices = #map}, {transform_indices = #map1}]} {
    %mul3A = arith.constant 2 : i32
    %mul3A_0 = arith.muli %arg1, %mul3A : i32
    %add3A = arith.addi %mul3A_0, %arg0 : i32
    %mul3A_1 = arith.constant 10240 : i32
    %mul3A_2 = arith.muli %add3A, %mul3A_1 : i32
    %lt3A = arith.constant 31 : i32
    %lt3A_3 = arith.cmpi slt, %add3A, %lt3A : i32
    %convert_element_type3A = arith.extui %lt3A_3 : i1 to i32
    %cond3A = arith.constant 0 : i32
    %cond3A_4 = arith.cmpi ne, %convert_element_type3A, %cond3A : i32
    scf.if %cond3A_4 {
      %run_scoped3A = arith.constant 0 : i32
      "tpu.region"() ({
        %run_scoped3A_138 = tpu.sem_alloc : memref<!tpu.dma_semaphore, #tpu.memory_space<semaphore_mem>>
        %dma_start3A_139 = tpu.memref_slice %arg3[%run_scoped3A, %mul3A_2] : memref<2x320000xi32, #tpu.memory_space<hbm>> -> memref<1x10240xi32, #tpu.memory_space<hbm>>
        %dma_start3A_140 = tpu.memref_squeeze %dma_start3A_139 : memref<1x10240xi32, #tpu.memory_space<hbm>> -> memref<10240xi32, #tpu.memory_space<hbm>>
        %dma_start3A_141 = tpu.memref_slice %arg3[%run_scoped3A, %mul3A_2] : memref<2x320000xi32, #tpu.memory_space<hbm>> -> memref<1x10240xi32, #tpu.memory_space<hbm>>
        %dma_start3A_142 = tpu.memref_squeeze %dma_start3A_141 : memref<1x10240xi32, #tpu.memory_space<hbm>> -> memref<10240xi32, #tpu.memory_space<hbm>>
        tpu.enqueue_dma source(%dma_start3A_142 : memref<10240xi32, #tpu.memory_space<hbm>>) target(%arg7 : memref<10240xi32, #tpu.memory_space<vmem>>) target_semaphore(%run_scoped3A_138 : memref<!tpu.dma_semaphore, #tpu.memory_space<semaphore_mem>>)
        %dma_wait3A_143 = tpu.memref_slice %arg3[%run_scoped3A, %mul3A_2] : memref<2x320000xi32, #tpu.memory_space<hbm>> -> memref<1x10240xi32, #tpu.memory_space<hbm>>
        %dma_wait3A_144 = tpu.memref_squeeze %dma_wait3A_143 : memref<1x10240xi32, #tpu.memory_space<hbm>> -> memref<10240xi32, #tpu.memory_space<hbm>>
        %dma_wait3A_145 = tpu.memref_slice %arg3[%run_scoped3A, %mul3A_2] : memref<2x320000xi32, #tpu.memory_space<hbm>> -> memref<1x10240xi32, #tpu.memory_space<hbm>>
        %dma_wait3A_146 = tpu.memref_squeeze %dma_wait3A_145 : memref<1x10240xi32, #tpu.memory_space<hbm>> -> memref<10240xi32, #tpu.memory_space<hbm>>
        tpu.wait_dma2 semaphore(%run_scoped3A_138 : memref<!tpu.dma_semaphore, #tpu.memory_space<semaphore_mem>>) src(%dma_wait3A_146 : memref<10240xi32, #tpu.memory_space<hbm>>) dst(%arg7 : memref<10240xi32, #tpu.memory_space<vmem>>)
        tpu.yield
      }) : () -> ()
    } else {
    }
    %eq3A = arith.constant 31 : i32
    %eq3A_5 = arith.cmpi eq, %add3A, %eq3A : i32
    %convert_element_type3A_6 = arith.extui %eq3A_5 : i1 to i32
    %cond3A_7 = arith.constant 0 : i32
    %cond3A_8 = arith.cmpi ne, %convert_element_type3A_6, %cond3A_7 : i32
    scf.if %cond3A_8 {
      %run_scoped3A = arith.constant 0 : i32
      "tpu.region"() ({
        %run_scoped3A_139 = tpu.sem_alloc : memref<!tpu.dma_semaphore, #tpu.memory_space<semaphore_mem>>
        %dma_start3A_140 = arith.constant 0 : i32
        %dma_start3A_141 = tpu.memref_slice %arg7[%dma_start3A_140] : memref<10240xi32, #tpu.memory_space<vmem>> -> memref<2560xi32, #tpu.memory_space<vmem>>
        %dma_start3A_142 = tpu.memref_slice %arg3[%run_scoped3A, %mul3A_2] : memref<2x320000xi32, #tpu.memory_space<hbm>> -> memref<1x2560xi32, #tpu.memory_space<hbm>>
        %dma_start3A_143 = tpu.memref_squeeze %dma_start3A_142 : memref<1x2560xi32, #tpu.memory_space<hbm>> -> memref<2560xi32, #tpu.memory_space<hbm>>
        %dma_start3A_144 = arith.constant 0 : i32
        %dma_start3A_145 = tpu.memref_slice %arg7[%dma_start3A_144] : memref<10240xi32, #tpu.memory_space<vmem>> -> memref<2560xi32, #tpu.memory_space<vmem>>
        %dma_start3A_146 = tpu.memref_slice %arg3[%run_scoped3A, %mul3A_2] : memref<2x320000xi32, #tpu.memory_space<hbm>> -> memref<1x2560xi32, #tpu.memory_space<hbm>>
        %dma_start3A_147 = tpu.memref_squeeze %dma_start3A_146 : memref<1x2560xi32, #tpu.memory_space<hbm>> -> memref<2560xi32, #tpu.memory_space<hbm>>
        tpu.enqueue_dma source(%dma_start3A_147 : memref<2560xi32, #tpu.memory_space<hbm>>) target(%dma_start3A_145 : memref<2560xi32, #tpu.memory_space<vmem>>) target_semaphore(%run_scoped3A_139 : memref<!tpu.dma_semaphore, #tpu.memory_space<semaphore_mem>>)
        %dma_wait3A_148 = arith.constant 0 : i32
        %dma_wait3A_149 = tpu.memref_slice %arg7[%dma_wait3A_148] : memref<10240xi32, #tpu.memory_space<vmem>> -> memref<2560xi32, #tpu.memory_space<vmem>>
        %dma_wait3A_150 = tpu.memref_slice %arg3[%run_scoped3A, %mul3A_2] : memref<2x320000xi32, #tpu.memory_space<hbm>> -> memref<1x2560xi32, #tpu.memory_space<hbm>>
        %dma_wait3A_151 = tpu.memref_squeeze %dma_wait3A_150 : memref<1x2560xi32, #tpu.memory_space<hbm>> -> memref<2560xi32, #tpu.memory_space<hbm>>
        %dma_wait3A_152 = arith.constant 0 : i32
        %dma_wait3A_153 = tpu.memref_slice %arg7[%dma_wait3A_152] : memref<10240xi32, #tpu.memory_space<vmem>> -> memref<2560xi32, #tpu.memory_space<vmem>>
        %dma_wait3A_154 = tpu.memref_slice %arg3[%run_scoped3A, %mul3A_2] : memref<2x320000xi32, #tpu.memory_space<hbm>> -> memref<1x2560xi32, #tpu.memory_space<hbm>>
        %dma_wait3A_155 = tpu.memref_squeeze %dma_wait3A_154 : memref<1x2560xi32, #tpu.memory_space<hbm>> -> memref<2560xi32, #tpu.memory_space<hbm>>
        tpu.wait_dma2 semaphore(%run_scoped3A_139 : memref<!tpu.dma_semaphore, #tpu.memory_space<semaphore_mem>>) src(%dma_wait3A_155 : memref<2560xi32, #tpu.memory_space<hbm>>) dst(%dma_wait3A_153 : memref<2560xi32, #tpu.memory_space<vmem>>)
        tpu.yield
      }) : () -> ()
      %run_scoped3A_138 = arith.constant 0 : i32
      "tpu.region"() ({
        %run_scoped3A_139 = tpu.sem_alloc : memref<!tpu.dma_semaphore, #tpu.memory_space<semaphore_mem>>
        %dma_start3A_140 = arith.constant 2560 : i32
        %dma_start3A_141 = tpu.memref_slice %arg7[%dma_start3A_140] : memref<10240xi32, #tpu.memory_space<vmem>> -> memref<7680xi32, #tpu.memory_space<vmem>>
        %dma_start3A_142 = arith.constant 0 : i32
        %dma_start3A_143 = tpu.memref_slice %arg4[%run_scoped3A_138, %dma_start3A_142] : memref<2x7680xi32, #tpu.memory_space<hbm>> -> memref<1x7680xi32, #tpu.memory_space<hbm>>
        %dma_start3A_144 = tpu.memref_squeeze %dma_start3A_143 : memref<1x7680xi32, #tpu.memory_space<hbm>> -> memref<7680xi32, #tpu.memory_space<hbm>>
        %dma_start3A_145 = arith.constant 2560 : i32
        %dma_start3A_146 = tpu.memref_slice %arg7[%dma_start3A_145] : memref<10240xi32, #tpu.memory_space<vmem>> -> memref<7680xi32, #tpu.memory_space<vmem>>
        %dma_start3A_147 = arith.constant 0 : i32
        %dma_start3A_148 = tpu.memref_slice %arg4[%run_scoped3A_138, %dma_start3A_147] : memref<2x7680xi32, #tpu.memory_space<hbm>> -> memref<1x7680xi32, #tpu.memory_space<hbm>>
        %dma_start3A_149 = tpu.memref_squeeze %dma_start3A_148 : memref<1x7680xi32, #tpu.memory_space<hbm>> -> memref<7680xi32, #tpu.memory_space<hbm>>
        tpu.enqueue_dma source(%dma_start3A_149 : memref<7680xi32, #tpu.memory_space<hbm>>) target(%dma_start3A_146 : memref<7680xi32, #tpu.memory_space<vmem>>) target_semaphore(%run_scoped3A_139 : memref<!tpu.dma_semaphore, #tpu.memory_space<semaphore_mem>>)
        %dma_wait3A_150 = arith.constant 2560 : i32
        %dma_wait3A_151 = tpu.memref_slice %arg7[%dma_wait3A_150] : memref<10240xi32, #tpu.memory_space<vmem>> -> memref<7680xi32, #tpu.memory_space<vmem>>
        %dma_wait3A_152 = arith.constant 0 : i32
        %dma_wait3A_153 = tpu.memref_slice %arg4[%run_scoped3A_138, %dma_wait3A_152] : memref<2x7680xi32, #tpu.memory_space<hbm>> -> memref<1x7680xi32, #tpu.memory_space<hbm>>
        %dma_wait3A_154 = tpu.memref_squeeze %dma_wait3A_153 : memref<1x7680xi32, #tpu.memory_space<hbm>> -> memref<7680xi32, #tpu.memory_space<hbm>>
        %dma_wait3A_155 = arith.constant 2560 : i32
        %dma_wait3A_156 = tpu.memref_slice %arg7[%dma_wait3A_155] : memref<10240xi32, #tpu.memory_space<vmem>> -> memref<7680xi32, #tpu.memory_space<vmem>>
        %dma_wait3A_157 = arith.constant 0 : i32
        %dma_wait3A_158 = tpu.memref_slice %arg4[%run_scoped3A_138, %dma_wait3A_157] : memref<2x7680xi32, #tpu.memory_space<hbm>> -> memref<1x7680xi32, #tpu.memory_space<hbm>>
        %dma_wait3A_159 = tpu.memref_squeeze %dma_wait3A_158 : memref<1x7680xi32, #tpu.memory_space<hbm>> -> memref<7680xi32, #tpu.memory_space<hbm>>
        tpu.wait_dma2 semaphore(%run_scoped3A_139 : memref<!tpu.dma_semaphore, #tpu.memory_space<semaphore_mem>>) src(%dma_wait3A_159 : memref<7680xi32, #tpu.memory_space<hbm>>) dst(%dma_wait3A_156 : memref<7680xi32, #tpu.memory_space<vmem>>)
        tpu.yield
      }) : () -> ()
    } else {
    }
    %add3A_9 = arith.constant 0 : i32
    %add3A_10 = arith.addi %mul3A_2, %add3A_9 : i32
    %add3A_11 = arith.constant 128 : i32
    %add3A_12 = arith.addi %add3A_10, %add3A_11 : i32
    %le3A = arith.constant 320000 : i32
    %le3A_13 = arith.cmpi sle, %add3A_12, %le3A : i32
    %convert_element_type3A_14 = arith.extui %le3A_13 : i1 to i32
    %cond3A_15 = arith.constant 0 : i32
    %cond3A_16 = arith.cmpi ne, %convert_element_type3A_14, %cond3A_15 : i32
    scf.if %cond3A_16 {
      %dma_start3A_138 = arith.constant 1 : i32
      %dma_start3A_139 = arith.constant 0 : i32
      %dma_start3A_140 = arith.constant 0 : i32
      %dma_start3A_141 = tpu.memref_slice %arg8[%dma_start3A_139, %dma_start3A_140] : memref<4x128xi32, #tpu.memory_space<vmem>> -> memref<1x128xi32, #tpu.memory_space<vmem>>
      %dma_start3A_142 = tpu.memref_squeeze %dma_start3A_141 : memref<1x128xi32, #tpu.memory_space<vmem>> -> memref<128xi32, #tpu.memory_space<vmem>>
      %dma_start3A_143 = tpu.memref_slice %arg3[%dma_start3A_138, %add3A_10] : memref<2x320000xi32, #tpu.memory_space<hbm>> -> memref<1x128xi32, #tpu.memory_space<hbm>>
      %dma_start3A_144 = tpu.memref_squeeze %dma_start3A_143 : memref<1x128xi32, #tpu.memory_space<hbm>> -> memref<128xi32, #tpu.memory_space<hbm>>
      %dma_start3A_145 = arith.constant 0 : i32
      %dma_start3A_146 = tpu.memref_slice %arg8[%dma_start3A_139, %dma_start3A_145] : memref<4x128xi32, #tpu.memory_space<vmem>> -> memref<1x128xi32, #tpu.memory_space<vmem>>
      %dma_start3A_147 = tpu.memref_squeeze %dma_start3A_146 : memref<1x128xi32, #tpu.memory_space<vmem>> -> memref<128xi32, #tpu.memory_space<vmem>>
      %dma_start3A_148 = tpu.memref_slice %arg3[%dma_start3A_138, %add3A_10] : memref<2x320000xi32, #tpu.memory_space<hbm>> -> memref<1x128xi32, #tpu.memory_space<hbm>>
      %dma_start3A_149 = tpu.memref_squeeze %dma_start3A_148 : memref<1x128xi32, #tpu.memory_space<hbm>> -> memref<128xi32, #tpu.memory_space<hbm>>
      tpu.enqueue_dma source(%dma_start3A_149 : memref<128xi32, #tpu.memory_space<hbm>>) target(%dma_start3A_147 : memref<128xi32, #tpu.memory_space<vmem>>) target_semaphore(%arg15 : memref<!tpu.dma_semaphore, #tpu.memory_space<semaphore_mem>>)
    } else {
    }
    %ge3A = arith.constant 320000 : i32
    %ge3A_17 = arith.cmpi sge, %add3A_10, %ge3A : i32
    %convert_element_type3A_18 = arith.extui %ge3A_17 : i1 to i32
    %cond3A_19 = arith.constant 0 : i32
    %cond3A_20 = arith.cmpi ne, %convert_element_type3A_18, %cond3A_19 : i32
    scf.if %cond3A_20 {
      %sub3A = arith.constant 320000 : i32
      %sub3A_138 = arith.subi %add3A_10, %sub3A : i32
      %dma_start3A_139 = arith.constant 1 : i32
      %dma_start3A_140 = arith.constant 0 : i32
      %dma_start3A_141 = arith.constant 0 : i32
      %dma_start3A_142 = tpu.memref_slice %arg8[%dma_start3A_140, %dma_start3A_141] : memref<4x128xi32, #tpu.memory_space<vmem>> -> memref<1x128xi32, #tpu.memory_space<vmem>>
      %dma_start3A_143 = tpu.memref_squeeze %dma_start3A_142 : memref<1x128xi32, #tpu.memory_space<vmem>> -> memref<128xi32, #tpu.memory_space<vmem>>
      %dma_start3A_144 = tpu.memref_slice %arg4[%dma_start3A_139, %sub3A_138] : memref<2x7680xi32, #tpu.memory_space<hbm>> -> memref<1x128xi32, #tpu.memory_space<hbm>>
      %dma_start3A_145 = tpu.memref_squeeze %dma_start3A_144 : memref<1x128xi32, #tpu.memory_space<hbm>> -> memref<128xi32, #tpu.memory_space<hbm>>
      %dma_start3A_146 = arith.constant 0 : i32
      %dma_start3A_147 = tpu.memref_slice %arg8[%dma_start3A_140, %dma_start3A_146] : memref<4x128xi32, #tpu.memory_space<vmem>> -> memref<1x128xi32, #tpu.memory_space<vmem>>
      %dma_start3A_148 = tpu.memref_squeeze %dma_start3A_147 : memref<1x128xi32, #tpu.memory_space<vmem>> -> memref<128xi32, #tpu.memory_space<vmem>>
      %dma_start3A_149 = tpu.memref_slice %arg4[%dma_start3A_139, %sub3A_138] : memref<2x7680xi32, #tpu.memory_space<hbm>> -> memref<1x128xi32, #tpu.memory_space<hbm>>
      %dma_start3A_150 = tpu.memref_squeeze %dma_start3A_149 : memref<1x128xi32, #tpu.memory_space<hbm>> -> memref<128xi32, #tpu.memory_space<hbm>>
      tpu.enqueue_dma source(%dma_start3A_150 : memref<128xi32, #tpu.memory_space<hbm>>) target(%dma_start3A_148 : memref<128xi32, #tpu.memory_space<vmem>>) target_semaphore(%arg15 : memref<!tpu.dma_semaphore, #tpu.memory_space<semaphore_mem>>)
    } else {
    }
    %dma_wait3A = arith.constant 1 : i32
    %dma_wait3A_21 = arith.constant 0 : i32
    %dma_wait3A_22 = arith.constant 0 : i32
    %dma_wait3A_23 = tpu.memref_slice %arg8[%dma_wait3A_21, %dma_wait3A_22] : memref<4x128xi32, #tpu.memory_space<vmem>> -> memref<1x128xi32, #tpu.memory_space<vmem>>
    %dma_wait3A_24 = tpu.memref_squeeze %dma_wait3A_23 : memref<1x128xi32, #tpu.memory_space<vmem>> -> memref<128xi32, #tpu.memory_space<vmem>>
    %dma_wait3A_25 = tpu.memref_slice %arg3[%dma_wait3A, %mul3A_2] : memref<2x320000xi32, #tpu.memory_space<hbm>> -> memref<1x128xi32, #tpu.memory_space<hbm>>
    %dma_wait3A_26 = tpu.memref_squeeze %dma_wait3A_25 : memref<1x128xi32, #tpu.memory_space<hbm>> -> memref<128xi32, #tpu.memory_space<hbm>>
    %dma_wait3A_27 = arith.constant 0 : i32
    %dma_wait3A_28 = tpu.memref_slice %arg8[%dma_wait3A_21, %dma_wait3A_27] : memref<4x128xi32, #tpu.memory_space<vmem>> -> memref<1x128xi32, #tpu.memory_space<vmem>>
    %dma_wait3A_29 = tpu.memref_squeeze %dma_wait3A_28 : memref<1x128xi32, #tpu.memory_space<vmem>> -> memref<128xi32, #tpu.memory_space<vmem>>
    %dma_wait3A_30 = tpu.memref_slice %arg3[%dma_wait3A, %mul3A_2] : memref<2x320000xi32, #tpu.memory_space<hbm>> -> memref<1x128xi32, #tpu.memory_space<hbm>>
    %dma_wait3A_31 = tpu.memref_squeeze %dma_wait3A_30 : memref<1x128xi32, #tpu.memory_space<hbm>> -> memref<128xi32, #tpu.memory_space<hbm>>
    tpu.wait_dma2 semaphore(%arg15 : memref<!tpu.dma_semaphore, #tpu.memory_space<semaphore_mem>>) src(%dma_wait3A_31 : memref<128xi32, #tpu.memory_space<hbm>>) dst(%dma_wait3A_29 : memref<128xi32, #tpu.memory_space<vmem>>)
    %dma_start3A = arith.constant 0 : i32
    %dma_start3A_32 = arith.constant 0 : i32
    %dma_start3A_33 = tpu.memref_slice %arg9[%dma_start3A, %dma_start3A_32] : memref<128x128xf32, #tpu.memory_space<vmem>> -> memref<64x128xf32, #tpu.memory_space<vmem>>
    %dma_start3A_34 = arith.constant 0 : i32
    %dma_start3A_35 = tpu.memref_slice %arg7[%dma_start3A_34] : memref<10240xi32, #tpu.memory_space<vmem>> -> memref<64xi32, #tpu.memory_space<vmem>>
    %dma_start3A_36 = arith.constant 0 : i32
    %dma_start3A_37 = arith.constant 0 : i32
    %dma_start3A_38 = tpu.memref_slice %arg2[%dma_start3A_36, %dma_start3A_37] : memref<10000x128xf32, #tpu.memory_space<hbm>> -> memref<10000x128xf32, #tpu.memory_space<hbm>>
    tpu.enqueue_indirect_dma source(%dma_start3A_38 : memref<10000x128xf32, #tpu.memory_space<hbm>>) target(%dma_start3A_33 : memref<64x128xf32, #tpu.memory_space<vmem>>) offsets(%dma_start3A_35 : memref<64xi32, #tpu.memory_space<vmem>>) semaphore(%arg12 : memref<!tpu.dma_semaphore, #tpu.memory_space<semaphore_mem>>)
    %dma_start3A_39 = arith.constant 64 : i32
    %dma_start3A_40 = arith.constant 0 : i32
    %dma_start3A_41 = tpu.memref_slice %arg9[%dma_start3A_39, %dma_start3A_40] : memref<128x128xf32, #tpu.memory_space<vmem>> -> memref<64x128xf32, #tpu.memory_space<vmem>>
    %dma_start3A_42 = arith.constant 64 : i32
    %dma_start3A_43 = tpu.memref_slice %arg7[%dma_start3A_42] : memref<10240xi32, #tpu.memory_space<vmem>> -> memref<64xi32, #tpu.memory_space<vmem>>
    %dma_start3A_44 = arith.constant 0 : i32
    %dma_start3A_45 = arith.constant 0 : i32
    %dma_start3A_46 = tpu.memref_slice %arg2[%dma_start3A_44, %dma_start3A_45] : memref<10000x128xf32, #tpu.memory_space<hbm>> -> memref<10000x128xf32, #tpu.memory_space<hbm>>
    tpu.enqueue_indirect_dma source(%dma_start3A_46 : memref<10000x128xf32, #tpu.memory_space<hbm>>) target(%dma_start3A_41 : memref<64x128xf32, #tpu.memory_space<vmem>>) offsets(%dma_start3A_43 : memref<64xi32, #tpu.memory_space<vmem>>) semaphore(%arg12 : memref<!tpu.dma_semaphore, #tpu.memory_space<semaphore_mem>>)
    %add3A_47 = arith.constant 128 : i32
    %add3A_48 = arith.addi %mul3A_2, %add3A_47 : i32
    %add3A_49 = arith.constant 128 : i32
    %add3A_50 = arith.addi %add3A_48, %add3A_49 : i32
    %le3A_51 = arith.constant 320000 : i32
    %le3A_52 = arith.cmpi sle, %add3A_50, %le3A_51 : i32
    %convert_element_type3A_53 = arith.extui %le3A_52 : i1 to i32
    %cond3A_54 = arith.constant 0 : i32
    %cond3A_55 = arith.cmpi ne, %convert_element_type3A_53, %cond3A_54 : i32
    scf.if %cond3A_55 {
      %dma_start3A_138 = arith.constant 1 : i32
      %dma_start3A_139 = arith.constant 1 : i32
      %dma_start3A_140 = arith.constant 0 : i32
      %dma_start3A_141 = tpu.memref_slice %arg8[%dma_start3A_139, %dma_start3A_140] : memref<4x128xi32, #tpu.memory_space<vmem>> -> memref<1x128xi32, #tpu.memory_space<vmem>>
      %dma_start3A_142 = tpu.memref_squeeze %dma_start3A_141 : memref<1x128xi32, #tpu.memory_space<vmem>> -> memref<128xi32, #tpu.memory_space<vmem>>
      %dma_start3A_143 = tpu.memref_slice %arg3[%dma_start3A_138, %add3A_48] : memref<2x320000xi32, #tpu.memory_space<hbm>> -> memref<1x128xi32, #tpu.memory_space<hbm>>
      %dma_start3A_144 = tpu.memref_squeeze %dma_start3A_143 : memref<1x128xi32, #tpu.memory_space<hbm>> -> memref<128xi32, #tpu.memory_space<hbm>>
      %dma_start3A_145 = arith.constant 0 : i32
      %dma_start3A_146 = tpu.memref_slice %arg8[%dma_start3A_139, %dma_start3A_145] : memref<4x128xi32, #tpu.memory_space<vmem>> -> memref<1x128xi32, #tpu.memory_space<vmem>>
      %dma_start3A_147 = tpu.memref_squeeze %dma_start3A_146 : memref<1x128xi32, #tpu.memory_space<vmem>> -> memref<128xi32, #tpu.memory_space<vmem>>
      %dma_start3A_148 = tpu.memref_slice %arg3[%dma_start3A_138, %add3A_48] : memref<2x320000xi32, #tpu.memory_space<hbm>> -> memref<1x128xi32, #tpu.memory_space<hbm>>
      %dma_start3A_149 = tpu.memref_squeeze %dma_start3A_148 : memref<1x128xi32, #tpu.memory_space<hbm>> -> memref<128xi32, #tpu.memory_space<hbm>>
      tpu.enqueue_dma source(%dma_start3A_149 : memref<128xi32, #tpu.memory_space<hbm>>) target(%dma_start3A_147 : memref<128xi32, #tpu.memory_space<vmem>>) target_semaphore(%arg16 : memref<!tpu.dma_semaphore, #tpu.memory_space<semaphore_mem>>)
    } else {
    }
    %ge3A_56 = arith.constant 320000 : i32
    %ge3A_57 = arith.cmpi sge, %add3A_48, %ge3A_56 : i32
    %convert_element_type3A_58 = arith.extui %ge3A_57 : i1 to i32
    %cond3A_59 = arith.constant 0 : i32
    %cond3A_60 = arith.cmpi ne, %convert_element_type3A_58, %cond3A_59 : i32
    scf.if %cond3A_60 {
      %sub3A = arith.constant 320000 : i32
      %sub3A_138 = arith.subi %add3A_48, %sub3A : i32
      %dma_start3A_139 = arith.constant 1 : i32
      %dma_start3A_140 = arith.constant 1 : i32
      %dma_start3A_141 = arith.constant 0 : i32
      %dma_start3A_142 = tpu.memref_slice %arg8[%dma_start3A_140, %dma_start3A_141] : memref<4x128xi32, #tpu.memory_space<vmem>> -> memref<1x128xi32, #tpu.memory_space<vmem>>
      %dma_start3A_143 = tpu.memref_squeeze %dma_start3A_142 : memref<1x128xi32, #tpu.memory_space<vmem>> -> memref<128xi32, #tpu.memory_space<vmem>>
      %dma_start3A_144 = tpu.memref_slice %arg4[%dma_start3A_139, %sub3A_138] : memref<2x7680xi32, #tpu.memory_space<hbm>> -> memref<1x128xi32, #tpu.memory_space<hbm>>
      %dma_start3A_145 = tpu.memref_squeeze %dma_start3A_144 : memref<1x128xi32, #tpu.memory_space<hbm>> -> memref<128xi32, #tpu.memory_space<hbm>>
      %dma_start3A_146 = arith.constant 0 : i32
      %dma_start3A_147 = tpu.memref_slice %arg8[%dma_start3A_140, %dma_start3A_146] : memref<4x128xi32, #tpu.memory_space<vmem>> -> memref<1x128xi32, #tpu.memory_space<vmem>>
      %dma_start3A_148 = tpu.memref_squeeze %dma_start3A_147 : memref<1x128xi32, #tpu.memory_space<vmem>> -> memref<128xi32, #tpu.memory_space<vmem>>
      %dma_start3A_149 = tpu.memref_slice %arg4[%dma_start3A_139, %sub3A_138] : memref<2x7680xi32, #tpu.memory_space<hbm>> -> memref<1x128xi32, #tpu.memory_space<hbm>>
      %dma_start3A_150 = tpu.memref_squeeze %dma_start3A_149 : memref<1x128xi32, #tpu.memory_space<hbm>> -> memref<128xi32, #tpu.memory_space<hbm>>
      tpu.enqueue_dma source(%dma_start3A_150 : memref<128xi32, #tpu.memory_space<hbm>>) target(%dma_start3A_148 : memref<128xi32, #tpu.memory_space<vmem>>) target_semaphore(%arg16 : memref<!tpu.dma_semaphore, #tpu.memory_space<semaphore_mem>>)
    } else {
    }
    %mul3A_61 = arith.constant 640 : i32
    %mul3A_62 = arith.muli %arg1, %mul3A_61 : i32
    %add3A_63 = arith.constant 0 : i32
    %add3A_64 = arith.addi %mul3A_62, %add3A_63 : i32
    %dma_start3A_65 = arith.constant 0 : i32
    %dma_start3A_66 = tpu.memref_slice %arg11[%add3A_64, %dma_start3A_65] : memref<10240x128xf32, #tpu.memory_space<vmem_shared>> -> memref<128x128xf32, #tpu.memory_space<vmem_shared>>
    tpu.enqueue_dma source(%arg5 : memref<128x128xf32, #tpu.memory_space<hbm>>) target(%dma_start3A_66 : memref<128x128xf32, #tpu.memory_space<vmem_shared>>) target_semaphore(%arg14 : memref<!tpu.dma_semaphore, #tpu.memory_space<semaphore_mem>>)
    %mul3A_67 = arith.constant 640 : i32
    %mul3A_68 = arith.muli %arg1, %mul3A_67 : i32
    %add3A_69 = arith.constant 128 : i32
    %add3A_70 = arith.addi %mul3A_68, %add3A_69 : i32
    %dma_start3A_71 = arith.constant 0 : i32
    %dma_start3A_72 = tpu.memref_slice %arg11[%add3A_70, %dma_start3A_71] : memref<10240x128xf32, #tpu.memory_space<vmem_shared>> -> memref<128x128xf32, #tpu.memory_space<vmem_shared>>
    tpu.enqueue_dma source(%arg5 : memref<128x128xf32, #tpu.memory_space<hbm>>) target(%dma_start3A_72 : memref<128x128xf32, #tpu.memory_space<vmem_shared>>) target_semaphore(%arg14 : memref<!tpu.dma_semaphore, #tpu.memory_space<semaphore_mem>>)
    %mul3A_73 = arith.constant 640 : i32
    %mul3A_74 = arith.muli %arg1, %mul3A_73 : i32
    %add3A_75 = arith.constant 256 : i32
    %add3A_76 = arith.addi %mul3A_74, %add3A_75 : i32
    %dma_start3A_77 = arith.constant 0 : i32
    %dma_start3A_78 = tpu.memref_slice %arg11[%add3A_76, %dma_start3A_77] : memref<10240x128xf32, #tpu.memory_space<vmem_shared>> -> memref<128x128xf32, #tpu.memory_space<vmem_shared>>
    tpu.enqueue_dma source(%arg5 : memref<128x128xf32, #tpu.memory_space<hbm>>) target(%dma_start3A_78 : memref<128x128xf32, #tpu.memory_space<vmem_shared>>) target_semaphore(%arg14 : memref<!tpu.dma_semaphore, #tpu.memory_space<semaphore_mem>>)
    %mul3A_79 = arith.constant 640 : i32
    %mul3A_80 = arith.muli %arg1, %mul3A_79 : i32
    %add3A_81 = arith.constant 384 : i32
    %add3A_82 = arith.addi %mul3A_80, %add3A_81 : i32
    %dma_start3A_83 = arith.constant 0 : i32
    %dma_start3A_84 = tpu.memref_slice %arg11[%add3A_82, %dma_start3A_83] : memref<10240x128xf32, #tpu.memory_space<vmem_shared>> -> memref<128x128xf32, #tpu.memory_space<vmem_shared>>
    tpu.enqueue_dma source(%arg5 : memref<128x128xf32, #tpu.memory_space<hbm>>) target(%dma_start3A_84 : memref<128x128xf32, #tpu.memory_space<vmem_shared>>) target_semaphore(%arg14 : memref<!tpu.dma_semaphore, #tpu.memory_space<semaphore_mem>>)
    %mul3A_85 = arith.constant 640 : i32
    %mul3A_86 = arith.muli %arg1, %mul3A_85 : i32
    %add3A_87 = arith.constant 512 : i32
    %add3A_88 = arith.addi %mul3A_86, %add3A_87 : i32
    %dma_start3A_89 = arith.constant 0 : i32
    %dma_start3A_90 = tpu.memref_slice %arg11[%add3A_88, %dma_start3A_89] : memref<10240x128xf32, #tpu.memory_space<vmem_shared>> -> memref<128x128xf32, #tpu.memory_space<vmem_shared>>
    tpu.enqueue_dma source(%arg5 : memref<128x128xf32, #tpu.memory_space<hbm>>) target(%dma_start3A_90 : memref<128x128xf32, #tpu.memory_space<vmem_shared>>) target_semaphore(%arg14 : memref<!tpu.dma_semaphore, #tpu.memory_space<semaphore_mem>>)
    %mul3A_91 = arith.constant 640 : i32
    %mul3A_92 = arith.muli %arg1, %mul3A_91 : i32
    %add3A_93 = arith.constant 0 : i32
    %add3A_94 = arith.addi %mul3A_92, %add3A_93 : i32
    %dma_wait3A_95 = arith.constant 0 : i32
    %dma_wait3A_96 = tpu.memref_slice %arg11[%add3A_94, %dma_wait3A_95] : memref<10240x128xf32, #tpu.memory_space<vmem_shared>> -> memref<128x128xf32, #tpu.memory_space<vmem_shared>>
    tpu.wait_dma2 semaphore(%arg14 : memref<!tpu.dma_semaphore, #tpu.memory_space<semaphore_mem>>) src(%arg5 : memref<128x128xf32, #tpu.memory_space<hbm>>) dst(%dma_wait3A_96 : memref<128x128xf32, #tpu.memory_space<vmem_shared>>)
    %mul3A_97 = arith.constant 640 : i32
    %mul3A_98 = arith.muli %arg1, %mul3A_97 : i32
    %add3A_99 = arith.constant 128 : i32
    %add3A_100 = arith.addi %mul3A_98, %add3A_99 : i32
    %dma_wait3A_101 = arith.constant 0 : i32
    %dma_wait3A_102 = tpu.memref_slice %arg11[%add3A_100, %dma_wait3A_101] : memref<10240x128xf32, #tpu.memory_space<vmem_shared>> -> memref<128x128xf32, #tpu.memory_space<vmem_shared>>
    tpu.wait_dma2 semaphore(%arg14 : memref<!tpu.dma_semaphore, #tpu.memory_space<semaphore_mem>>) src(%arg5 : memref<128x128xf32, #tpu.memory_space<hbm>>) dst(%dma_wait3A_102 : memref<128x128xf32, #tpu.memory_space<vmem_shared>>)
    %mul3A_103 = arith.constant 640 : i32
    %mul3A_104 = arith.muli %arg1, %mul3A_103 : i32
    %add3A_105 = arith.constant 256 : i32
    %add3A_106 = arith.addi %mul3A_104, %add3A_105 : i32
    %dma_wait3A_107 = arith.constant 0 : i32
    %dma_wait3A_108 = tpu.memref_slice %arg11[%add3A_106, %dma_wait3A_107] : memref<10240x128xf32, #tpu.memory_space<vmem_shared>> -> memref<128x128xf32, #tpu.memory_space<vmem_shared>>
    tpu.wait_dma2 semaphore(%arg14 : memref<!tpu.dma_semaphore, #tpu.memory_space<semaphore_mem>>) src(%arg5 : memref<128x128xf32, #tpu.memory_space<hbm>>) dst(%dma_wait3A_108 : memref<128x128xf32, #tpu.memory_space<vmem_shared>>)
    %mul3A_109 = arith.constant 640 : i32
    %mul3A_110 = arith.muli %arg1, %mul3A_109 : i32
    %add3A_111 = arith.constant 384 : i32
    %add3A_112 = arith.addi %mul3A_110, %add3A_111 : i32
    %dma_wait3A_113 = arith.constant 0 : i32
    %dma_wait3A_114 = tpu.memref_slice %arg11[%add3A_112, %dma_wait3A_113] : memref<10240x128xf32, #tpu.memory_space<vmem_shared>> -> memref<128x128xf32, #tpu.memory_space<vmem_shared>>
    tpu.wait_dma2 semaphore(%arg14 : memref<!tpu.dma_semaphore, #tpu.memory_space<semaphore_mem>>) src(%arg5 : memref<128x128xf32, #tpu.memory_space<hbm>>) dst(%dma_wait3A_114 : memref<128x128xf32, #tpu.memory_space<vmem_shared>>)
    %mul3A_115 = arith.constant 640 : i32
    %mul3A_116 = arith.muli %arg1, %mul3A_115 : i32
    %add3A_117 = arith.constant 512 : i32
    %add3A_118 = arith.addi %mul3A_116, %add3A_117 : i32
    %dma_wait3A_119 = arith.constant 0 : i32
    %dma_wait3A_120 = tpu.memref_slice %arg11[%add3A_118, %dma_wait3A_119] : memref<10240x128xf32, #tpu.memory_space<vmem_shared>> -> memref<128x128xf32, #tpu.memory_space<vmem_shared>>
    tpu.wait_dma2 semaphore(%arg14 : memref<!tpu.dma_semaphore, #tpu.memory_space<semaphore_mem>>) src(%arg5 : memref<128x128xf32, #tpu.memory_space<hbm>>) dst(%dma_wait3A_120 : memref<128x128xf32, #tpu.memory_space<vmem_shared>>)
    %barrier3A = arith.constant 0 : index
    tpu.barrier barrier_id(%barrier3A)
    %scan3A = arith.constant 0 : i32
    %scan3A_121 = arith.constant 0 : i32
    %scan3A_122 = arith.constant 20 : i32
    %scan3A_123 = arith.addi %scan3A_121, %scan3A_122 : i32
    %scan3A_124 = arith.constant 1 : i32
    scf.for %scan3A_138 = %scan3A_121 to %scan3A_123 step %scan3A_124  : i32 {
      %mul3A_139 = arith.constant 4 : i32
      %mul3A_140 = arith.muli %mul3A_139, %scan3A_138 : i32
      %add3A_141 = arith.constant 0 : i32
      %add3A_142 = arith.addi %mul3A_140, %add3A_141 : i32
      %ge3A_143 = arith.constant 1 : i32
      %ge3A_144 = arith.cmpi sge, %add3A_142, %ge3A_143 : i32
      %convert_element_type3A_145 = arith.extui %ge3A_144 : i1 to i32
      %cond3A_146 = arith.constant 0 : i32
      %cond3A_147 = arith.cmpi ne, %convert_element_type3A_145, %cond3A_146 : i32
      scf.if %cond3A_147 {
        %dma_wait3A_359 = arith.constant 3 : i32
        %dma_wait3A_360 = arith.constant 0 : i32
        %dma_wait3A_361 = tpu.memref_slice %arg8[%dma_wait3A_359, %dma_wait3A_360] : memref<4x128xi32, #tpu.memory_space<vmem>> -> memref<1x128xi32, #tpu.memory_space<vmem>>
        %dma_wait3A_362 = tpu.memref_squeeze %dma_wait3A_361 : memref<1x128xi32, #tpu.memory_space<vmem>> -> memref<128xi32, #tpu.memory_space<vmem>>
        %dma_wait3A_363 = arith.constant 0 : i32
        %dma_wait3A_364 = arith.constant 0 : i32
        %dma_wait3A_365 = tpu.memref_slice %arg11[%dma_wait3A_363, %dma_wait3A_364] : memref<10240x128xf32, #tpu.memory_space<vmem_shared>> -> memref<10240x128xf32, #tpu.memory_space<vmem_shared>>
        tpu.wait_indirect_dma semaphore(%arg14 : memref<!tpu.dma_semaphore, #tpu.memory_space<semaphore_mem>>) src(%arg10 : memref<128x128xf32, #tpu.memory_space<vmem>>) dst(%dma_wait3A_365 : memref<10240x128xf32, #tpu.memory_space<vmem_shared>>)
      } else {
      }
      %add3A_148 = arith.constant 1 : i32
      %add3A_149 = arith.addi %add3A_142, %add3A_148 : i32
      %lt3A_150 = arith.constant 80 : i32
      %lt3A_151 = arith.cmpi slt, %add3A_149, %lt3A_150 : i32
      %convert_element_type3A_152 = arith.extui %lt3A_151 : i1 to i32
      %cond3A_153 = arith.constant 0 : i32
      %cond3A_154 = arith.cmpi ne, %convert_element_type3A_152, %cond3A_153 : i32
      scf.if %cond3A_154 {
        %add3A_359 = arith.constant 1 : i32
        %add3A_360 = arith.addi %add3A_142, %add3A_359 : i32
        %mul3A_361 = arith.constant 128 : i32
        %mul3A_362 = arith.muli %add3A_360, %mul3A_361 : i32
        %dma_start3A_363 = arith.constant 0 : i32
        %dma_start3A_364 = arith.constant 0 : i32
        %dma_start3A_365 = tpu.memref_slice %arg10[%dma_start3A_363, %dma_start3A_364] : memref<128x128xf32, #tpu.memory_space<vmem>> -> memref<64x128xf32, #tpu.memory_space<vmem>>
        %dma_start3A_366 = tpu.memref_slice %arg7[%mul3A_362] : memref<10240xi32, #tpu.memory_space<vmem>> -> memref<64xi32, #tpu.memory_space<vmem>>
        %dma_start3A_367 = arith.constant 0 : i32
        %dma_start3A_368 = arith.constant 0 : i32
        %dma_start3A_369 = tpu.memref_slice %arg2[%dma_start3A_367, %dma_start3A_368] : memref<10000x128xf32, #tpu.memory_space<hbm>> -> memref<10000x128xf32, #tpu.memory_space<hbm>>
        tpu.enqueue_indirect_dma source(%dma_start3A_369 : memref<10000x128xf32, #tpu.memory_space<hbm>>) target(%dma_start3A_365 : memref<64x128xf32, #tpu.memory_space<vmem>>) offsets(%dma_start3A_366 : memref<64xi32, #tpu.memory_space<vmem>>) semaphore(%arg13 : memref<!tpu.dma_semaphore, #tpu.memory_space<semaphore_mem>>)
        %mul3A_370 = arith.constant 128 : i32
        %mul3A_371 = arith.muli %add3A_360, %mul3A_370 : i32
        %add3A_372 = arith.constant 64 : i32
        %add3A_373 = arith.addi %mul3A_371, %add3A_372 : i32
        %dma_start3A_374 = arith.constant 64 : i32
        %dma_start3A_375 = arith.constant 0 : i32
        %dma_start3A_376 = tpu.memref_slice %arg10[%dma_start3A_374, %dma_start3A_375] : memref<128x128xf32, #tpu.memory_space<vmem>> -> memref<64x128xf32, #tpu.memory_space<vmem>>
        %dma_start3A_377 = tpu.memref_slice %arg7[%add3A_373] : memref<10240xi32, #tpu.memory_space<vmem>> -> memref<64xi32, #tpu.memory_space<vmem>>
        %dma_start3A_378 = arith.constant 0 : i32
        %dma_start3A_379 = arith.constant 0 : i32
        %dma_start3A_380 = tpu.memref_slice %arg2[%dma_start3A_378, %dma_start3A_379] : memref<10000x128xf32, #tpu.memory_space<hbm>> -> memref<10000x128xf32, #tpu.memory_space<hbm>>
        tpu.enqueue_indirect_dma source(%dma_start3A_380 : memref<10000x128xf32, #tpu.memory_space<hbm>>) target(%dma_start3A_376 : memref<64x128xf32, #tpu.memory_space<vmem>>) offsets(%dma_start3A_377 : memref<64xi32, #tpu.memory_space<vmem>>) semaphore(%arg13 : memref<!tpu.dma_semaphore, #tpu.memory_space<semaphore_mem>>)
      } else {
      }
      %mul3A_155 = arith.constant 128 : i32
      %mul3A_156 = arith.muli %add3A_142, %mul3A_155 : i32
      %dma_wait3A_157 = arith.constant 0 : i32
      %dma_wait3A_158 = arith.constant 0 : i32
      %dma_wait3A_159 = tpu.memref_slice %arg9[%dma_wait3A_157, %dma_wait3A_158] : memref<128x128xf32, #tpu.memory_space<vmem>> -> memref<64x128xf32, #tpu.memory_space<vmem>>
      %dma_wait3A_160 = tpu.memref_slice %arg7[%mul3A_156] : memref<10240xi32, #tpu.memory_space<vmem>> -> memref<64xi32, #tpu.memory_space<vmem>>
      %dma_wait3A_161 = arith.constant 0 : i32
      %dma_wait3A_162 = arith.constant 0 : i32
      %dma_wait3A_163 = tpu.memref_slice %arg2[%dma_wait3A_161, %dma_wait3A_162] : memref<10000x128xf32, #tpu.memory_space<hbm>> -> memref<10000x128xf32, #tpu.memory_space<hbm>>
      tpu.wait_indirect_dma semaphore(%arg12 : memref<!tpu.dma_semaphore, #tpu.memory_space<semaphore_mem>>) src(%dma_wait3A_163 : memref<10000x128xf32, #tpu.memory_space<hbm>>) dst(%dma_wait3A_159 : memref<64x128xf32, #tpu.memory_space<vmem>>)
      %mul3A_164 = arith.constant 128 : i32
      %mul3A_165 = arith.muli %add3A_142, %mul3A_164 : i32
      %add3A_166 = arith.constant 64 : i32
      %add3A_167 = arith.addi %mul3A_165, %add3A_166 : i32
      %dma_wait3A_168 = arith.constant 64 : i32
      %dma_wait3A_169 = arith.constant 0 : i32
      %dma_wait3A_170 = tpu.memref_slice %arg9[%dma_wait3A_168, %dma_wait3A_169] : memref<128x128xf32, #tpu.memory_space<vmem>> -> memref<64x128xf32, #tpu.memory_space<vmem>>
      %dma_wait3A_171 = tpu.memref_slice %arg7[%add3A_167] : memref<10240xi32, #tpu.memory_space<vmem>> -> memref<64xi32, #tpu.memory_space<vmem>>
      %dma_wait3A_172 = arith.constant 0 : i32
      %dma_wait3A_173 = arith.constant 0 : i32
      %dma_wait3A_174 = tpu.memref_slice %arg2[%dma_wait3A_172, %dma_wait3A_173] : memref<10000x128xf32, #tpu.memory_space<hbm>> -> memref<10000x128xf32, #tpu.memory_space<hbm>>
      tpu.wait_indirect_dma semaphore(%arg12 : memref<!tpu.dma_semaphore, #tpu.memory_space<semaphore_mem>>) src(%dma_wait3A_174 : memref<10000x128xf32, #tpu.memory_space<hbm>>) dst(%dma_wait3A_170 : memref<64x128xf32, #tpu.memory_space<vmem>>)
      %ge3A_175 = arith.constant 1 : i32
      %ge3A_176 = arith.cmpi sge, %add3A_142, %ge3A_175 : i32
      %convert_element_type3A_177 = arith.extui %ge3A_176 : i1 to i32
      %cond3A_178 = arith.constant 0 : i32
      %cond3A_179 = arith.cmpi ne, %convert_element_type3A_177, %cond3A_178 : i32
      scf.if %cond3A_179 {
        %mul3A_359 = arith.constant 128 : i32
        %mul3A_360 = arith.muli %add3A_142, %mul3A_359 : i32
        %add3A_361 = arith.addi %mul3A_2, %mul3A_360 : i32
        %dma_wait3A_362 = arith.constant 1 : i32
        %dma_wait3A_363 = arith.constant 0 : i32
        %dma_wait3A_364 = arith.constant 0 : i32
        %dma_wait3A_365 = tpu.memref_slice %arg8[%dma_wait3A_363, %dma_wait3A_364] : memref<4x128xi32, #tpu.memory_space<vmem>> -> memref<1x128xi32, #tpu.memory_space<vmem>>
        %dma_wait3A_366 = tpu.memref_squeeze %dma_wait3A_365 : memref<1x128xi32, #tpu.memory_space<vmem>> -> memref<128xi32, #tpu.memory_space<vmem>>
        %dma_wait3A_367 = tpu.memref_slice %arg3[%dma_wait3A_362, %add3A_361] : memref<2x320000xi32, #tpu.memory_space<hbm>> -> memref<1x128xi32, #tpu.memory_space<hbm>>
        %dma_wait3A_368 = tpu.memref_squeeze %dma_wait3A_367 : memref<1x128xi32, #tpu.memory_space<hbm>> -> memref<128xi32, #tpu.memory_space<hbm>>
        %dma_wait3A_369 = arith.constant 0 : i32
        %dma_wait3A_370 = tpu.memref_slice %arg8[%dma_wait3A_363, %dma_wait3A_369] : memref<4x128xi32, #tpu.memory_space<vmem>> -> memref<1x128xi32, #tpu.memory_space<vmem>>
        %dma_wait3A_371 = tpu.memref_squeeze %dma_wait3A_370 : memref<1x128xi32, #tpu.memory_space<vmem>> -> memref<128xi32, #tpu.memory_space<vmem>>
        %dma_wait3A_372 = tpu.memref_slice %arg3[%dma_wait3A_362, %add3A_361] : memref<2x320000xi32, #tpu.memory_space<hbm>> -> memref<1x128xi32, #tpu.memory_space<hbm>>
        %dma_wait3A_373 = tpu.memref_squeeze %dma_wait3A_372 : memref<1x128xi32, #tpu.memory_space<hbm>> -> memref<128xi32, #tpu.memory_space<hbm>>
        tpu.wait_dma2 semaphore(%arg15 : memref<!tpu.dma_semaphore, #tpu.memory_space<semaphore_mem>>) src(%dma_wait3A_373 : memref<128xi32, #tpu.memory_space<hbm>>) dst(%dma_wait3A_371 : memref<128xi32, #tpu.memory_space<vmem>>)
      } else {
      }
      %dma_start3A_180 = arith.constant 0 : i32
      %dma_start3A_181 = arith.constant 0 : i32
      %dma_start3A_182 = tpu.memref_slice %arg8[%dma_start3A_180, %dma_start3A_181] : memref<4x128xi32, #tpu.memory_space<vmem>> -> memref<1x128xi32, #tpu.memory_space<vmem>>
      %dma_start3A_183 = tpu.memref_squeeze %dma_start3A_182 : memref<1x128xi32, #tpu.memory_space<vmem>> -> memref<128xi32, #tpu.memory_space<vmem>>
      %dma_start3A_184 = arith.constant 0 : i32
      %dma_start3A_185 = arith.constant 0 : i32
      %dma_start3A_186 = tpu.memref_slice %arg11[%dma_start3A_184, %dma_start3A_185] : memref<10240x128xf32, #tpu.memory_space<vmem_shared>> -> memref<10240x128xf32, #tpu.memory_space<vmem_shared>>
      tpu.enqueue_indirect_dma source(%arg9 : memref<128x128xf32, #tpu.memory_space<vmem>>) target(%dma_start3A_186 : memref<10240x128xf32, #tpu.memory_space<vmem_shared>>) offsets(%dma_start3A_183 : memref<128xi32, #tpu.memory_space<vmem>>) semaphore(%arg14 : memref<!tpu.dma_semaphore, #tpu.memory_space<semaphore_mem>>) {add = true}
      %add3A_187 = arith.constant 2 : i32
      %add3A_188 = arith.addi %add3A_142, %add3A_187 : i32
      %lt3A_189 = arith.constant 80 : i32
      %lt3A_190 = arith.cmpi slt, %add3A_188, %lt3A_189 : i32
      %convert_element_type3A_191 = arith.extui %lt3A_190 : i1 to i32
      %cond3A_192 = arith.constant 0 : i32
      %cond3A_193 = arith.cmpi ne, %convert_element_type3A_191, %cond3A_192 : i32
      scf.if %cond3A_193 {
        %add3A_359 = arith.constant 2 : i32
        %add3A_360 = arith.addi %add3A_142, %add3A_359 : i32
        %mul3A_361 = arith.constant 128 : i32
        %mul3A_362 = arith.muli %add3A_360, %mul3A_361 : i32
        %add3A_363 = arith.addi %mul3A_2, %mul3A_362 : i32
        %add3A_364 = arith.constant 128 : i32
        %add3A_365 = arith.addi %add3A_363, %add3A_364 : i32
        %le3A_366 = arith.constant 320000 : i32
        %le3A_367 = arith.cmpi sle, %add3A_365, %le3A_366 : i32
        %convert_element_type3A_368 = arith.extui %le3A_367 : i1 to i32
        %cond3A_369 = arith.constant 0 : i32
        %cond3A_370 = arith.cmpi ne, %convert_element_type3A_368, %cond3A_369 : i32
        scf.if %cond3A_370 {
          %dma_start3A_376 = arith.constant 1 : i32
          %dma_start3A_377 = arith.constant 2 : i32
          %dma_start3A_378 = arith.constant 0 : i32
          %dma_start3A_379 = tpu.memref_slice %arg8[%dma_start3A_377, %dma_start3A_378] : memref<4x128xi32, #tpu.memory_space<vmem>> -> memref<1x128xi32, #tpu.memory_space<vmem>>
          %dma_start3A_380 = tpu.memref_squeeze %dma_start3A_379 : memref<1x128xi32, #tpu.memory_space<vmem>> -> memref<128xi32, #tpu.memory_space<vmem>>
          %dma_start3A_381 = tpu.memref_slice %arg3[%dma_start3A_376, %add3A_363] : memref<2x320000xi32, #tpu.memory_space<hbm>> -> memref<1x128xi32, #tpu.memory_space<hbm>>
          %dma_start3A_382 = tpu.memref_squeeze %dma_start3A_381 : memref<1x128xi32, #tpu.memory_space<hbm>> -> memref<128xi32, #tpu.memory_space<hbm>>
          %dma_start3A_383 = arith.constant 0 : i32
          %dma_start3A_384 = tpu.memref_slice %arg8[%dma_start3A_377, %dma_start3A_383] : memref<4x128xi32, #tpu.memory_space<vmem>> -> memref<1x128xi32, #tpu.memory_space<vmem>>
          %dma_start3A_385 = tpu.memref_squeeze %dma_start3A_384 : memref<1x128xi32, #tpu.memory_space<vmem>> -> memref<128xi32, #tpu.memory_space<vmem>>
          %dma_start3A_386 = tpu.memref_slice %arg3[%dma_start3A_376, %add3A_363] : memref<2x320000xi32, #tpu.memory_space<hbm>> -> memref<1x128xi32, #tpu.memory_space<hbm>>
          %dma_start3A_387 = tpu.memref_squeeze %dma_start3A_386 : memref<1x128xi32, #tpu.memory_space<hbm>> -> memref<128xi32, #tpu.memory_space<hbm>>
          tpu.enqueue_dma source(%dma_start3A_387 : memref<128xi32, #tpu.memory_space<hbm>>) target(%dma_start3A_385 : memref<128xi32, #tpu.memory_space<vmem>>) target_semaphore(%arg15 : memref<!tpu.dma_semaphore, #tpu.memory_space<semaphore_mem>>)
        } else {
        }
        %ge3A_371 = arith.constant 320000 : i32
        %ge3A_372 = arith.cmpi sge, %add3A_363, %ge3A_371 : i32
        %convert_element_type3A_373 = arith.extui %ge3A_372 : i1 to i32
        %cond3A_374 = arith.constant 0 : i32
        %cond3A_375 = arith.cmpi ne, %convert_element_type3A_373, %cond3A_374 : i32
        scf.if %cond3A_375 {
          %sub3A = arith.constant 320000 : i32
          %sub3A_376 = arith.subi %add3A_363, %sub3A : i32
          %dma_start3A_377 = arith.constant 1 : i32
          %dma_start3A_378 = arith.constant 2 : i32
          %dma_start3A_379 = arith.constant 0 : i32
          %dma_start3A_380 = tpu.memref_slice %arg8[%dma_start3A_378, %dma_start3A_379] : memref<4x128xi32, #tpu.memory_space<vmem>> -> memref<1x128xi32, #tpu.memory_space<vmem>>
          %dma_start3A_381 = tpu.memref_squeeze %dma_start3A_380 : memref<1x128xi32, #tpu.memory_space<vmem>> -> memref<128xi32, #tpu.memory_space<vmem>>
          %dma_start3A_382 = tpu.memref_slice %arg4[%dma_start3A_377, %sub3A_376] : memref<2x7680xi32, #tpu.memory_space<hbm>> -> memref<1x128xi32, #tpu.memory_space<hbm>>
          %dma_start3A_383 = tpu.memref_squeeze %dma_start3A_382 : memref<1x128xi32, #tpu.memory_space<hbm>> -> memref<128xi32, #tpu.memory_space<hbm>>
          %dma_start3A_384 = arith.constant 0 : i32
          %dma_start3A_385 = tpu.memref_slice %arg8[%dma_start3A_378, %dma_start3A_384] : memref<4x128xi32, #tpu.memory_space<vmem>> -> memref<1x128xi32, #tpu.memory_space<vmem>>
          %dma_start3A_386 = tpu.memref_squeeze %dma_start3A_385 : memref<1x128xi32, #tpu.memory_space<vmem>> -> memref<128xi32, #tpu.memory_space<vmem>>
          %dma_start3A_387 = tpu.memref_slice %arg4[%dma_start3A_377, %sub3A_376] : memref<2x7680xi32, #tpu.memory_space<hbm>> -> memref<1x128xi32, #tpu.memory_space<hbm>>
          %dma_start3A_388 = tpu.memref_squeeze %dma_start3A_387 : memref<1x128xi32, #tpu.memory_space<hbm>> -> memref<128xi32, #tpu.memory_space<hbm>>
          tpu.enqueue_dma source(%dma_start3A_388 : memref<128xi32, #tpu.memory_space<hbm>>) target(%dma_start3A_386 : memref<128xi32, #tpu.memory_space<vmem>>) target_semaphore(%arg15 : memref<!tpu.dma_semaphore, #tpu.memory_space<semaphore_mem>>)
        } else {
        }
      } else {
      }
      %mul3A_194 = arith.constant 4 : i32
      %mul3A_195 = arith.muli %mul3A_194, %scan3A_138 : i32
      %add3A_196 = arith.constant 1 : i32
      %add3A_197 = arith.addi %mul3A_195, %add3A_196 : i32
      %ge3A_198 = arith.constant 1 : i32
      %ge3A_199 = arith.cmpi sge, %add3A_197, %ge3A_198 : i32
      %convert_element_type3A_200 = arith.extui %ge3A_199 : i1 to i32
      %cond3A_201 = arith.constant 0 : i32
      %cond3A_202 = arith.cmpi ne, %convert_element_type3A_200, %cond3A_201 : i32
      scf.if %cond3A_202 {
        %dma_wait3A_359 = arith.constant 0 : i32
        %dma_wait3A_360 = arith.constant 0 : i32
        %dma_wait3A_361 = tpu.memref_slice %arg8[%dma_wait3A_359, %dma_wait3A_360] : memref<4x128xi32, #tpu.memory_space<vmem>> -> memref<1x128xi32, #tpu.memory_space<vmem>>
        %dma_wait3A_362 = tpu.memref_squeeze %dma_wait3A_361 : memref<1x128xi32, #tpu.memory_space<vmem>> -> memref<128xi32, #tpu.memory_space<vmem>>
        %dma_wait3A_363 = arith.constant 0 : i32
        %dma_wait3A_364 = arith.constant 0 : i32
        %dma_wait3A_365 = tpu.memref_slice %arg11[%dma_wait3A_363, %dma_wait3A_364] : memref<10240x128xf32, #tpu.memory_space<vmem_shared>> -> memref<10240x128xf32, #tpu.memory_space<vmem_shared>>
        tpu.wait_indirect_dma semaphore(%arg14 : memref<!tpu.dma_semaphore, #tpu.memory_space<semaphore_mem>>) src(%arg9 : memref<128x128xf32, #tpu.memory_space<vmem>>) dst(%dma_wait3A_365 : memref<10240x128xf32, #tpu.memory_space<vmem_shared>>)
      } else {
      }
      %add3A_203 = arith.constant 1 : i32
      %add3A_204 = arith.addi %add3A_197, %add3A_203 : i32
      %lt3A_205 = arith.constant 80 : i32
      %lt3A_206 = arith.cmpi slt, %add3A_204, %lt3A_205 : i32
      %convert_element_type3A_207 = arith.extui %lt3A_206 : i1 to i32
      %cond3A_208 = arith.constant 0 : i32
      %cond3A_209 = arith.cmpi ne, %convert_element_type3A_207, %cond3A_208 : i32
      scf.if %cond3A_209 {
        %add3A_359 = arith.constant 1 : i32
        %add3A_360 = arith.addi %add3A_197, %add3A_359 : i32
        %mul3A_361 = arith.constant 128 : i32
        %mul3A_362 = arith.muli %add3A_360, %mul3A_361 : i32
        %dma_start3A_363 = arith.constant 0 : i32
        %dma_start3A_364 = arith.constant 0 : i32
        %dma_start3A_365 = tpu.memref_slice %arg9[%dma_start3A_363, %dma_start3A_364] : memref<128x128xf32, #tpu.memory_space<vmem>> -> memref<64x128xf32, #tpu.memory_space<vmem>>
        %dma_start3A_366 = tpu.memref_slice %arg7[%mul3A_362] : memref<10240xi32, #tpu.memory_space<vmem>> -> memref<64xi32, #tpu.memory_space<vmem>>
        %dma_start3A_367 = arith.constant 0 : i32
        %dma_start3A_368 = arith.constant 0 : i32
        %dma_start3A_369 = tpu.memref_slice %arg2[%dma_start3A_367, %dma_start3A_368] : memref<10000x128xf32, #tpu.memory_space<hbm>> -> memref<10000x128xf32, #tpu.memory_space<hbm>>
        tpu.enqueue_indirect_dma source(%dma_start3A_369 : memref<10000x128xf32, #tpu.memory_space<hbm>>) target(%dma_start3A_365 : memref<64x128xf32, #tpu.memory_space<vmem>>) offsets(%dma_start3A_366 : memref<64xi32, #tpu.memory_space<vmem>>) semaphore(%arg12 : memref<!tpu.dma_semaphore, #tpu.memory_space<semaphore_mem>>)
        %mul3A_370 = arith.constant 128 : i32
        %mul3A_371 = arith.muli %add3A_360, %mul3A_370 : i32
        %add3A_372 = arith.constant 64 : i32
        %add3A_373 = arith.addi %mul3A_371, %add3A_372 : i32
        %dma_start3A_374 = arith.constant 64 : i32
        %dma_start3A_375 = arith.constant 0 : i32
        %dma_start3A_376 = tpu.memref_slice %arg9[%dma_start3A_374, %dma_start3A_375] : memref<128x128xf32, #tpu.memory_space<vmem>> -> memref<64x128xf32, #tpu.memory_space<vmem>>
        %dma_start3A_377 = tpu.memref_slice %arg7[%add3A_373] : memref<10240xi32, #tpu.memory_space<vmem>> -> memref<64xi32, #tpu.memory_space<vmem>>
        %dma_start3A_378 = arith.constant 0 : i32
        %dma_start3A_379 = arith.constant 0 : i32
        %dma_start3A_380 = tpu.memref_slice %arg2[%dma_start3A_378, %dma_start3A_379] : memref<10000x128xf32, #tpu.memory_space<hbm>> -> memref<10000x128xf32, #tpu.memory_space<hbm>>
        tpu.enqueue_indirect_dma source(%dma_start3A_380 : memref<10000x128xf32, #tpu.memory_space<hbm>>) target(%dma_start3A_376 : memref<64x128xf32, #tpu.memory_space<vmem>>) offsets(%dma_start3A_377 : memref<64xi32, #tpu.memory_space<vmem>>) semaphore(%arg12 : memref<!tpu.dma_semaphore, #tpu.memory_space<semaphore_mem>>)
      } else {
      }
      %mul3A_210 = arith.constant 128 : i32
      %mul3A_211 = arith.muli %add3A_197, %mul3A_210 : i32
      %dma_wait3A_212 = arith.constant 0 : i32
      %dma_wait3A_213 = arith.constant 0 : i32
      %dma_wait3A_214 = tpu.memref_slice %arg10[%dma_wait3A_212, %dma_wait3A_213] : memref<128x128xf32, #tpu.memory_space<vmem>> -> memref<64x128xf32, #tpu.memory_space<vmem>>
      %dma_wait3A_215 = tpu.memref_slice %arg7[%mul3A_211] : memref<10240xi32, #tpu.memory_space<vmem>> -> memref<64xi32, #tpu.memory_space<vmem>>
      %dma_wait3A_216 = arith.constant 0 : i32
      %dma_wait3A_217 = arith.constant 0 : i32
      %dma_wait3A_218 = tpu.memref_slice %arg2[%dma_wait3A_216, %dma_wait3A_217] : memref<10000x128xf32, #tpu.memory_space<hbm>> -> memref<10000x128xf32, #tpu.memory_space<hbm>>
      tpu.wait_indirect_dma semaphore(%arg13 : memref<!tpu.dma_semaphore, #tpu.memory_space<semaphore_mem>>) src(%dma_wait3A_218 : memref<10000x128xf32, #tpu.memory_space<hbm>>) dst(%dma_wait3A_214 : memref<64x128xf32, #tpu.memory_space<vmem>>)
      %mul3A_219 = arith.constant 128 : i32
      %mul3A_220 = arith.muli %add3A_197, %mul3A_219 : i32
      %add3A_221 = arith.constant 64 : i32
      %add3A_222 = arith.addi %mul3A_220, %add3A_221 : i32
      %dma_wait3A_223 = arith.constant 64 : i32
      %dma_wait3A_224 = arith.constant 0 : i32
      %dma_wait3A_225 = tpu.memref_slice %arg10[%dma_wait3A_223, %dma_wait3A_224] : memref<128x128xf32, #tpu.memory_space<vmem>> -> memref<64x128xf32, #tpu.memory_space<vmem>>
      %dma_wait3A_226 = tpu.memref_slice %arg7[%add3A_222] : memref<10240xi32, #tpu.memory_space<vmem>> -> memref<64xi32, #tpu.memory_space<vmem>>
      %dma_wait3A_227 = arith.constant 0 : i32
      %dma_wait3A_228 = arith.constant 0 : i32
      %dma_wait3A_229 = tpu.memref_slice %arg2[%dma_wait3A_227, %dma_wait3A_228] : memref<10000x128xf32, #tpu.memory_space<hbm>> -> memref<10000x128xf32, #tpu.memory_space<hbm>>
      tpu.wait_indirect_dma semaphore(%arg13 : memref<!tpu.dma_semaphore, #tpu.memory_space<semaphore_mem>>) src(%dma_wait3A_229 : memref<10000x128xf32, #tpu.memory_space<hbm>>) dst(%dma_wait3A_225 : memref<64x128xf32, #tpu.memory_space<vmem>>)
      %ge3A_230 = arith.constant 1 : i32
      %ge3A_231 = arith.cmpi sge, %add3A_197, %ge3A_230 : i32
      %convert_element_type3A_232 = arith.extui %ge3A_231 : i1 to i32
      %cond3A_233 = arith.constant 0 : i32
      %cond3A_234 = arith.cmpi ne, %convert_element_type3A_232, %cond3A_233 : i32
      scf.if %cond3A_234 {
        %mul3A_359 = arith.constant 128 : i32
        %mul3A_360 = arith.muli %add3A_197, %mul3A_359 : i32
        %add3A_361 = arith.addi %mul3A_2, %mul3A_360 : i32
        %dma_wait3A_362 = arith.constant 1 : i32
        %dma_wait3A_363 = arith.constant 1 : i32
        %dma_wait3A_364 = arith.constant 0 : i32
        %dma_wait3A_365 = tpu.memref_slice %arg8[%dma_wait3A_363, %dma_wait3A_364] : memref<4x128xi32, #tpu.memory_space<vmem>> -> memref<1x128xi32, #tpu.memory_space<vmem>>
        %dma_wait3A_366 = tpu.memref_squeeze %dma_wait3A_365 : memref<1x128xi32, #tpu.memory_space<vmem>> -> memref<128xi32, #tpu.memory_space<vmem>>
        %dma_wait3A_367 = tpu.memref_slice %arg3[%dma_wait3A_362, %add3A_361] : memref<2x320000xi32, #tpu.memory_space<hbm>> -> memref<1x128xi32, #tpu.memory_space<hbm>>
        %dma_wait3A_368 = tpu.memref_squeeze %dma_wait3A_367 : memref<1x128xi32, #tpu.memory_space<hbm>> -> memref<128xi32, #tpu.memory_space<hbm>>
        %dma_wait3A_369 = arith.constant 0 : i32
        %dma_wait3A_370 = tpu.memref_slice %arg8[%dma_wait3A_363, %dma_wait3A_369] : memref<4x128xi32, #tpu.memory_space<vmem>> -> memref<1x128xi32, #tpu.memory_space<vmem>>
        %dma_wait3A_371 = tpu.memref_squeeze %dma_wait3A_370 : memref<1x128xi32, #tpu.memory_space<vmem>> -> memref<128xi32, #tpu.memory_space<vmem>>
        %dma_wait3A_372 = tpu.memref_slice %arg3[%dma_wait3A_362, %add3A_361] : memref<2x320000xi32, #tpu.memory_space<hbm>> -> memref<1x128xi32, #tpu.memory_space<hbm>>
        %dma_wait3A_373 = tpu.memref_squeeze %dma_wait3A_372 : memref<1x128xi32, #tpu.memory_space<hbm>> -> memref<128xi32, #tpu.memory_space<hbm>>
        tpu.wait_dma2 semaphore(%arg16 : memref<!tpu.dma_semaphore, #tpu.memory_space<semaphore_mem>>) src(%dma_wait3A_373 : memref<128xi32, #tpu.memory_space<hbm>>) dst(%dma_wait3A_371 : memref<128xi32, #tpu.memory_space<vmem>>)
      } else {
      }
      %dma_start3A_235 = arith.constant 1 : i32
      %dma_start3A_236 = arith.constant 0 : i32
      %dma_start3A_237 = tpu.memref_slice %arg8[%dma_start3A_235, %dma_start3A_236] : memref<4x128xi32, #tpu.memory_space<vmem>> -> memref<1x128xi32, #tpu.memory_space<vmem>>
      %dma_start3A_238 = tpu.memref_squeeze %dma_start3A_237 : memref<1x128xi32, #tpu.memory_space<vmem>> -> memref<128xi32, #tpu.memory_space<vmem>>
      %dma_start3A_239 = arith.constant 0 : i32
      %dma_start3A_240 = arith.constant 0 : i32
      %dma_start3A_241 = tpu.memref_slice %arg11[%dma_start3A_239, %dma_start3A_240] : memref<10240x128xf32, #tpu.memory_space<vmem_shared>> -> memref<10240x128xf32, #tpu.memory_space<vmem_shared>>
      tpu.enqueue_indirect_dma source(%arg10 : memref<128x128xf32, #tpu.memory_space<vmem>>) target(%dma_start3A_241 : memref<10240x128xf32, #tpu.memory_space<vmem_shared>>) offsets(%dma_start3A_238 : memref<128xi32, #tpu.memory_space<vmem>>) semaphore(%arg14 : memref<!tpu.dma_semaphore, #tpu.memory_space<semaphore_mem>>) {add = true}
      %add3A_242 = arith.constant 2 : i32
      %add3A_243 = arith.addi %add3A_197, %add3A_242 : i32
      %lt3A_244 = arith.constant 80 : i32
      %lt3A_245 = arith.cmpi slt, %add3A_243, %lt3A_244 : i32
      %convert_element_type3A_246 = arith.extui %lt3A_245 : i1 to i32
      %cond3A_247 = arith.constant 0 : i32
      %cond3A_248 = arith.cmpi ne, %convert_element_type3A_246, %cond3A_247 : i32
      scf.if %cond3A_248 {
        %add3A_359 = arith.constant 2 : i32
        %add3A_360 = arith.addi %add3A_197, %add3A_359 : i32
        %mul3A_361 = arith.constant 128 : i32
        %mul3A_362 = arith.muli %add3A_360, %mul3A_361 : i32
        %add3A_363 = arith.addi %mul3A_2, %mul3A_362 : i32
        %add3A_364 = arith.constant 128 : i32
        %add3A_365 = arith.addi %add3A_363, %add3A_364 : i32
        %le3A_366 = arith.constant 320000 : i32
        %le3A_367 = arith.cmpi sle, %add3A_365, %le3A_366 : i32
        %convert_element_type3A_368 = arith.extui %le3A_367 : i1 to i32
        %cond3A_369 = arith.constant 0 : i32
        %cond3A_370 = arith.cmpi ne, %convert_element_type3A_368, %cond3A_369 : i32
        scf.if %cond3A_370 {
          %dma_start3A_376 = arith.constant 1 : i32
          %dma_start3A_377 = arith.constant 3 : i32
          %dma_start3A_378 = arith.constant 0 : i32
          %dma_start3A_379 = tpu.memref_slice %arg8[%dma_start3A_377, %dma_start3A_378] : memref<4x128xi32, #tpu.memory_space<vmem>> -> memref<1x128xi32, #tpu.memory_space<vmem>>
          %dma_start3A_380 = tpu.memref_squeeze %dma_start3A_379 : memref<1x128xi32, #tpu.memory_space<vmem>> -> memref<128xi32, #tpu.memory_space<vmem>>
          %dma_start3A_381 = tpu.memref_slice %arg3[%dma_start3A_376, %add3A_363] : memref<2x320000xi32, #tpu.memory_space<hbm>> -> memref<1x128xi32, #tpu.memory_space<hbm>>
          %dma_start3A_382 = tpu.memref_squeeze %dma_start3A_381 : memref<1x128xi32, #tpu.memory_space<hbm>> -> memref<128xi32, #tpu.memory_space<hbm>>
          %dma_start3A_383 = arith.constant 0 : i32
          %dma_start3A_384 = tpu.memref_slice %arg8[%dma_start3A_377, %dma_start3A_383] : memref<4x128xi32, #tpu.memory_space<vmem>> -> memref<1x128xi32, #tpu.memory_space<vmem>>
          %dma_start3A_385 = tpu.memref_squeeze %dma_start3A_384 : memref<1x128xi32, #tpu.memory_space<vmem>> -> memref<128xi32, #tpu.memory_space<vmem>>
          %dma_start3A_386 = tpu.memref_slice %arg3[%dma_start3A_376, %add3A_363] : memref<2x320000xi32, #tpu.memory_space<hbm>> -> memref<1x128xi32, #tpu.memory_space<hbm>>
          %dma_start3A_387 = tpu.memref_squeeze %dma_start3A_386 : memref<1x128xi32, #tpu.memory_space<hbm>> -> memref<128xi32, #tpu.memory_space<hbm>>
          tpu.enqueue_dma source(%dma_start3A_387 : memref<128xi32, #tpu.memory_space<hbm>>) target(%dma_start3A_385 : memref<128xi32, #tpu.memory_space<vmem>>) target_semaphore(%arg16 : memref<!tpu.dma_semaphore, #tpu.memory_space<semaphore_mem>>)
        } else {
        }
        %ge3A_371 = arith.constant 320000 : i32
        %ge3A_372 = arith.cmpi sge, %add3A_363, %ge3A_371 : i32
        %convert_element_type3A_373 = arith.extui %ge3A_372 : i1 to i32
        %cond3A_374 = arith.constant 0 : i32
        %cond3A_375 = arith.cmpi ne, %convert_element_type3A_373, %cond3A_374 : i32
        scf.if %cond3A_375 {
          %sub3A = arith.constant 320000 : i32
          %sub3A_376 = arith.subi %add3A_363, %sub3A : i32
          %dma_start3A_377 = arith.constant 1 : i32
          %dma_start3A_378 = arith.constant 3 : i32
          %dma_start3A_379 = arith.constant 0 : i32
          %dma_start3A_380 = tpu.memref_slice %arg8[%dma_start3A_378, %dma_start3A_379] : memref<4x128xi32, #tpu.memory_space<vmem>> -> memref<1x128xi32, #tpu.memory_space<vmem>>
          %dma_start3A_381 = tpu.memref_squeeze %dma_start3A_380 : memref<1x128xi32, #tpu.memory_space<vmem>> -> memref<128xi32, #tpu.memory_space<vmem>>
          %dma_start3A_382 = tpu.memref_slice %arg4[%dma_start3A_377, %sub3A_376] : memref<2x7680xi32, #tpu.memory_space<hbm>> -> memref<1x128xi32, #tpu.memory_space<hbm>>
          %dma_start3A_383 = tpu.memref_squeeze %dma_start3A_382 : memref<1x128xi32, #tpu.memory_space<hbm>> -> memref<128xi32, #tpu.memory_space<hbm>>
          %dma_start3A_384 = arith.constant 0 : i32
          %dma_start3A_385 = tpu.memref_slice %arg8[%dma_start3A_378, %dma_start3A_384] : memref<4x128xi32, #tpu.memory_space<vmem>> -> memref<1x128xi32, #tpu.memory_space<vmem>>
          %dma_start3A_386 = tpu.memref_squeeze %dma_start3A_385 : memref<1x128xi32, #tpu.memory_space<vmem>> -> memref<128xi32, #tpu.memory_space<vmem>>
          %dma_start3A_387 = tpu.memref_slice %arg4[%dma_start3A_377, %sub3A_376] : memref<2x7680xi32, #tpu.memory_space<hbm>> -> memref<1x128xi32, #tpu.memory_space<hbm>>
          %dma_start3A_388 = tpu.memref_squeeze %dma_start3A_387 : memref<1x128xi32, #tpu.memory_space<hbm>> -> memref<128xi32, #tpu.memory_space<hbm>>
          tpu.enqueue_dma source(%dma_start3A_388 : memref<128xi32, #tpu.memory_space<hbm>>) target(%dma_start3A_386 : memref<128xi32, #tpu.memory_space<vmem>>) target_semaphore(%arg16 : memref<!tpu.dma_semaphore, #tpu.memory_space<semaphore_mem>>)
        } else {
        }
      } else {
      }
      %mul3A_249 = arith.constant 4 : i32
      %mul3A_250 = arith.muli %mul3A_249, %scan3A_138 : i32
      %add3A_251 = arith.constant 2 : i32
      %add3A_252 = arith.addi %mul3A_250, %add3A_251 : i32
      %ge3A_253 = arith.constant 1 : i32
      %ge3A_254 = arith.cmpi sge, %add3A_252, %ge3A_253 : i32
      %convert_element_type3A_255 = arith.extui %ge3A_254 : i1 to i32
      %cond3A_256 = arith.constant 0 : i32
      %cond3A_257 = arith.cmpi ne, %convert_element_type3A_255, %cond3A_256 : i32
      scf.if %cond3A_257 {
        %dma_wait3A_359 = arith.constant 1 : i32
        %dma_wait3A_360 = arith.constant 0 : i32
        %dma_wait3A_361 = tpu.memref_slice %arg8[%dma_wait3A_359, %dma_wait3A_360] : memref<4x128xi32, #tpu.memory_space<vmem>> -> memref<1x128xi32, #tpu.memory_space<vmem>>
        %dma_wait3A_362 = tpu.memref_squeeze %dma_wait3A_361 : memref<1x128xi32, #tpu.memory_space<vmem>> -> memref<128xi32, #tpu.memory_space<vmem>>
        %dma_wait3A_363 = arith.constant 0 : i32
        %dma_wait3A_364 = arith.constant 0 : i32
        %dma_wait3A_365 = tpu.memref_slice %arg11[%dma_wait3A_363, %dma_wait3A_364] : memref<10240x128xf32, #tpu.memory_space<vmem_shared>> -> memref<10240x128xf32, #tpu.memory_space<vmem_shared>>
        tpu.wait_indirect_dma semaphore(%arg14 : memref<!tpu.dma_semaphore, #tpu.memory_space<semaphore_mem>>) src(%arg10 : memref<128x128xf32, #tpu.memory_space<vmem>>) dst(%dma_wait3A_365 : memref<10240x128xf32, #tpu.memory_space<vmem_shared>>)
      } else {
      }
      %add3A_258 = arith.constant 1 : i32
      %add3A_259 = arith.addi %add3A_252, %add3A_258 : i32
      %lt3A_260 = arith.constant 80 : i32
      %lt3A_261 = arith.cmpi slt, %add3A_259, %lt3A_260 : i32
      %convert_element_type3A_262 = arith.extui %lt3A_261 : i1 to i32
      %cond3A_263 = arith.constant 0 : i32
      %cond3A_264 = arith.cmpi ne, %convert_element_type3A_262, %cond3A_263 : i32
      scf.if %cond3A_264 {
        %add3A_359 = arith.constant 1 : i32
        %add3A_360 = arith.addi %add3A_252, %add3A_359 : i32
        %mul3A_361 = arith.constant 128 : i32
        %mul3A_362 = arith.muli %add3A_360, %mul3A_361 : i32
        %dma_start3A_363 = arith.constant 0 : i32
        %dma_start3A_364 = arith.constant 0 : i32
        %dma_start3A_365 = tpu.memref_slice %arg10[%dma_start3A_363, %dma_start3A_364] : memref<128x128xf32, #tpu.memory_space<vmem>> -> memref<64x128xf32, #tpu.memory_space<vmem>>
        %dma_start3A_366 = tpu.memref_slice %arg7[%mul3A_362] : memref<10240xi32, #tpu.memory_space<vmem>> -> memref<64xi32, #tpu.memory_space<vmem>>
        %dma_start3A_367 = arith.constant 0 : i32
        %dma_start3A_368 = arith.constant 0 : i32
        %dma_start3A_369 = tpu.memref_slice %arg2[%dma_start3A_367, %dma_start3A_368] : memref<10000x128xf32, #tpu.memory_space<hbm>> -> memref<10000x128xf32, #tpu.memory_space<hbm>>
        tpu.enqueue_indirect_dma source(%dma_start3A_369 : memref<10000x128xf32, #tpu.memory_space<hbm>>) target(%dma_start3A_365 : memref<64x128xf32, #tpu.memory_space<vmem>>) offsets(%dma_start3A_366 : memref<64xi32, #tpu.memory_space<vmem>>) semaphore(%arg13 : memref<!tpu.dma_semaphore, #tpu.memory_space<semaphore_mem>>)
        %mul3A_370 = arith.constant 128 : i32
        %mul3A_371 = arith.muli %add3A_360, %mul3A_370 : i32
        %add3A_372 = arith.constant 64 : i32
        %add3A_373 = arith.addi %mul3A_371, %add3A_372 : i32
        %dma_start3A_374 = arith.constant 64 : i32
        %dma_start3A_375 = arith.constant 0 : i32
        %dma_start3A_376 = tpu.memref_slice %arg10[%dma_start3A_374, %dma_start3A_375] : memref<128x128xf32, #tpu.memory_space<vmem>> -> memref<64x128xf32, #tpu.memory_space<vmem>>
        %dma_start3A_377 = tpu.memref_slice %arg7[%add3A_373] : memref<10240xi32, #tpu.memory_space<vmem>> -> memref<64xi32, #tpu.memory_space<vmem>>
        %dma_start3A_378 = arith.constant 0 : i32
        %dma_start3A_379 = arith.constant 0 : i32
        %dma_start3A_380 = tpu.memref_slice %arg2[%dma_start3A_378, %dma_start3A_379] : memref<10000x128xf32, #tpu.memory_space<hbm>> -> memref<10000x128xf32, #tpu.memory_space<hbm>>
        tpu.enqueue_indirect_dma source(%dma_start3A_380 : memref<10000x128xf32, #tpu.memory_space<hbm>>) target(%dma_start3A_376 : memref<64x128xf32, #tpu.memory_space<vmem>>) offsets(%dma_start3A_377 : memref<64xi32, #tpu.memory_space<vmem>>) semaphore(%arg13 : memref<!tpu.dma_semaphore, #tpu.memory_space<semaphore_mem>>)
      } else {
      }
      %mul3A_265 = arith.constant 128 : i32
      %mul3A_266 = arith.muli %add3A_252, %mul3A_265 : i32
      %dma_wait3A_267 = arith.constant 0 : i32
      %dma_wait3A_268 = arith.constant 0 : i32
      %dma_wait3A_269 = tpu.memref_slice %arg9[%dma_wait3A_267, %dma_wait3A_268] : memref<128x128xf32, #tpu.memory_space<vmem>> -> memref<64x128xf32, #tpu.memory_space<vmem>>
      %dma_wait3A_270 = tpu.memref_slice %arg7[%mul3A_266] : memref<10240xi32, #tpu.memory_space<vmem>> -> memref<64xi32, #tpu.memory_space<vmem>>
      %dma_wait3A_271 = arith.constant 0 : i32
      %dma_wait3A_272 = arith.constant 0 : i32
      %dma_wait3A_273 = tpu.memref_slice %arg2[%dma_wait3A_271, %dma_wait3A_272] : memref<10000x128xf32, #tpu.memory_space<hbm>> -> memref<10000x128xf32, #tpu.memory_space<hbm>>
      tpu.wait_indirect_dma semaphore(%arg12 : memref<!tpu.dma_semaphore, #tpu.memory_space<semaphore_mem>>) src(%dma_wait3A_273 : memref<10000x128xf32, #tpu.memory_space<hbm>>) dst(%dma_wait3A_269 : memref<64x128xf32, #tpu.memory_space<vmem>>)
      %mul3A_274 = arith.constant 128 : i32
      %mul3A_275 = arith.muli %add3A_252, %mul3A_274 : i32
      %add3A_276 = arith.constant 64 : i32
      %add3A_277 = arith.addi %mul3A_275, %add3A_276 : i32
      %dma_wait3A_278 = arith.constant 64 : i32
      %dma_wait3A_279 = arith.constant 0 : i32
      %dma_wait3A_280 = tpu.memref_slice %arg9[%dma_wait3A_278, %dma_wait3A_279] : memref<128x128xf32, #tpu.memory_space<vmem>> -> memref<64x128xf32, #tpu.memory_space<vmem>>
      %dma_wait3A_281 = tpu.memref_slice %arg7[%add3A_277] : memref<10240xi32, #tpu.memory_space<vmem>> -> memref<64xi32, #tpu.memory_space<vmem>>
      %dma_wait3A_282 = arith.constant 0 : i32
      %dma_wait3A_283 = arith.constant 0 : i32
      %dma_wait3A_284 = tpu.memref_slice %arg2[%dma_wait3A_282, %dma_wait3A_283] : memref<10000x128xf32, #tpu.memory_space<hbm>> -> memref<10000x128xf32, #tpu.memory_space<hbm>>
      tpu.wait_indirect_dma semaphore(%arg12 : memref<!tpu.dma_semaphore, #tpu.memory_space<semaphore_mem>>) src(%dma_wait3A_284 : memref<10000x128xf32, #tpu.memory_space<hbm>>) dst(%dma_wait3A_280 : memref<64x128xf32, #tpu.memory_space<vmem>>)
      %ge3A_285 = arith.constant 1 : i32
      %ge3A_286 = arith.cmpi sge, %add3A_252, %ge3A_285 : i32
      %convert_element_type3A_287 = arith.extui %ge3A_286 : i1 to i32
      %cond3A_288 = arith.constant 0 : i32
      %cond3A_289 = arith.cmpi ne, %convert_element_type3A_287, %cond3A_288 : i32
      scf.if %cond3A_289 {
        %mul3A_359 = arith.constant 128 : i32
        %mul3A_360 = arith.muli %add3A_252, %mul3A_359 : i32
        %add3A_361 = arith.addi %mul3A_2, %mul3A_360 : i32
        %dma_wait3A_362 = arith.constant 1 : i32
        %dma_wait3A_363 = arith.constant 2 : i32
        %dma_wait3A_364 = arith.constant 0 : i32
        %dma_wait3A_365 = tpu.memref_slice %arg8[%dma_wait3A_363, %dma_wait3A_364] : memref<4x128xi32, #tpu.memory_space<vmem>> -> memref<1x128xi32, #tpu.memory_space<vmem>>
        %dma_wait3A_366 = tpu.memref_squeeze %dma_wait3A_365 : memref<1x128xi32, #tpu.memory_space<vmem>> -> memref<128xi32, #tpu.memory_space<vmem>>
        %dma_wait3A_367 = tpu.memref_slice %arg3[%dma_wait3A_362, %add3A_361] : memref<2x320000xi32, #tpu.memory_space<hbm>> -> memref<1x128xi32, #tpu.memory_space<hbm>>
        %dma_wait3A_368 = tpu.memref_squeeze %dma_wait3A_367 : memref<1x128xi32, #tpu.memory_space<hbm>> -> memref<128xi32, #tpu.memory_space<hbm>>
        %dma_wait3A_369 = arith.constant 0 : i32
        %dma_wait3A_370 = tpu.memref_slice %arg8[%dma_wait3A_363, %dma_wait3A_369] : memref<4x128xi32, #tpu.memory_space<vmem>> -> memref<1x128xi32, #tpu.memory_space<vmem>>
        %dma_wait3A_371 = tpu.memref_squeeze %dma_wait3A_370 : memref<1x128xi32, #tpu.memory_space<vmem>> -> memref<128xi32, #tpu.memory_space<vmem>>
        %dma_wait3A_372 = tpu.memref_slice %arg3[%dma_wait3A_362, %add3A_361] : memref<2x320000xi32, #tpu.memory_space<hbm>> -> memref<1x128xi32, #tpu.memory_space<hbm>>
        %dma_wait3A_373 = tpu.memref_squeeze %dma_wait3A_372 : memref<1x128xi32, #tpu.memory_space<hbm>> -> memref<128xi32, #tpu.memory_space<hbm>>
        tpu.wait_dma2 semaphore(%arg15 : memref<!tpu.dma_semaphore, #tpu.memory_space<semaphore_mem>>) src(%dma_wait3A_373 : memref<128xi32, #tpu.memory_space<hbm>>) dst(%dma_wait3A_371 : memref<128xi32, #tpu.memory_space<vmem>>)
      } else {
      }
      %dma_start3A_290 = arith.constant 2 : i32
      %dma_start3A_291 = arith.constant 0 : i32
      %dma_start3A_292 = tpu.memref_slice %arg8[%dma_start3A_290, %dma_start3A_291] : memref<4x128xi32, #tpu.memory_space<vmem>> -> memref<1x128xi32, #tpu.memory_space<vmem>>
      %dma_start3A_293 = tpu.memref_squeeze %dma_start3A_292 : memref<1x128xi32, #tpu.memory_space<vmem>> -> memref<128xi32, #tpu.memory_space<vmem>>
      %dma_start3A_294 = arith.constant 0 : i32
      %dma_start3A_295 = arith.constant 0 : i32
      %dma_start3A_296 = tpu.memref_slice %arg11[%dma_start3A_294, %dma_start3A_295] : memref<10240x128xf32, #tpu.memory_space<vmem_shared>> -> memref<10240x128xf32, #tpu.memory_space<vmem_shared>>
      tpu.enqueue_indirect_dma source(%arg9 : memref<128x128xf32, #tpu.memory_space<vmem>>) target(%dma_start3A_296 : memref<10240x128xf32, #tpu.memory_space<vmem_shared>>) offsets(%dma_start3A_293 : memref<128xi32, #tpu.memory_space<vmem>>) semaphore(%arg14 : memref<!tpu.dma_semaphore, #tpu.memory_space<semaphore_mem>>) {add = true}
      %add3A_297 = arith.constant 2 : i32
      %add3A_298 = arith.addi %add3A_252, %add3A_297 : i32
      %lt3A_299 = arith.constant 80 : i32
      %lt3A_300 = arith.cmpi slt, %add3A_298, %lt3A_299 : i32
      %convert_element_type3A_301 = arith.extui %lt3A_300 : i1 to i32
      %cond3A_302 = arith.constant 0 : i32
      %cond3A_303 = arith.cmpi ne, %convert_element_type3A_301, %cond3A_302 : i32
      scf.if %cond3A_303 {
        %add3A_359 = arith.constant 2 : i32
        %add3A_360 = arith.addi %add3A_252, %add3A_359 : i32
        %mul3A_361 = arith.constant 128 : i32
        %mul3A_362 = arith.muli %add3A_360, %mul3A_361 : i32
        %add3A_363 = arith.addi %mul3A_2, %mul3A_362 : i32
        %add3A_364 = arith.constant 128 : i32
        %add3A_365 = arith.addi %add3A_363, %add3A_364 : i32
        %le3A_366 = arith.constant 320000 : i32
        %le3A_367 = arith.cmpi sle, %add3A_365, %le3A_366 : i32
        %convert_element_type3A_368 = arith.extui %le3A_367 : i1 to i32
        %cond3A_369 = arith.constant 0 : i32
        %cond3A_370 = arith.cmpi ne, %convert_element_type3A_368, %cond3A_369 : i32
        scf.if %cond3A_370 {
          %dma_start3A_376 = arith.constant 1 : i32
          %dma_start3A_377 = arith.constant 0 : i32
          %dma_start3A_378 = arith.constant 0 : i32
          %dma_start3A_379 = tpu.memref_slice %arg8[%dma_start3A_377, %dma_start3A_378] : memref<4x128xi32, #tpu.memory_space<vmem>> -> memref<1x128xi32, #tpu.memory_space<vmem>>
          %dma_start3A_380 = tpu.memref_squeeze %dma_start3A_379 : memref<1x128xi32, #tpu.memory_space<vmem>> -> memref<128xi32, #tpu.memory_space<vmem>>
          %dma_start3A_381 = tpu.memref_slice %arg3[%dma_start3A_376, %add3A_363] : memref<2x320000xi32, #tpu.memory_space<hbm>> -> memref<1x128xi32, #tpu.memory_space<hbm>>
          %dma_start3A_382 = tpu.memref_squeeze %dma_start3A_381 : memref<1x128xi32, #tpu.memory_space<hbm>> -> memref<128xi32, #tpu.memory_space<hbm>>
          %dma_start3A_383 = arith.constant 0 : i32
          %dma_start3A_384 = tpu.memref_slice %arg8[%dma_start3A_377, %dma_start3A_383] : memref<4x128xi32, #tpu.memory_space<vmem>> -> memref<1x128xi32, #tpu.memory_space<vmem>>
          %dma_start3A_385 = tpu.memref_squeeze %dma_start3A_384 : memref<1x128xi32, #tpu.memory_space<vmem>> -> memref<128xi32, #tpu.memory_space<vmem>>
          %dma_start3A_386 = tpu.memref_slice %arg3[%dma_start3A_376, %add3A_363] : memref<2x320000xi32, #tpu.memory_space<hbm>> -> memref<1x128xi32, #tpu.memory_space<hbm>>
          %dma_start3A_387 = tpu.memref_squeeze %dma_start3A_386 : memref<1x128xi32, #tpu.memory_space<hbm>> -> memref<128xi32, #tpu.memory_space<hbm>>
          tpu.enqueue_dma source(%dma_start3A_387 : memref<128xi32, #tpu.memory_space<hbm>>) target(%dma_start3A_385 : memref<128xi32, #tpu.memory_space<vmem>>) target_semaphore(%arg15 : memref<!tpu.dma_semaphore, #tpu.memory_space<semaphore_mem>>)
        } else {
        }
        %ge3A_371 = arith.constant 320000 : i32
        %ge3A_372 = arith.cmpi sge, %add3A_363, %ge3A_371 : i32
        %convert_element_type3A_373 = arith.extui %ge3A_372 : i1 to i32
        %cond3A_374 = arith.constant 0 : i32
        %cond3A_375 = arith.cmpi ne, %convert_element_type3A_373, %cond3A_374 : i32
        scf.if %cond3A_375 {
          %sub3A = arith.constant 320000 : i32
          %sub3A_376 = arith.subi %add3A_363, %sub3A : i32
          %dma_start3A_377 = arith.constant 1 : i32
          %dma_start3A_378 = arith.constant 0 : i32
          %dma_start3A_379 = arith.constant 0 : i32
          %dma_start3A_380 = tpu.memref_slice %arg8[%dma_start3A_378, %dma_start3A_379] : memref<4x128xi32, #tpu.memory_space<vmem>> -> memref<1x128xi32, #tpu.memory_space<vmem>>
          %dma_start3A_381 = tpu.memref_squeeze %dma_start3A_380 : memref<1x128xi32, #tpu.memory_space<vmem>> -> memref<128xi32, #tpu.memory_space<vmem>>
          %dma_start3A_382 = tpu.memref_slice %arg4[%dma_start3A_377, %sub3A_376] : memref<2x7680xi32, #tpu.memory_space<hbm>> -> memref<1x128xi32, #tpu.memory_space<hbm>>
          %dma_start3A_383 = tpu.memref_squeeze %dma_start3A_382 : memref<1x128xi32, #tpu.memory_space<hbm>> -> memref<128xi32, #tpu.memory_space<hbm>>
          %dma_start3A_384 = arith.constant 0 : i32
          %dma_start3A_385 = tpu.memref_slice %arg8[%dma_start3A_378, %dma_start3A_384] : memref<4x128xi32, #tpu.memory_space<vmem>> -> memref<1x128xi32, #tpu.memory_space<vmem>>
          %dma_start3A_386 = tpu.memref_squeeze %dma_start3A_385 : memref<1x128xi32, #tpu.memory_space<vmem>> -> memref<128xi32, #tpu.memory_space<vmem>>
          %dma_start3A_387 = tpu.memref_slice %arg4[%dma_start3A_377, %sub3A_376] : memref<2x7680xi32, #tpu.memory_space<hbm>> -> memref<1x128xi32, #tpu.memory_space<hbm>>
          %dma_start3A_388 = tpu.memref_squeeze %dma_start3A_387 : memref<1x128xi32, #tpu.memory_space<hbm>> -> memref<128xi32, #tpu.memory_space<hbm>>
          tpu.enqueue_dma source(%dma_start3A_388 : memref<128xi32, #tpu.memory_space<hbm>>) target(%dma_start3A_386 : memref<128xi32, #tpu.memory_space<vmem>>) target_semaphore(%arg15 : memref<!tpu.dma_semaphore, #tpu.memory_space<semaphore_mem>>)
        } else {
        }
      } else {
      }
      %mul3A_304 = arith.constant 4 : i32
      %mul3A_305 = arith.muli %mul3A_304, %scan3A_138 : i32
      %add3A_306 = arith.constant 3 : i32
      %add3A_307 = arith.addi %mul3A_305, %add3A_306 : i32
      %ge3A_308 = arith.constant 1 : i32
      %ge3A_309 = arith.cmpi sge, %add3A_307, %ge3A_308 : i32
      %convert_element_type3A_310 = arith.extui %ge3A_309 : i1 to i32
      %cond3A_311 = arith.constant 0 : i32
      %cond3A_312 = arith.cmpi ne, %convert_element_type3A_310, %cond3A_311 : i32
      scf.if %cond3A_312 {
        %dma_wait3A_359 = arith.constant 2 : i32
        %dma_wait3A_360 = arith.constant 0 : i32
        %dma_wait3A_361 = tpu.memref_slice %arg8[%dma_wait3A_359, %dma_wait3A_360] : memref<4x128xi32, #tpu.memory_space<vmem>> -> memref<1x128xi32, #tpu.memory_space<vmem>>
        %dma_wait3A_362 = tpu.memref_squeeze %dma_wait3A_361 : memref<1x128xi32, #tpu.memory_space<vmem>> -> memref<128xi32, #tpu.memory_space<vmem>>
        %dma_wait3A_363 = arith.constant 0 : i32
        %dma_wait3A_364 = arith.constant 0 : i32
        %dma_wait3A_365 = tpu.memref_slice %arg11[%dma_wait3A_363, %dma_wait3A_364] : memref<10240x128xf32, #tpu.memory_space<vmem_shared>> -> memref<10240x128xf32, #tpu.memory_space<vmem_shared>>
        tpu.wait_indirect_dma semaphore(%arg14 : memref<!tpu.dma_semaphore, #tpu.memory_space<semaphore_mem>>) src(%arg9 : memref<128x128xf32, #tpu.memory_space<vmem>>) dst(%dma_wait3A_365 : memref<10240x128xf32, #tpu.memory_space<vmem_shared>>)
      } else {
      }
      %add3A_313 = arith.constant 1 : i32
      %add3A_314 = arith.addi %add3A_307, %add3A_313 : i32
      %lt3A_315 = arith.constant 80 : i32
      %lt3A_316 = arith.cmpi slt, %add3A_314, %lt3A_315 : i32
      %convert_element_type3A_317 = arith.extui %lt3A_316 : i1 to i32
      %cond3A_318 = arith.constant 0 : i32
      %cond3A_319 = arith.cmpi ne, %convert_element_type3A_317, %cond3A_318 : i32
      scf.if %cond3A_319 {
        %add3A_359 = arith.constant 1 : i32
        %add3A_360 = arith.addi %add3A_307, %add3A_359 : i32
        %mul3A_361 = arith.constant 128 : i32
        %mul3A_362 = arith.muli %add3A_360, %mul3A_361 : i32
        %dma_start3A_363 = arith.constant 0 : i32
        %dma_start3A_364 = arith.constant 0 : i32
        %dma_start3A_365 = tpu.memref_slice %arg9[%dma_start3A_363, %dma_start3A_364] : memref<128x128xf32, #tpu.memory_space<vmem>> -> memref<64x128xf32, #tpu.memory_space<vmem>>
        %dma_start3A_366 = tpu.memref_slice %arg7[%mul3A_362] : memref<10240xi32, #tpu.memory_space<vmem>> -> memref<64xi32, #tpu.memory_space<vmem>>
        %dma_start3A_367 = arith.constant 0 : i32
        %dma_start3A_368 = arith.constant 0 : i32
        %dma_start3A_369 = tpu.memref_slice %arg2[%dma_start3A_367, %dma_start3A_368] : memref<10000x128xf32, #tpu.memory_space<hbm>> -> memref<10000x128xf32, #tpu.memory_space<hbm>>
        tpu.enqueue_indirect_dma source(%dma_start3A_369 : memref<10000x128xf32, #tpu.memory_space<hbm>>) target(%dma_start3A_365 : memref<64x128xf32, #tpu.memory_space<vmem>>) offsets(%dma_start3A_366 : memref<64xi32, #tpu.memory_space<vmem>>) semaphore(%arg12 : memref<!tpu.dma_semaphore, #tpu.memory_space<semaphore_mem>>)
        %mul3A_370 = arith.constant 128 : i32
        %mul3A_371 = arith.muli %add3A_360, %mul3A_370 : i32
        %add3A_372 = arith.constant 64 : i32
        %add3A_373 = arith.addi %mul3A_371, %add3A_372 : i32
        %dma_start3A_374 = arith.constant 64 : i32
        %dma_start3A_375 = arith.constant 0 : i32
        %dma_start3A_376 = tpu.memref_slice %arg9[%dma_start3A_374, %dma_start3A_375] : memref<128x128xf32, #tpu.memory_space<vmem>> -> memref<64x128xf32, #tpu.memory_space<vmem>>
        %dma_start3A_377 = tpu.memref_slice %arg7[%add3A_373] : memref<10240xi32, #tpu.memory_space<vmem>> -> memref<64xi32, #tpu.memory_space<vmem>>
        %dma_start3A_378 = arith.constant 0 : i32
        %dma_start3A_379 = arith.constant 0 : i32
        %dma_start3A_380 = tpu.memref_slice %arg2[%dma_start3A_378, %dma_start3A_379] : memref<10000x128xf32, #tpu.memory_space<hbm>> -> memref<10000x128xf32, #tpu.memory_space<hbm>>
        tpu.enqueue_indirect_dma source(%dma_start3A_380 : memref<10000x128xf32, #tpu.memory_space<hbm>>) target(%dma_start3A_376 : memref<64x128xf32, #tpu.memory_space<vmem>>) offsets(%dma_start3A_377 : memref<64xi32, #tpu.memory_space<vmem>>) semaphore(%arg12 : memref<!tpu.dma_semaphore, #tpu.memory_space<semaphore_mem>>)
      } else {
      }
      %mul3A_320 = arith.constant 128 : i32
      %mul3A_321 = arith.muli %add3A_307, %mul3A_320 : i32
      %dma_wait3A_322 = arith.constant 0 : i32
      %dma_wait3A_323 = arith.constant 0 : i32
      %dma_wait3A_324 = tpu.memref_slice %arg10[%dma_wait3A_322, %dma_wait3A_323] : memref<128x128xf32, #tpu.memory_space<vmem>> -> memref<64x128xf32, #tpu.memory_space<vmem>>
      %dma_wait3A_325 = tpu.memref_slice %arg7[%mul3A_321] : memref<10240xi32, #tpu.memory_space<vmem>> -> memref<64xi32, #tpu.memory_space<vmem>>
      %dma_wait3A_326 = arith.constant 0 : i32
      %dma_wait3A_327 = arith.constant 0 : i32
      %dma_wait3A_328 = tpu.memref_slice %arg2[%dma_wait3A_326, %dma_wait3A_327] : memref<10000x128xf32, #tpu.memory_space<hbm>> -> memref<10000x128xf32, #tpu.memory_space<hbm>>
      tpu.wait_indirect_dma semaphore(%arg13 : memref<!tpu.dma_semaphore, #tpu.memory_space<semaphore_mem>>) src(%dma_wait3A_328 : memref<10000x128xf32, #tpu.memory_space<hbm>>) dst(%dma_wait3A_324 : memref<64x128xf32, #tpu.memory_space<vmem>>)
      %mul3A_329 = arith.constant 128 : i32
      %mul3A_330 = arith.muli %add3A_307, %mul3A_329 : i32
      %add3A_331 = arith.constant 64 : i32
      %add3A_332 = arith.addi %mul3A_330, %add3A_331 : i32
      %dma_wait3A_333 = arith.constant 64 : i32
      %dma_wait3A_334 = arith.constant 0 : i32
      %dma_wait3A_335 = tpu.memref_slice %arg10[%dma_wait3A_333, %dma_wait3A_334] : memref<128x128xf32, #tpu.memory_space<vmem>> -> memref<64x128xf32, #tpu.memory_space<vmem>>
      %dma_wait3A_336 = tpu.memref_slice %arg7[%add3A_332] : memref<10240xi32, #tpu.memory_space<vmem>> -> memref<64xi32, #tpu.memory_space<vmem>>
      %dma_wait3A_337 = arith.constant 0 : i32
      %dma_wait3A_338 = arith.constant 0 : i32
      %dma_wait3A_339 = tpu.memref_slice %arg2[%dma_wait3A_337, %dma_wait3A_338] : memref<10000x128xf32, #tpu.memory_space<hbm>> -> memref<10000x128xf32, #tpu.memory_space<hbm>>
      tpu.wait_indirect_dma semaphore(%arg13 : memref<!tpu.dma_semaphore, #tpu.memory_space<semaphore_mem>>) src(%dma_wait3A_339 : memref<10000x128xf32, #tpu.memory_space<hbm>>) dst(%dma_wait3A_335 : memref<64x128xf32, #tpu.memory_space<vmem>>)
      %ge3A_340 = arith.constant 1 : i32
      %ge3A_341 = arith.cmpi sge, %add3A_307, %ge3A_340 : i32
      %convert_element_type3A_342 = arith.extui %ge3A_341 : i1 to i32
      %cond3A_343 = arith.constant 0 : i32
      %cond3A_344 = arith.cmpi ne, %convert_element_type3A_342, %cond3A_343 : i32
      scf.if %cond3A_344 {
        %mul3A_359 = arith.constant 128 : i32
        %mul3A_360 = arith.muli %add3A_307, %mul3A_359 : i32
        %add3A_361 = arith.addi %mul3A_2, %mul3A_360 : i32
        %dma_wait3A_362 = arith.constant 1 : i32
        %dma_wait3A_363 = arith.constant 3 : i32
        %dma_wait3A_364 = arith.constant 0 : i32
        %dma_wait3A_365 = tpu.memref_slice %arg8[%dma_wait3A_363, %dma_wait3A_364] : memref<4x128xi32, #tpu.memory_space<vmem>> -> memref<1x128xi32, #tpu.memory_space<vmem>>
        %dma_wait3A_366 = tpu.memref_squeeze %dma_wait3A_365 : memref<1x128xi32, #tpu.memory_space<vmem>> -> memref<128xi32, #tpu.memory_space<vmem>>
        %dma_wait3A_367 = tpu.memref_slice %arg3[%dma_wait3A_362, %add3A_361] : memref<2x320000xi32, #tpu.memory_space<hbm>> -> memref<1x128xi32, #tpu.memory_space<hbm>>
        %dma_wait3A_368 = tpu.memref_squeeze %dma_wait3A_367 : memref<1x128xi32, #tpu.memory_space<hbm>> -> memref<128xi32, #tpu.memory_space<hbm>>
        %dma_wait3A_369 = arith.constant 0 : i32
        %dma_wait3A_370 = tpu.memref_slice %arg8[%dma_wait3A_363, %dma_wait3A_369] : memref<4x128xi32, #tpu.memory_space<vmem>> -> memref<1x128xi32, #tpu.memory_space<vmem>>
        %dma_wait3A_371 = tpu.memref_squeeze %dma_wait3A_370 : memref<1x128xi32, #tpu.memory_space<vmem>> -> memref<128xi32, #tpu.memory_space<vmem>>
        %dma_wait3A_372 = tpu.memref_slice %arg3[%dma_wait3A_362, %add3A_361] : memref<2x320000xi32, #tpu.memory_space<hbm>> -> memref<1x128xi32, #tpu.memory_space<hbm>>
        %dma_wait3A_373 = tpu.memref_squeeze %dma_wait3A_372 : memref<1x128xi32, #tpu.memory_space<hbm>> -> memref<128xi32, #tpu.memory_space<hbm>>
        tpu.wait_dma2 semaphore(%arg16 : memref<!tpu.dma_semaphore, #tpu.memory_space<semaphore_mem>>) src(%dma_wait3A_373 : memref<128xi32, #tpu.memory_space<hbm>>) dst(%dma_wait3A_371 : memref<128xi32, #tpu.memory_space<vmem>>)
      } else {
      }
      %dma_start3A_345 = arith.constant 3 : i32
      %dma_start3A_346 = arith.constant 0 : i32
      %dma_start3A_347 = tpu.memref_slice %arg8[%dma_start3A_345, %dma_start3A_346] : memref<4x128xi32, #tpu.memory_space<vmem>> -> memref<1x128xi32, #tpu.memory_space<vmem>>
      %dma_start3A_348 = tpu.memref_squeeze %dma_start3A_347 : memref<1x128xi32, #tpu.memory_space<vmem>> -> memref<128xi32, #tpu.memory_space<vmem>>
      %dma_start3A_349 = arith.constant 0 : i32
      %dma_start3A_350 = arith.constant 0 : i32
      %dma_start3A_351 = tpu.memref_slice %arg11[%dma_start3A_349, %dma_start3A_350] : memref<10240x128xf32, #tpu.memory_space<vmem_shared>> -> memref<10240x128xf32, #tpu.memory_space<vmem_shared>>
      tpu.enqueue_indirect_dma source(%arg10 : memref<128x128xf32, #tpu.memory_space<vmem>>) target(%dma_start3A_351 : memref<10240x128xf32, #tpu.memory_space<vmem_shared>>) offsets(%dma_start3A_348 : memref<128xi32, #tpu.memory_space<vmem>>) semaphore(%arg14 : memref<!tpu.dma_semaphore, #tpu.memory_space<semaphore_mem>>) {add = true}
      %add3A_352 = arith.constant 2 : i32
      %add3A_353 = arith.addi %add3A_307, %add3A_352 : i32
      %lt3A_354 = arith.constant 80 : i32
      %lt3A_355 = arith.cmpi slt, %add3A_353, %lt3A_354 : i32
      %convert_element_type3A_356 = arith.extui %lt3A_355 : i1 to i32
      %cond3A_357 = arith.constant 0 : i32
      %cond3A_358 = arith.cmpi ne, %convert_element_type3A_356, %cond3A_357 : i32
      scf.if %cond3A_358 {
        %add3A_359 = arith.constant 2 : i32
        %add3A_360 = arith.addi %add3A_307, %add3A_359 : i32
        %mul3A_361 = arith.constant 128 : i32
        %mul3A_362 = arith.muli %add3A_360, %mul3A_361 : i32
        %add3A_363 = arith.addi %mul3A_2, %mul3A_362 : i32
        %add3A_364 = arith.constant 128 : i32
        %add3A_365 = arith.addi %add3A_363, %add3A_364 : i32
        %le3A_366 = arith.constant 320000 : i32
        %le3A_367 = arith.cmpi sle, %add3A_365, %le3A_366 : i32
        %convert_element_type3A_368 = arith.extui %le3A_367 : i1 to i32
        %cond3A_369 = arith.constant 0 : i32
        %cond3A_370 = arith.cmpi ne, %convert_element_type3A_368, %cond3A_369 : i32
        scf.if %cond3A_370 {
          %dma_start3A_376 = arith.constant 1 : i32
          %dma_start3A_377 = arith.constant 1 : i32
          %dma_start3A_378 = arith.constant 0 : i32
          %dma_start3A_379 = tpu.memref_slice %arg8[%dma_start3A_377, %dma_start3A_378] : memref<4x128xi32, #tpu.memory_space<vmem>> -> memref<1x128xi32, #tpu.memory_space<vmem>>
          %dma_start3A_380 = tpu.memref_squeeze %dma_start3A_379 : memref<1x128xi32, #tpu.memory_space<vmem>> -> memref<128xi32, #tpu.memory_space<vmem>>
          %dma_start3A_381 = tpu.memref_slice %arg3[%dma_start3A_376, %add3A_363] : memref<2x320000xi32, #tpu.memory_space<hbm>> -> memref<1x128xi32, #tpu.memory_space<hbm>>
          %dma_start3A_382 = tpu.memref_squeeze %dma_start3A_381 : memref<1x128xi32, #tpu.memory_space<hbm>> -> memref<128xi32, #tpu.memory_space<hbm>>
          %dma_start3A_383 = arith.constant 0 : i32
          %dma_start3A_384 = tpu.memref_slice %arg8[%dma_start3A_377, %dma_start3A_383] : memref<4x128xi32, #tpu.memory_space<vmem>> -> memref<1x128xi32, #tpu.memory_space<vmem>>
          %dma_start3A_385 = tpu.memref_squeeze %dma_start3A_384 : memref<1x128xi32, #tpu.memory_space<vmem>> -> memref<128xi32, #tpu.memory_space<vmem>>
          %dma_start3A_386 = tpu.memref_slice %arg3[%dma_start3A_376, %add3A_363] : memref<2x320000xi32, #tpu.memory_space<hbm>> -> memref<1x128xi32, #tpu.memory_space<hbm>>
          %dma_start3A_387 = tpu.memref_squeeze %dma_start3A_386 : memref<1x128xi32, #tpu.memory_space<hbm>> -> memref<128xi32, #tpu.memory_space<hbm>>
          tpu.enqueue_dma source(%dma_start3A_387 : memref<128xi32, #tpu.memory_space<hbm>>) target(%dma_start3A_385 : memref<128xi32, #tpu.memory_space<vmem>>) target_semaphore(%arg16 : memref<!tpu.dma_semaphore, #tpu.memory_space<semaphore_mem>>)
        } else {
        }
        %ge3A_371 = arith.constant 320000 : i32
        %ge3A_372 = arith.cmpi sge, %add3A_363, %ge3A_371 : i32
        %convert_element_type3A_373 = arith.extui %ge3A_372 : i1 to i32
        %cond3A_374 = arith.constant 0 : i32
        %cond3A_375 = arith.cmpi ne, %convert_element_type3A_373, %cond3A_374 : i32
        scf.if %cond3A_375 {
          %sub3A = arith.constant 320000 : i32
          %sub3A_376 = arith.subi %add3A_363, %sub3A : i32
          %dma_start3A_377 = arith.constant 1 : i32
          %dma_start3A_378 = arith.constant 1 : i32
          %dma_start3A_379 = arith.constant 0 : i32
          %dma_start3A_380 = tpu.memref_slice %arg8[%dma_start3A_378, %dma_start3A_379] : memref<4x128xi32, #tpu.memory_space<vmem>> -> memref<1x128xi32, #tpu.memory_space<vmem>>
          %dma_start3A_381 = tpu.memref_squeeze %dma_start3A_380 : memref<1x128xi32, #tpu.memory_space<vmem>> -> memref<128xi32, #tpu.memory_space<vmem>>
          %dma_start3A_382 = tpu.memref_slice %arg4[%dma_start3A_377, %sub3A_376] : memref<2x7680xi32, #tpu.memory_space<hbm>> -> memref<1x128xi32, #tpu.memory_space<hbm>>
          %dma_start3A_383 = tpu.memref_squeeze %dma_start3A_382 : memref<1x128xi32, #tpu.memory_space<hbm>> -> memref<128xi32, #tpu.memory_space<hbm>>
          %dma_start3A_384 = arith.constant 0 : i32
          %dma_start3A_385 = tpu.memref_slice %arg8[%dma_start3A_378, %dma_start3A_384] : memref<4x128xi32, #tpu.memory_space<vmem>> -> memref<1x128xi32, #tpu.memory_space<vmem>>
          %dma_start3A_386 = tpu.memref_squeeze %dma_start3A_385 : memref<1x128xi32, #tpu.memory_space<vmem>> -> memref<128xi32, #tpu.memory_space<vmem>>
          %dma_start3A_387 = tpu.memref_slice %arg4[%dma_start3A_377, %sub3A_376] : memref<2x7680xi32, #tpu.memory_space<hbm>> -> memref<1x128xi32, #tpu.memory_space<hbm>>
          %dma_start3A_388 = tpu.memref_squeeze %dma_start3A_387 : memref<1x128xi32, #tpu.memory_space<hbm>> -> memref<128xi32, #tpu.memory_space<hbm>>
          tpu.enqueue_dma source(%dma_start3A_388 : memref<128xi32, #tpu.memory_space<hbm>>) target(%dma_start3A_386 : memref<128xi32, #tpu.memory_space<vmem>>) target_semaphore(%arg16 : memref<!tpu.dma_semaphore, #tpu.memory_space<semaphore_mem>>)
        } else {
        }
      } else {
      }
    }
    %scan3A_125 = arith.constant 20 : i32
    %dma_wait3A_126 = arith.constant 3 : i32
    %dma_wait3A_127 = arith.constant 0 : i32
    %dma_wait3A_128 = tpu.memref_slice %arg8[%dma_wait3A_126, %dma_wait3A_127] : memref<4x128xi32, #tpu.memory_space<vmem>> -> memref<1x128xi32, #tpu.memory_space<vmem>>
    %dma_wait3A_129 = tpu.memref_squeeze %dma_wait3A_128 : memref<1x128xi32, #tpu.memory_space<vmem>> -> memref<128xi32, #tpu.memory_space<vmem>>
    %dma_wait3A_130 = arith.constant 0 : i32
    %dma_wait3A_131 = arith.constant 0 : i32
    %dma_wait3A_132 = tpu.memref_slice %arg11[%dma_wait3A_130, %dma_wait3A_131] : memref<10240x128xf32, #tpu.memory_space<vmem_shared>> -> memref<10240x128xf32, #tpu.memory_space<vmem_shared>>
    tpu.wait_indirect_dma semaphore(%arg14 : memref<!tpu.dma_semaphore, #tpu.memory_space<semaphore_mem>>) src(%arg10 : memref<128x128xf32, #tpu.memory_space<vmem>>) dst(%dma_wait3A_132 : memref<10240x128xf32, #tpu.memory_space<vmem_shared>>)
    %barrier3A_133 = arith.constant 0 : index
    tpu.barrier barrier_id(%barrier3A_133)
    %mul3A_134 = arith.constant 640 : i32
    %mul3A_135 = arith.muli %arg1, %mul3A_134 : i32
    %mul3A_136 = arith.constant 640 : i32
    %mul3A_137 = arith.muli %arg1, %mul3A_136 : i32
    "tpu.region"() ({
      %run_scoped3A = tpu.sem_alloc : memref<!tpu.dma_semaphore, #tpu.memory_space<semaphore_mem>>
      %dma_start3A_138 = arith.constant 0 : i32
      %dma_start3A_139 = tpu.memref_slice %arg6[%arg0, %mul3A_137, %dma_start3A_138] : memref<2x10240x128xf32, #tpu.memory_space<hbm>> -> memref<1x640x128xf32, #tpu.memory_space<hbm>>
      %dma_start3A_140 = tpu.memref_squeeze %dma_start3A_139 : memref<1x640x128xf32, #tpu.memory_space<hbm>> -> memref<640x128xf32, #tpu.memory_space<hbm>>
      %dma_start3A_141 = arith.constant 0 : i32
      %dma_start3A_142 = tpu.memref_slice %arg11[%mul3A_135, %dma_start3A_141] : memref<10240x128xf32, #tpu.memory_space<vmem_shared>> -> memref<640x128xf32, #tpu.memory_space<vmem_shared>>
      tpu.enqueue_dma source(%dma_start3A_142 : memref<640x128xf32, #tpu.memory_space<vmem_shared>>) target(%dma_start3A_140 : memref<640x128xf32, #tpu.memory_space<hbm>>) target_semaphore(%run_scoped3A : memref<!tpu.dma_semaphore, #tpu.memory_space<semaphore_mem>>)
      %dma_wait3A_143 = arith.constant 0 : i32
      %dma_wait3A_144 = tpu.memref_slice %arg6[%arg0, %mul3A_137, %dma_wait3A_143] : memref<2x10240x128xf32, #tpu.memory_space<hbm>> -> memref<1x640x128xf32, #tpu.memory_space<hbm>>
      %dma_wait3A_145 = tpu.memref_squeeze %dma_wait3A_144 : memref<1x640x128xf32, #tpu.memory_space<hbm>> -> memref<640x128xf32, #tpu.memory_space<hbm>>
      %dma_wait3A_146 = arith.constant 0 : i32
      %dma_wait3A_147 = tpu.memref_slice %arg11[%mul3A_135, %dma_wait3A_146] : memref<10240x128xf32, #tpu.memory_space<vmem_shared>> -> memref<640x128xf32, #tpu.memory_space<vmem_shared>>
      tpu.wait_dma2 semaphore(%run_scoped3A : memref<!tpu.dma_semaphore, #tpu.memory_space<semaphore_mem>>) src(%dma_wait3A_147 : memref<640x128xf32, #tpu.memory_space<vmem_shared>>) dst(%dma_wait3A_145 : memref<640x128xf32, #tpu.memory_space<hbm>>)
      tpu.yield
    }) : () -> ()
    return
  }
}

module attributes {stable_mosaic.version = 14 : i64} {
  func.func @_head_block(%arg0: memref<3072x128xf32, #tpu.memory_space<vmem>>, %arg1: memref<128x128xf32, #tpu.memory_space<vmem>>, %arg2: memref<1x128xf32, #tpu.memory_space<vmem>>, %arg3: memref<128x128xf32, #tpu.memory_space<vmem>>, %arg4: memref<1x128xf32, #tpu.memory_space<vmem>>, %arg5: memref<1x1xf32, #tpu.memory_space<smem>>) attributes {dimension_semantics = [], scalar_prefetch = 0 : i64, scratch_operands = 0 : i64, tpu.core_type = #tpu.core_type<tc>} {
    %get3A = arith.constant 0 : index
    %get3A_0 = arith.constant 0 : index
    %get3A_1 = vector.load %arg0[%get3A, %get3A_0] : memref<3072x128xf32, #tpu.memory_space<vmem>>, vector<3072x128xf32>
    %get3A_2 = arith.constant 0 : index
    %get3A_3 = arith.constant 0 : index
    %get3A_4 = vector.load %arg1[%get3A_2, %get3A_3] : memref<128x128xf32, #tpu.memory_space<vmem>>, vector<128x128xf32>
    %dot_general3A = arith.constant dense<0.000000e+00> : vector<3072x128xf32>
    %dot_general3A_5 = tpu.matmul %get3A_1, %get3A_4, %dot_general3A {dimension_numbers = #tpu.dot_dimension_numbers<[1], [0], [0], [1], [0, 0, 1, 1], [], []>, transpose_lhs_hint = false} : vector<3072x128xf32>, vector<128x128xf32>, vector<3072x128xf32> -> vector<3072x128xf32>
    %get3A_6 = arith.constant 0 : index
    %get3A_7 = arith.constant 0 : index
    %get3A_8 = vector.load %arg2[%get3A_6, %get3A_7] : memref<1x128xf32, #tpu.memory_space<vmem>>, vector<1x128xf32>
    %add3A = vector.broadcast %get3A_8 : vector<1x128xf32> to vector<3072x128xf32>
    %add3A_9 = arith.addf %dot_general3A_5, %add3A : vector<3072x128xf32>
    %max3A = arith.constant 0.000000e+00 : f32
    %max3A_10 = vector.broadcast %max3A : f32 to vector<3072x128xf32>
    %max3A_11 = arith.maximumf %add3A_9, %max3A_10 : vector<3072x128xf32>
    %get3A_12 = arith.constant 0 : index
    %get3A_13 = arith.constant 0 : index
    %get3A_14 = vector.load %arg3[%get3A_12, %get3A_13] : memref<128x128xf32, #tpu.memory_space<vmem>>, vector<128x128xf32>
    %dot_general3A_15 = arith.constant dense<0.000000e+00> : vector<3072x128xf32>
    %dot_general3A_16 = tpu.matmul %max3A_11, %get3A_14, %dot_general3A_15 {dimension_numbers = #tpu.dot_dimension_numbers<[1], [0], [0], [1], [0, 0, 1, 1], [], []>, transpose_lhs_hint = false} : vector<3072x128xf32>, vector<128x128xf32>, vector<3072x128xf32> -> vector<3072x128xf32>
    %get3A_17 = arith.constant 0 : index
    %get3A_18 = arith.constant 0 : index
    %get3A_19 = vector.load %arg4[%get3A_17, %get3A_18] : memref<1x128xf32, #tpu.memory_space<vmem>>, vector<1x128xf32>
    %add3A_20 = vector.broadcast %get3A_19 : vector<1x128xf32> to vector<3072x128xf32>
    %add3A_21 = arith.addf %dot_general3A_16, %add3A_20 : vector<3072x128xf32>
    %slice3A = vector.extract_strided_slice %add3A_21 {offsets = [0, 0], sizes = [1024, 128], strides = [1, 1]} : vector<3072x128xf32> to vector<1024x128xf32>
    %slice3A_22 = vector.extract_strided_slice %add3A_21 {offsets = [1024, 0], sizes = [1024, 128], strides = [1, 1]} : vector<3072x128xf32> to vector<1024x128xf32>
    %slice3A_23 = vector.extract_strided_slice %add3A_21 {offsets = [2048, 0], sizes = [1024, 128], strides = [1, 1]} : vector<3072x128xf32> to vector<1024x128xf32>
    %mul3A = arith.mulf %slice3A, %slice3A : vector<1024x128xf32>
    %reduce_sum3A = arith.constant dense<0.000000e+00> : vector<1024xf32>
    %reduce_sum3A_24 = vector.multi_reduction <add>, %mul3A, %reduce_sum3A [1] : vector<1024x128xf32> to vector<1024xf32>
    %broadcast_in_dim3A = vector.shape_cast %reduce_sum3A_24 : vector<1024xf32> to vector<1024x1xf32>
    %sqrt3A = math.sqrt %broadcast_in_dim3A : vector<1024x1xf32>
    %mul3A_25 = arith.mulf %slice3A_22, %slice3A_22 : vector<1024x128xf32>
    %reduce_sum3A_26 = arith.constant dense<0.000000e+00> : vector<1024xf32>
    %reduce_sum3A_27 = vector.multi_reduction <add>, %mul3A_25, %reduce_sum3A_26 [1] : vector<1024x128xf32> to vector<1024xf32>
    %broadcast_in_dim3A_28 = vector.shape_cast %reduce_sum3A_27 : vector<1024xf32> to vector<1024x1xf32>
    %sqrt3A_29 = math.sqrt %broadcast_in_dim3A_28 : vector<1024x1xf32>
    %mul3A_30 = arith.mulf %slice3A, %slice3A_22 : vector<1024x128xf32>
    %reduce_sum3A_31 = arith.constant dense<0.000000e+00> : vector<1024xf32>
    %reduce_sum3A_32 = vector.multi_reduction <add>, %mul3A_30, %reduce_sum3A_31 [1] : vector<1024x128xf32> to vector<1024xf32>
    %broadcast_in_dim3A_33 = vector.shape_cast %reduce_sum3A_32 : vector<1024xf32> to vector<1024x1xf32>
    %mul3A_34 = arith.mulf %sqrt3A, %sqrt3A_29 : vector<1024x1xf32>
    %max3A_35 = arith.constant 9.99999993E-9 : f32
    %max3A_36 = vector.broadcast %max3A_35 : f32 to vector<1024x1xf32>
    %max3A_37 = arith.maximumf %mul3A_34, %max3A_36 : vector<1024x1xf32>
    %div3A = arith.divf %broadcast_in_dim3A_33, %max3A_37 : vector<1024x1xf32>
    %mul3A_38 = arith.mulf %slice3A, %slice3A : vector<1024x128xf32>
    %reduce_sum3A_39 = arith.constant dense<0.000000e+00> : vector<1024xf32>
    %reduce_sum3A_40 = vector.multi_reduction <add>, %mul3A_38, %reduce_sum3A_39 [1] : vector<1024x128xf32> to vector<1024xf32>
    %broadcast_in_dim3A_41 = vector.shape_cast %reduce_sum3A_40 : vector<1024xf32> to vector<1024x1xf32>
    %sqrt3A_42 = math.sqrt %broadcast_in_dim3A_41 : vector<1024x1xf32>
    %mul3A_43 = arith.mulf %slice3A_23, %slice3A_23 : vector<1024x128xf32>
    %reduce_sum3A_44 = arith.constant dense<0.000000e+00> : vector<1024xf32>
    %reduce_sum3A_45 = vector.multi_reduction <add>, %mul3A_43, %reduce_sum3A_44 [1] : vector<1024x128xf32> to vector<1024xf32>
    %broadcast_in_dim3A_46 = vector.shape_cast %reduce_sum3A_45 : vector<1024xf32> to vector<1024x1xf32>
    %sqrt3A_47 = math.sqrt %broadcast_in_dim3A_46 : vector<1024x1xf32>
    %mul3A_48 = arith.mulf %slice3A, %slice3A_23 : vector<1024x128xf32>
    %reduce_sum3A_49 = arith.constant dense<0.000000e+00> : vector<1024xf32>
    %reduce_sum3A_50 = vector.multi_reduction <add>, %mul3A_48, %reduce_sum3A_49 [1] : vector<1024x128xf32> to vector<1024xf32>
    %broadcast_in_dim3A_51 = vector.shape_cast %reduce_sum3A_50 : vector<1024xf32> to vector<1024x1xf32>
    %mul3A_52 = arith.mulf %sqrt3A_42, %sqrt3A_47 : vector<1024x1xf32>
    %max3A_53 = arith.constant 9.99999993E-9 : f32
    %max3A_54 = vector.broadcast %max3A_53 : f32 to vector<1024x1xf32>
    %max3A_55 = arith.maximumf %mul3A_52, %max3A_54 : vector<1024x1xf32>
    %div3A_56 = arith.divf %broadcast_in_dim3A_51, %max3A_55 : vector<1024x1xf32>
    %div3A_57 = arith.constant 2.000000e-01 : f32
    %div3A_58 = vector.broadcast %div3A_57 : f32 to vector<1024x1xf32>
    %div3A_59 = arith.divf %div3A, %div3A_58 : vector<1024x1xf32>
    %exp3A = math.exp %div3A_59 : vector<1024x1xf32>
    %div3A_60 = arith.constant 2.000000e-01 : f32
    %div3A_61 = vector.broadcast %div3A_60 : f32 to vector<1024x1xf32>
    %div3A_62 = arith.divf %div3A_56, %div3A_61 : vector<1024x1xf32>
    %exp3A_63 = math.exp %div3A_62 : vector<1024x1xf32>
    %add3A_64 = arith.addf %exp3A, %exp3A_63 : vector<1024x1xf32>
    %div3A_65 = arith.divf %exp3A, %add3A_64 : vector<1024x1xf32>
    %log3A = math.log %div3A_65 : vector<1024x1xf32>
    %reduce_sum3A_66 = vector.shape_cast %log3A : vector<1024x1xf32> to vector<1x1024x1xf32>
    %reduce_sum3A_67 = arith.constant dense<0.000000e+00> : vector<1xf32>
    %reduce_sum3A_68 = vector.multi_reduction <add>, %reduce_sum3A_66, %reduce_sum3A_67 [1, 2] : vector<1x1024x1xf32> to vector<1xf32>
    %reduce_sum3A_69 = vector.shape_cast %reduce_sum3A_68 : vector<1xf32> to vector<1x1x1xf32>
    %reduce_sum3A_70 = vector.extract %reduce_sum3A_69[0, 0, 0] : f32 from vector<1x1x1xf32>
    %neg3A = arith.constant 0.000000e+00 : f32
    %neg3A_71 = arith.subf %neg3A, %reduce_sum3A_70 : f32
    %div3A_72 = arith.constant 1.024000e+03 : f32
    %div3A_73 = arith.divf %neg3A_71, %div3A_72 : f32
    %swap3A = arith.constant 0 : index
    %swap3A_74 = arith.constant 0 : index
    %swap3A_75 = memref.load %arg5[%swap3A, %swap3A_74] : memref<1x1xf32, #tpu.memory_space<smem>>
    memref.store %div3A_73, %arg5[%swap3A, %swap3A_74] : memref<1x1xf32, #tpu.memory_space<smem>>
    return
  }
}

module attributes {stable_mosaic.version = 14 : i64} {
  func.func @_mlp_block(%arg0: i32, %arg1: memref<1xf32, #tpu.memory_space<smem>>, %arg2: memref<1000x128xf32, #tpu.memory_space<vmem>>, %arg3: memref<1x1000x128xf32, #tpu.memory_space<vmem>>, %arg4: memref<1x1000x128xf32, #tpu.memory_space<vmem>>, %arg5: memref<128x128xf32, #tpu.memory_space<vmem>>, %arg6: memref<1x128xf32, #tpu.memory_space<vmem>>, %arg7: memref<128x128xf32, #tpu.memory_space<vmem>>, %arg8: memref<1x128xf32, #tpu.memory_space<vmem>>, %arg9: memref<1000x128xf32, #tpu.memory_space<vmem>>) attributes {dimension_semantics = [#tpu.dimension_semantics<arbitrary>], iteration_bounds = array<i64: 10>, scalar_prefetch = 0 : i64, scratch_operands = 0 : i64, tpu.core_type = #tpu.core_type<tc>, window_params = [{transform_indices = @transform_0, window_bounds = array<i64: 1>}, {transform_indices = @transform_1, window_bounds = array<i64: 1000, 128>}, {transform_indices = @transform_2, window_bounds = array<i64: 1, 1000, 128>}, {transform_indices = @transform_3, window_bounds = array<i64: 1, 1000, 128>}, {pipeline_mode = #tpu.pipeline_mode<synchronous>, transform_indices = @transform_4, window_bounds = array<i64: 128, 128>}, {pipeline_mode = #tpu.pipeline_mode<synchronous>, transform_indices = @transform_5, window_bounds = array<i64: 1, 128>}, {pipeline_mode = #tpu.pipeline_mode<synchronous>, transform_indices = @transform_6, window_bounds = array<i64: 128, 128>}, {pipeline_mode = #tpu.pipeline_mode<synchronous>, transform_indices = @transform_7, window_bounds = array<i64: 1, 128>}, {transform_indices = @transform_8, window_bounds = array<i64: 1000, 128>}]} {
    %get3A = arith.constant 0 : index
    %get3A_0 = memref.load %arg1[%get3A] : memref<1xf32, #tpu.memory_space<smem>>
    %add3A = arith.constant 1.000000e+00 : f32
    %add3A_1 = arith.addf %add3A, %get3A_0 : f32
    %get3A_2 = arith.constant 0 : index
    %get3A_3 = arith.constant 0 : index
    %get3A_4 = vector.load %arg2[%get3A_2, %get3A_3] : memref<1000x128xf32, #tpu.memory_space<vmem>>, vector<1000x128xf32>
    %mul3A = vector.broadcast %add3A_1 : f32 to vector<1000x128xf32>
    %mul3A_5 = arith.mulf %mul3A, %get3A_4 : vector<1000x128xf32>
    %get3A_6 = arith.constant 0 : index
    %get3A_7 = arith.constant 0 : index
    %get3A_8 = arith.constant 0 : index
    %get3A_9 = vector.load %arg3[%get3A_6, %get3A_7, %get3A_8] : memref<1x1000x128xf32, #tpu.memory_space<vmem>>, vector<1x1000x128xf32>
    %get3A_10 = vector.shape_cast %get3A_9 : vector<1x1000x128xf32> to vector<1000x128xf32>
    %add3A_11 = arith.addf %mul3A_5, %get3A_10 : vector<1000x128xf32>
    %get3A_12 = arith.constant 0 : index
    %get3A_13 = arith.constant 0 : index
    %get3A_14 = arith.constant 0 : index
    %get3A_15 = vector.load %arg4[%get3A_12, %get3A_13, %get3A_14] : memref<1x1000x128xf32, #tpu.memory_space<vmem>>, vector<1x1000x128xf32>
    %get3A_16 = vector.shape_cast %get3A_15 : vector<1x1000x128xf32> to vector<1000x128xf32>
    %add3A_17 = arith.addf %add3A_11, %get3A_16 : vector<1000x128xf32>
    %get3A_18 = arith.constant 0 : index
    %get3A_19 = arith.constant 0 : index
    %get3A_20 = vector.load %arg5[%get3A_18, %get3A_19] : memref<128x128xf32, #tpu.memory_space<vmem>>, vector<128x128xf32>
    %dot_general3A = arith.constant dense<0.000000e+00> : vector<1000x128xf32>
    %dot_general3A_21 = tpu.matmul %add3A_17, %get3A_20, %dot_general3A {dimension_numbers = #tpu.dot_dimension_numbers<[1], [0], [0], [1], [0, 0, 1, 1], [], []>, transpose_lhs_hint = false} : vector<1000x128xf32>, vector<128x128xf32>, vector<1000x128xf32> -> vector<1000x128xf32>
    %get3A_22 = arith.constant 0 : index
    %get3A_23 = arith.constant 0 : index
    %get3A_24 = vector.load %arg6[%get3A_22, %get3A_23] : memref<1x128xf32, #tpu.memory_space<vmem>>, vector<1x128xf32>
    %add3A_25 = vector.broadcast %get3A_24 : vector<1x128xf32> to vector<1000x128xf32>
    %add3A_26 = arith.addf %dot_general3A_21, %add3A_25 : vector<1000x128xf32>
    %max3A = arith.constant 0.000000e+00 : f32
    %max3A_27 = vector.broadcast %max3A : f32 to vector<1000x128xf32>
    %max3A_28 = arith.maximumf %add3A_26, %max3A_27 : vector<1000x128xf32>
    %get3A_29 = arith.constant 0 : index
    %get3A_30 = arith.constant 0 : index
    %get3A_31 = vector.load %arg7[%get3A_29, %get3A_30] : memref<128x128xf32, #tpu.memory_space<vmem>>, vector<128x128xf32>
    %dot_general3A_32 = arith.constant dense<0.000000e+00> : vector<1000x128xf32>
    %dot_general3A_33 = tpu.matmul %max3A_28, %get3A_31, %dot_general3A_32 {dimension_numbers = #tpu.dot_dimension_numbers<[1], [0], [0], [1], [0, 0, 1, 1], [], []>, transpose_lhs_hint = false} : vector<1000x128xf32>, vector<128x128xf32>, vector<1000x128xf32> -> vector<1000x128xf32>
    %get3A_34 = arith.constant 0 : index
    %get3A_35 = arith.constant 0 : index
    %get3A_36 = vector.load %arg8[%get3A_34, %get3A_35] : memref<1x128xf32, #tpu.memory_space<vmem>>, vector<1x128xf32>
    %add3A_37 = vector.broadcast %get3A_36 : vector<1x128xf32> to vector<1000x128xf32>
    %add3A_38 = arith.addf %dot_general3A_33, %add3A_37 : vector<1000x128xf32>
    %max3A_39 = arith.constant 0.000000e+00 : f32
    %max3A_40 = vector.broadcast %max3A_39 : f32 to vector<1000x128xf32>
    %max3A_41 = arith.maximumf %add3A_38, %max3A_40 : vector<1000x128xf32>
    %swap3A = arith.constant 0 : index
    %swap3A_42 = arith.constant 0 : index
    %swap3A_43 = vector.load %arg9[%swap3A, %swap3A_42] : memref<1000x128xf32, #tpu.memory_space<vmem>>, vector<1000x128xf32>
    tpu.vector_store %arg9[%swap3A, %swap3A_42], %max3A_41 {strides = array<i32>} : memref<1000x128xf32, #tpu.memory_space<vmem>>, vector<1000x128xf32>,
    return
  }
  func.func @transform_0(%arg0: i32) -> i32 {
    %c0_i32 = arith.constant 0 : i32
    %c0_i32_0 = arith.constant 0 : i32
    return %c0_i32 : i32
  }
  func.func @transform_1(%arg0: i32) -> (i32, i32) {
    %c0_i32 = arith.constant 0 : i32
    %c0_i32_0 = arith.constant 0 : i32
    return %arg0, %c0_i32 : i32, i32
  }
  func.func @transform_2(%arg0: i32) -> (i32, i32, i32) {
    %c0_i32 = arith.constant 0 : i32
    %c0_i32_0 = arith.constant 0 : i32
    %c0_i32_1 = arith.constant 0 : i32
    return %c0_i32, %arg0, %c0_i32_0 : i32, i32, i32
  }
  func.func @transform_3(%arg0: i32) -> (i32, i32, i32) {
    %c1_i32 = arith.constant 1 : i32
    %c0_i32 = arith.constant 0 : i32
    %c0_i32_0 = arith.constant 0 : i32
    return %c1_i32, %arg0, %c0_i32 : i32, i32, i32
  }
  func.func @transform_4(%arg0: i32) -> (i32, i32) {
    %c0_i32 = arith.constant 0 : i32
    %c0_i32_0 = arith.constant 0 : i32
    %c0_i32_1 = arith.constant 0 : i32
    return %c0_i32, %c0_i32_0 : i32, i32
  }
  func.func @transform_5(%arg0: i32) -> (i32, i32) {
    %c0_i32 = arith.constant 0 : i32
    %c0_i32_0 = arith.constant 0 : i32
    %c0_i32_1 = arith.constant 0 : i32
    return %c0_i32, %c0_i32_0 : i32, i32
  }
  func.func @transform_6(%arg0: i32) -> (i32, i32) {
    %c0_i32 = arith.constant 0 : i32
    %c0_i32_0 = arith.constant 0 : i32
    %c0_i32_1 = arith.constant 0 : i32
    return %c0_i32, %c0_i32_0 : i32, i32
  }
  func.func @transform_7(%arg0: i32) -> (i32, i32) {
    %c0_i32 = arith.constant 0 : i32
    %c0_i32_0 = arith.constant 0 : i32
    %c0_i32_1 = arith.constant 0 : i32
    return %c0_i32, %c0_i32_0 : i32, i32
  }
  func.func @transform_8(%arg0: i32) -> (i32, i32) {
    %c0_i32 = arith.constant 0 : i32
    %c0_i32_0 = arith.constant 0 : i32
    return %arg0, %c0_i32 : i32, i32
  }
}

</mosaic_0001>

<sc_bundles>
// kernel: kernel.11.cloned.1.call-start
scs
__scs_entry_jumppad:
0x0: {  	(pc) =	sbr.rel $0x88, $3  }
0x1: {  	(tag) =	ssettag $0x0;
	lr =	simm.s32 $0x1  }
0x2: {  	[smem:$0x3F8E] =	sst lr;
	_ =	strace $0xD0000000  }
0x3: {  	_ = 	snop  }
0x4: {  	_ = 	snop  }
0x5: {  	_ = 	snop  }
0x6: {  	_ = 	snop  }
0x7: {  	_ = 	snop  }
__scs_overlays_trampoline_lowered:
0x8: {  	[smem:$0x3F9D] =	sst s0  }
0x9: {  	[smem:$0x3F9E] =	sst s1  }
0xa: {  	[smem:$0x3F9F] =	sst s2  }
0xb: {  	[smem:$0x3FA0] =	sst s3  }
0xc: {  	[smem:$0x3FA1] =	sst s4  }
0xd: {  	[smem:$0x3FA2] =	sst s5  }
0xe: {  	[smem:$0x3FA3] =	sst s6  }
0xf: {  	[smem:$0x3FA4] =	sst s7  }
0x10: {  	[smem:$0x3FA5] =	sst s8  }
0x11: {  	[smem:$0x3FA6] =	sst s9;
	s0 =	simm.s32 @!p0 $0x0  }
0x12: {  	s1 =	sld [smem:$0x3F8C];
	s0 =	simm.s32 @p0 $0x1  }
0x13: {  	[smem:$0x3FA7] =	sst s0;
	s0 =	simm.s32 @!p1 $0x0  }
0x14: {  	s2 =	sld [smem:$0x3F8B];
	s0 =	simm.s32 @p1 $0x1  }
0x15: {  	[smem:$0x3FA8] =	sst s0;
	s0 =	simm.s32 @!p2 $0x0  }
0x16: {  	s3 =	sld [smem:$0x3FDB];
	s0 =	simm.s32 @p2 $0x1  }
0x17: {  	s4 =	simm.s32 $0x1BF5;
	[smem:$0x3FAA] =	sst s0  }
0x18: {  	s0 =	sld [smem:$0x3F8D];
	_ =	swait.ge [sflag:s4], $0x0  }
0x19: {  	s7 =	sld [smem:$0x3F8E]  }
0x1a: {  	s8 =	sadd.s32 $0xFFFFE003, lr  }
0x1b: {  	s9 =	sadd.s32 $0xFFFFFEF7, lr;
	s5 =	simm.s32 $0xFFFFFFFF;
	p2 =	slt.u32 s8, $0xFFFFF086  }
0x1c: {  	p1 =	slt.u32 s9, $0xF7A;
	s5 =	simm.s32 @!p2 $0x0  }
0x1d: {  	s5 =	simm.s32 @p1 $0x1;
	p0 =	seq.s32 s7, s2  }
0x1e: {  	s7 =	smul.u32 @!p0 $0xF7A, s2;
	p2 =	seq.s32 @!p0 s5, $0x0  }
0x1f: {  	s9 =	smul.u32 $0xF7A, s1;
	s8 =	simm.s32 @!p0 $0x1BF5;
	p2 =	por !p2, p0  }
0x20: {  	[sflag:s8] =	ssyncset.s32 @!p0 $0xFFFFF086;
	s6 =	sadd.s32 @!p0 s3, s7;
	s7 =	simm.s32 @!p0 $0x108  }
0x21: {  	s3 =	sadd.s32 s3, s9;
	s6 =	sadd.s32 @!p0 $0x88, s6;
	s7 =	simm.s32 @p2 $0x1082  }
0x22: {  	[simem:s7], [sflag:s8] =	dma.local @!p0 [hbm:s6], $0xF7A  }
0x23: {  	s9 =	sor.u32 $0xD0000000, s2;
	s6 =	simm.s32 $0x108;
	_ =	swait.ge @!p0 [sflag:s8], $0x0  }
0x24: {  	s3 =	sadd.s32 $0x88, s3;
	s6 =	simm.s32 @!p1 $0x1082;
	[sflag:s4] =	ssyncset.s32 $0xFFFFF086  }
0x25: {  	[simem:s6], [sflag:s4] =	dma.local [hbm:s3], $0xF7A  }
0x26: {  	[smem:$0x3F8E] =	sst s1;
	(tag) =	ssettag s2;
	_ =	strace s9  }
0x27: {  	s1 =	sld [smem:$0x3F9E]  }
0x28: {  	s2 =	sld [smem:$0x3F9F]  }
0x29: {  	s4 =	sld [smem:$0x3FA1]  }
0x2a: {  	p0 =	seq.s32 s5, $0x0;
	s5 =	sld [smem:$0x3FA2]  }
0x2b: {  	s6 =	sld [smem:$0x3FA3]  }
0x2c: {  	s7 =	sld [smem:$0x3FA4]  }
0x2d: {  	s3 =	simm.s32 $0x108;
	s8 =	sld [smem:$0x3FA5]  }
0x2e: {  	s3 =	simm.s32 @!p0 $0x1082;
	s9 =	sld [smem:$0x3FA6]  }
0x2f: {  	lr =	sadd.s32 s0, s3;
	s0 =	sld [smem:$0x3F9D]  }
0x30: {  	s3 =	sld [smem:$0x3FA0]  }
0x31: {  	[smem:$0x3FA9] =	sst s10  }
0x32: {  	s10 =	sld [smem:$0x3FA7];
	_ =	sdelay $0x3  }
0x33: {  	p0 =	seq.s32 s10, $0x1;
	s10 =	sld [smem:$0x3FA9];
	_ =	sdelay $0x3  }
0x34: {  	[smem:$0x3FA9] =	sst s10  }
0x35: {  	s10 =	sld [smem:$0x3FA8];
	_ =	sdelay $0x3  }
0x36: {  	p1 =	seq.s32 s10, $0x1;
	s10 =	sld [smem:$0x3FA9];
	_ =	sdelay $0x3  }
0x37: {  	[smem:$0x3FA9] =	sst s10  }
0x38: {  	s10 =	sld [smem:$0x3FAA]  }
0x39: {  	_ = 	snop;
	(pc) =	sbr.ind lr, $3  }
0x3a: {  	_ = 	snop  }
0x3b: {  	_ = 	snop  }
0x3c: {  	p2 =	seq.s32 s10, $0x1;
	s10 =	sld [smem:$0x3FA9]  }
0x3d: {  	_ =	shalt  }
0x3e: {  	_ =	shalt  }
0x3f: {  	_ =	shalt  }
0x40: {  	_ =	shalt  }
0x41: {  	_ =	shalt  }
0x42: {  	_ =	shalt  }
0x43: {  	_ =	shalt  }
0x44: {  	_ =	shalt  }
0x45: {  	_ =	shalt  }
0x46: {  	_ =	shalt  }
0x47: {  	_ =	shalt  }
0x48: {  	_ =	shalt  }
0x49: {  	_ =	shalt  }
0x4a: {  	_ =	shalt  }
0x4b: {  	_ =	shalt  }
0x4c: {  	_ =	shalt  }
0x4d: {  	_ =	shalt  }
0x4e: {  	_ =	shalt  }
0x4f: {  	_ =	shalt  }
0x50: {  	_ =	shalt  }
0x51: {  	_ =	shalt  }
0x52: {  	_ =	shalt  }
0x53: {  	_ =	shalt  }
0x54: {  	_ =	shalt  }
0x55: {  	_ =	shalt  }
0x56: {  	_ =	shalt  }
0x57: {  	_ =	shalt  }
0x58: {  	_ =	shalt  }
0x59: {  	_ =	shalt  }
0x5a: {  	_ =	shalt  }
0x5b: {  	_ =	shalt  }
0x5c: {  	_ =	shalt  }
0x5d: {  	_ =	shalt  }
0x5e: {  	_ =	shalt  }
0x5f: {  	_ =	shalt  }
0x60: {  	_ =	shalt  }
0x61: {  	_ =	shalt  }
0x62: {  	_ =	shalt  }
0x63: {  	_ =	shalt  }
0x64: {  	_ =	shalt  }
0x65: {  	_ =	shalt  }
0x66: {  	_ =	shalt  }
0x67: {  	_ =	shalt  }
0x68: {  	_ =	shalt  }
0x69: {  	_ =	shalt  }
0x6a: {  	_ =	shalt  }
0x6b: {  	_ =	shalt  }
0x6c: {  	_ =	shalt  }
0x6d: {  	_ =	shalt  }
0x6e: {  	_ =	shalt  }
0x6f: {  	_ =	shalt  }
0x70: {  	_ =	shalt  }
0x71: {  	_ =	shalt  }
0x72: {  	_ =	shalt  }
0x73: {  	_ =	shalt  }
0x74: {  	_ =	shalt  }
0x75: {  	_ =	shalt  }
0x76: {  	_ =	shalt  }
0x77: {  	_ =	shalt  }
0x78: {  	_ =	shalt  }
0x79: {  	_ =	shalt  }
0x7a: {  	_ =	shalt  }
0x7b: {  	_ =	shalt  }
0x7c: {  	_ =	shalt  }
0x7d: {  	_ =	shalt  }
0x7e: {  	_ =	shalt  }
0x7f: {  	_ =	shalt  }
0x80: {  	_ =	shalt  }
0x81: {  	_ =	shalt  }
0x82: {  	_ =	shalt  }
0x83: {  	_ =	shalt  }
0x84: {  	_ =	shalt  }
0x85: {  	_ =	shalt  }
0x86: {  	_ =	shalt  }
0x87: {  	_ =	shalt  }
.Lfunc_end0:
.L_simem_size_0:
called_computation.1_lowered:
.L_overlay_start_0:
0x88: {  	s2 =	sld [smem:$0x3FD9]  }
0x89: {  	s3 =	sld [smem:$0x3FFE];
	_ =	sdelay $0x1  }
0x8a: {  	s1 =	srdreg.scid  }
0x8b: {  	s0 =	sand.u32 $0x1, s1  }
0x8c: {  	s17 =	sshll.u32 s0, $0xA;
	s2 =	sadd.s32 s3, s2  }
0x8d: {  	s2 =	sadd.s32 s2, s17  }
0x8e: {  	[smem:$0x3FB5] =	sst s2  }
0x8f: {  	_ = 	snop  }
0x90: {  	s2 =	sld [smem:$0x3FC8];
	(tm) =	ssettm $0x1  }
0x91: {  	s18 =	sld [smem:$0x3FFB];
	_ =	sdelay $0x3  }
0x92: {  	_ =	strace s18  }
0x93: {  	s3 =	sld [smem:$0x3FFC];
	_ =	sdelay $0x3  }
0x94: {  	_ =	strace s3  }
0x95: {  	s3 =	sld [smem:$0x3FFD];
	_ =	sdelay $0x3  }
0x96: {  	_ =	strace s3  }
0x97: {  	_ =	strace $0x8FFFFFFF  }
0x98: {  	s19 =	sld [smem:$0x3FDB];
	_ =	sdelay $0x1  }
0x99: {  	s4 =	simm.s32 $_scs_section_size  }
0x9a: {  	s5 =	simm.s32 $_size__tile_overlayer_lowered;
	s6 =	simm.s32 $_tile_overlayer_lowered  }
0x9b: {  	s22 =	simm.s32 $0x1BFF;
	s21 =	sshll.u32 s6, $0x1;
	s3 =	sadd.s32 s4, s19  }
0x9c: {  	s7 =	simm.s32 $0x0;
	s20 =	sshll.u32 s5, $0x1;
	s5 =	sadd.s32 s21, s3  }
0x9d: {  	[timem:s7], [sflag:s22] =	dma.local [hbm:s5], s20  }
0x9e: {  	_ =	swait.ge [sflag:s22], s20  }
0x9f: {  	s4 =	ssub.s32 $0x0, s20;
	[sflag:s22] =	ssyncset.done $0x0  }
0xa0: {  	[sflag:s22] =	ssyncadd.s32 s4;
	_ =	sdelay $0x1  }
0xa1: {  	s23 =	simm.s32 $0x1B8B  }
0xa2: {  	_ =	swait.ge [sflag:s23], $0x1  }
0xa3: {  	[sflag:s23] =	ssyncset.done $0x0  }
0xa4: {  	s25 =	simm.s32 $0x1B8E;
	s24 =	sld [smem:$0x3FFE];
	[sflag:s23] =	ssyncadd.s32 $0xFFFFFFFF  }
0xa5: {  	s26 =	simm.s32 $execute0_lowered;
	[smem:$0x3FD2] =	sst s25  }
0xa6: {  	s5 =	sshll.u32 s26, $0x1;
	_ =	strace $0x80000049;
	[dreg:$0x1] =	wrdreg $0xFFFFFFFF  }
0xa7: {  	s28 =	simm.s32 $_size_execute0_lowered;
	s3 =	sadd.s32 s3, s5;
	[dreg:$0x0] =	wrdreg $0x0  }
0xa8: {  	s5 =	sshll.u32 s28, $0x1;
	[dreg:$0x2] =	wrdreg s3  }
0xa9: {  	[dreg:$0x3] =	wrdreg s5  }
0xaa: {  	[dreg:$0x4] =	wrdreg $0xC0  }
0xab: {  	_ =	task [dreg:s7], $0x5FFFF  }
0xac: {  	[dreg:$0x1] =	wrdreg $0xFFFFFFFF  }
0xad: {  	[dreg:$0x0] =	wrdreg $0x60  }
0xae: {  	[dreg:$0x2] =	wrdreg s24  }
0xaf: {  	[dreg:$0x3] =	wrdreg s2  }
0xb0: {  	[dreg:$0x4] =	wrdreg $0xAA000  }
0xb1: {  	[dreg:$0x5] =	wrdreg $0x9  }
0xb2: {  	_ =	task.clear_ibuf [dreg:s7], $0x6FFFF;
	_ =	strace $0x90000049  }
0xb3: {  	s29 =	simm.s32 $0x9;
	_ =	strace $0x8000004B  }
0xb4: {  	_ =	swait.ge [sflag:s29], $0x1  }
0xb5: {  	[sflag:s29] =	ssyncadd.s32 $0xFFFFFFFF  }
0xb6: {  	_ =	strace $0x9000004B  }
0xb7: {  	_ =	sfence  }
0xb8: {  	s30 =	sld [smem:$0x0];
	_ =	sdelay $0x2  }
0xb9: {  	s31 =	sshll.u32 s1, $0xD;
	s1 =	sshrl.u32 s1, $0x2  }
0xba: {  	s3 =	sand.u32 $0x4000, s31;
	s1 =	sadd.s32 s1, s30  }
0xbb: {  	s0 =	sor.u32 s3, s0;
	s1 =	sshll.u32 s1, $0x11  }
0xbc: {  	s0 =	sor.u32 s1, s0  }
0xbd: {  	s0 =	sadd.s32 $0x8F2B, s0  }
0xbe: {  	[sflag:s0] =	ssyncadd.remote.s32 $0x1  }
0xbf: {  	_ =	sfence.sel $0xFFFF  }
0xc0: {  	[dreg:$0x0] =	wrdreg $0xFFFFFFFF;
	(pc) =	sbr.abs _section_cstart, $3  }
0xc1: {  	[dreg:$0x1] =	wrdreg $0xFFFFFFFF  }
0xc2: {  	_ =	task.clear_ibuf [dreg:s7], $0x2FFFF;
	_ =	strace $0x9FFFFFFF  }
0xc3: {  	(tm) =	ssettm $0x7FFFFFFF  }
tec
execute0_lowered:
.L_overlay_start_1:
0x0: {  	(tag) =	ssettag $0x1  }
0x1: {  	s0 =	rddreg [dreg:$0x0]  }
0x2: {  	s2 =	rddreg [dreg:$0x1]  }
0x3: {  	s1 =	rddreg [dreg:$0x2];
	s3 =	simm.s32 $0x0;
	s14 =	stileid.u32  }
0x4: {  	s4 =	srdreg.scid;
	s28 =	simm.s32 $0x2A00;
	s9 =	smul.u32 $0x14000, s14  }
0x5: {  	s29 =	simm.s32 $0x4A00;
	s30 =	simm.s32 $0x2880;
	s13 =	smul.u32 $0x50000, s14  }
0x6: {  	s31 =	simm.s32 $0x3;
	[smem:$0x7FF] =	sst s3;
	s22 =	smul.u32 $0x5000, s14  }
0x7: {  	s7 =	sand.u32 $0x1, s4;
	s10 =	sshll.u32 s14, $0x1;
	s14 =	smul.u32 $0xA000, s14  }
0x8: {  	s4 =	sadd.s32 $0x5000, s0;
	s5 =	sadd.s32 $0x4000, s0;
	s8 =	smul.u32 $0x140000, s7  }
0x9: {  	s6 =	sadd.s32 $0x4800, s0;
	s15 =	sadd.s32 $0x13600, s2;
	s23 =	smul.u32 $0x2800, s7  }
0xa: {  	s17 =	ssub.s32 $0x2, s7;
	s10 =	sor.u32 s7, s10;
	s7 =	smul.u32 $0x5000, s7  }
0xb: {  	_ =	strace $0x8000004A;
	[dreg:$0x5] =	wrdreg s15;
	s12 =	smul.u32 $0xA00, s10  }
0xc: {  	s11 =	sshrl.u32 s17, $0x1;
	s19 =	smul.u32 $0x2800, s10;
	s21 =	sshrl.u32 s13, $0x2  }
0xd: {  	p0 =	seq.s32 s10, $0x1F;
	s10 =	simm.s32 $0x2;
	s8 =	sadd.s32 s9, s8  }
0xe: {  	s18 =	ssub.s32 s17, s11;
	s11 =	sadd.s32 $0x10, s2;
	s16 =	sadd.s32 s21, s1  }
0xf: {  	s14 =	sadd.s32 s7, s14;
	s7 =	simm.s32 $0x1;
	s8 =	sshrl.u32 s8, $0x3  }
0x10: {  	s20 =	sadd.s32 s2, s12;
	s12 =	sadd.s32 s12, s11;
	[dreg:$0x8] =	wrdreg s16  }
0x11: {  	s9 =	sshrl.u32 s19, $0x2;
	s24 =	sadd.s32 $0x8000, s16;
	[dreg:$0x4] =	wrdreg s20  }
0x12: {  	s25 =	sadd.s32 $0xC000, s16;
	s0 =	sadd.s32 s8, s0;
	[dreg:$0x6] =	wrdreg s12  }
0x13: {  	s2 =	sadd.s32 s9, s2;
	s9 =	sadd.s32 $0x4000, s16;
	s8 =	smax.u32 s18, $0x1  }
0x14: {  	s12 =	sadd.s32 $0x10000, s16;
	s24 =	sshrl.u32 s24, $0x3;
	[dreg:$0xb] =	wrdreg s8  }
0x15: {  	s25 =	sshrl.u32 s25, $0x3;
	s16 =	simm.s32 $0x0;
	[dreg:$0x12] =	wrdreg s24  }
0x16: {  	s2 =	sadd.s32 $0x30, s2;
	s0 =	sadd.s32 $0x2C200, s0;
	[dreg:$0x13] =	wrdreg s25  }
0x17: {  	s8 =	simm.s32 $0x80;
	[dreg:$0x7] =	wrdreg s2;
	s2 =	sadd.s32 s23, s22  }
0x18: {  	[dreg:$0x9] =	wrdreg s0;
	s0 =	sadd.s32 $0xFFF63E80, s14;
	s23 =	sshrl.u32 s9, $0x3  }
0x19: {  	s9 =	simm.s32 $0x2900;
	s14 =	simm.s32 $0x2980;
	[dreg:$0xc] =	wrdreg s0  }
0x1a: {  	s26 =	sor.u32 $0x180, s2;
	s19 =	sor.u32 $0x100, s2;
	[dreg:$0x11] =	wrdreg s23  }
0x1b: {  	s20 =	sor.u32 $0x280, s2;
	s2 =	sor.u32 $0x200, s2;
	[dreg:$0xa] =	wrdreg s26  }
0x1c: {  	s17 =	sshrl.u32 s26, $0x2;
	s0 =	sshrl.u32 s19, $0x2;
	s21 =	sshrl.u32 s20, $0x2  }
0x1d: {  	s2 =	sshrl.u32 s2, $0x2;
	s20 =	simm.s32 $0x2800;
	s26 =	sshrl.u32 s12, $0x3  }
.Ltmp0:
0x1e: {  	s18 =	sadd.s32 s17, s11;
	[dreg:$0x14] =	wrdreg s26;
	(pc) =	sbr.rel .LBB2_1-.Ltmp0, $4  }
0x1f: {  	s12 =	simm.s32 $0x5;
	s0 =	sadd.s32 s0, s11;
	[dreg:$0xd] =	wrdreg s18  }
0x20: {  	s22 =	sadd.s32 s2, s11;
	s26 =	simm.s32 $0x40;
	[dreg:$0xe] =	wrdreg s0  }
0x21: {  	s2 =	simm.s32 $0x8A00;
	s0 =	sadd.s32 s21, s11;
	[dreg:$0x10] =	wrdreg s22  }
0x22: {  	s21 =	simm.s32 $0x4;
	[dreg:$0xf] =	wrdreg s0;
	s0 =	simm.s32 $0x6A00  }
.LBB2_23:
0x23: {  	_ =	swait.ge [sflag:s31], $0x4000  }
0x24: {  	[sflag:s31] =	ssyncset.done $0x0  }
0x25: {  	[sflag:s31] =	ssyncadd.s32 $0xFFFFC000  }
0x26: {  	[bflag:$0x0] =	sbarrier.arrive $0xFFFF  }
0x27: {  	s11 =	rddreg [dreg:$0x15]  }
0x28: {  	s13 =	rddreg [dreg:$0x9]  }
0x29: {  	s24 =	simm.s32 $0x6;
	s15 =	rddreg [dreg:$0x16];
	s11 =	sor.u32 $0x1C06, s11  }
0x2a: {  	[hbm:s13], [sflag:s11] =	dma.local [spmem:s15], $0x2800  }
0x2b: {  	_ =	swait.ge [sflag:s24], $0x2800  }
0x2c: {  	s16 =	sadd.s32 $0x1, s16;
	s25 =	rddreg [dreg:$0xb]  }
0x2d: {  	p1 =	sne.s32 s16, s25  }
.Ltmp1:
0x2e: {  	_ = 	snop;
	(pc) =	sbr.rel @!p1 .LBB2_24-.Ltmp1, $3  }
0x2f: {  	_ =	sdelay $0x1  }
0x30: {  	[sflag:s24] =	ssyncset.done $0x0  }
0x31: {  	[sflag:s24] =	ssyncadd.s32 $0xFFFFD800  }
.LBB2_1:
0x32: {  	s11 =	simm.s32 @p0 $0x80  }
0x33: {  	s13 =	simm.s32 @p0 $0x100;
	s15 =	simm.s32 @p0 $0x0;
	s17 =	rddreg [dreg:$0x5]  }
0x34: {  	[tilespmem:s15], [sflag:$0x6] =	stream.strided.gather @p0 [hbm4b:s17+s11], $0xA00, s13, s11, $0x38;
	[tilespmem:$0x1EA00] =	vst v63  }
0x35: {  	s15 =	simm.s32 @p0 $0x6  }
0x36: {  	_ =	swait.ge @p0 [sflag:s15], $0xA00  }
0x37: {  	[sflag:s15] =	ssyncset.done @p0 $0x0  }
0x38: {  	s17 =	simm.s32 @p0 $0xA00;
	[sflag:s15] =	ssyncadd.s32 @p0 $0xFFFFF600  }
0x39: {  	[tilespmem:s17], [sflag:$0x6] =	stream.strided.gather @p0 [hbm4b:s5+s11], $0x1E00, s13, s11, $0x38;
	[tilespmem:$0x1EA00] =	vst v63  }
0x3a: {  	_ =	swait.ge @p0 [sflag:s15], $0x1E00  }
0x3b: {  	s11 =	simm.s32 @!p0 $0x80;
	s13 =	simm.s32 @!p0 $0x100;
	[sflag:s15] =	ssyncset.done @p0 $0x0  }
0x3c: {  	s17 =	rddreg [dreg:$0x4];
	[sflag:s15] =	ssyncadd.s32 @p0 $0xFFFFE200;
	s15 =	simm.s32 @!p0 $0x0  }
0x3d: {  	[tilespmem:s15], [sflag:$0x6] =	stream.strided.gather @!p0 [hbm4b:s17+s11], $0x2800, s13, s11, $0x38;
	[tilespmem:$0x1EA00] =	vst v63  }
0x3e: {  	s11 =	simm.s32 @!p0 $0x6  }
0x3f: {  	_ =	swait.ge @!p0 [sflag:s11], $0x2800  }
0x40: {  	[sflag:s11] =	ssyncset.done @!p0 $0x0  }
0x41: {  	s24 =	stileid.u32;
	s22 =	rddreg [dreg:$0x6];
	[sflag:s11] =	ssyncadd.s32 @!p0 $0xFFFFD800  }
0x42: {  	[tilespmem:s20], [sflag:$0x4] =	stream.linear.gather [hbm4b:s22+s3], $0x80, $0x38;
	[tilespmem:$0x1EA00] =	vst v63  }
0x43: {  	s11 =	sshll.u32 s24, $0x6;
	_ =	swait.ge [sflag:s21], $0x80  }
0x44: {  	[dreg:$0x15] =	wrdreg s11;
	[sflag:s21] =	ssyncset.done $0x0  }
0x45: {  	s25 =	rddreg [dreg:$0x8];
	[sflag:s21] =	ssyncadd.s32 $0xFFFFFF80  }
0x46: {  	[tilespmem:s28], [sflag:$0x1] =	stream.indirect.gather [hbm4b:s4+s26], $0x80, s3, s26, $0xb8;
	[tilespmem:$0x1EA00] =	vst v63  }
0x47: {  	s23 =	rddreg [dreg:$0x7];
	s13 =	sshrl.u32 s25, $0x3  }
0x48: {  	[tilespmem:s29], [sflag:$0x1] =	stream.indirect.gather [hbm4b:s4+s26], $0x80, s26, s26, $0xb8;
	[tilespmem:$0x1EA00] =	vst v63  }
0x49: {  	s11 =	sor.u32 $0x1C03, s11;
	[dreg:$0x16] =	wrdreg s13  }
0x4a: {  	[tilespmem:s30], [sflag:$0x5] =	stream.linear.gather [hbm4b:s23+s3], $0x80, $0x38;
	[tilespmem:$0x1EA00] =	vst v63  }
0x4b: {  	[spmem:s13], [sflag:s11] =	dma.local [hbm:s6], $0x800  }
0x4c: {  	s13 =	rddreg [dreg:$0x11]  }
0x4d: {  	[spmem:s13], [sflag:s11] =	dma.local [hbm:s6], $0x800  }
0x4e: {  	s13 =	rddreg [dreg:$0x12]  }
0x4f: {  	[spmem:s13], [sflag:s11] =	dma.local [hbm:s6], $0x800  }
0x50: {  	s13 =	rddreg [dreg:$0x13]  }
0x51: {  	[spmem:s13], [sflag:s11] =	dma.local [hbm:s6], $0x800  }
0x52: {  	s13 =	rddreg [dreg:$0x14]  }
0x53: {  	[spmem:s13], [sflag:s11] =	dma.local [hbm:s6], $0x800  }
0x54: {  	_ =	swait.ge [sflag:s31], $0x800  }
0x55: {  	[sflag:s31] =	ssyncset.done $0x0  }
0x56: {  	[sflag:s31] =	ssyncadd.s32 $0xFFFFF800  }
0x57: {  	_ =	swait.ge [sflag:s31], $0x800  }
0x58: {  	[sflag:s31] =	ssyncset.done $0x0  }
0x59: {  	[sflag:s31] =	ssyncadd.s32 $0xFFFFF800  }
0x5a: {  	_ =	swait.ge [sflag:s31], $0x800  }
0x5b: {  	[sflag:s31] =	ssyncset.done $0x0  }
0x5c: {  	[sflag:s31] =	ssyncadd.s32 $0xFFFFF800  }
0x5d: {  	_ =	swait.ge [sflag:s31], $0x800  }
0x5e: {  	[sflag:s31] =	ssyncset.done $0x0  }
0x5f: {  	[sflag:s31] =	ssyncadd.s32 $0xFFFFF800  }
0x60: {  	_ =	swait.ge [sflag:s31], $0x800  }
0x61: {  	[sflag:s31] =	ssyncset.done $0x0  }
0x62: {  	[sflag:s31] =	ssyncadd.s32 $0xFFFFF800  }
0x63: {  	[bflag:$0x0] =	sbarrier.arrive $0xFFFF  }
0x64: {  	s19 =	rddreg [dreg:$0x10]  }
.Ltmp2:
0x65: {  	s18 =	rddreg [dreg:$0xf];
	(pc) =	sbr.rel .LBB2_2-.Ltmp2, $4  }
0x66: {  	s17 =	rddreg [dreg:$0xe]  }
0x67: {  	s24 =	rddreg [dreg:$0xd]  }
0x68: {  	s25 =	rddreg [dreg:$0xa]  }
0x69: {  	s23 =	simm.s32 $0x0;
	s11 =	rddreg [dreg:$0xc]  }
.LBB2_21:
0x6a: {  	[tilespmem:s30], [sflag:$0x5] =	stream.linear.gather [hbm4b:s15+s3], $0x80, $0x38;
	[tilespmem:$0x1EA00] =	vst v63  }
.LBB2_22:
0x6b: {  	s11 =	sadd.s32 $0x400, s11  }
0x6c: {  	s25 =	sadd.s32 $0x200, s25;
	s24 =	sadd.s32 $0x80, s24;
	s23 =	sadd.s32 $0x800, s23  }
0x6d: {  	s17 =	sadd.s32 $0x80, s17;
	s18 =	sadd.s32 $0x80, s18;
	s19 =	sadd.s32 $0x80, s19  }
.LBB2_2:
0x6e: {  	p1 =	seq.s32 s23, $0x0  }
0x6f: {  	s13 =	simm.s32 @!p1 $0x3  }
0x70: {  	_ =	swait.ge @!p1 [sflag:s13], $0x4000  }
0x71: {  	s15 =	sshra.s32 s23, $0x2;
	[sflag:s13] =	ssyncset.done @!p1 $0x0  }
0x72: {  	s22 =	sadd.s32 $0x80, s15;
	[sflag:s13] =	ssyncadd.s32 @!p1 $0xFFFFC000  }
0x73: {  	[tilespmem:s0], [sflag:$0x2] =	stream.indirect.gather [hbm4b:s4+s26], $0x80, s22, s26, $0xb8;
	[tilespmem:$0x1EA00] =	vst v63  }
0x74: {  	s22 =	sadd.s32 $0xC0, s15  }
0x75: {  	[tilespmem:s2], [sflag:$0x2] =	stream.indirect.gather [hbm4b:s4+s26], $0x80, s22, s26, $0xb8;
	[tilespmem:$0x1EA00] =	vst v63  }
0x76: {  	_ =	swait.ge [sflag:s7], $0x2000  }
0x77: {  	[sflag:s7] =	ssyncset.done $0x0  }
0x78: {  	[sflag:s7] =	ssyncadd.s32 $0xFFFFE000  }
0x79: {  	_ =	swait.ge [sflag:s7], $0x2000  }
0x7a: {  	[sflag:s7] =	ssyncset.done $0x0  }
0x7b: {  	s13 =	simm.s32 @!p1 $0x4;
	[sflag:s7] =	ssyncadd.s32 $0xFFFFE000  }
0x7c: {  	_ =	swait.ge @!p1 [sflag:s13], $0x80  }
0x7d: {  	[sflag:s13] =	ssyncset.done @!p1 $0x0  }
0x7e: {  	[sflag:s13] =	ssyncadd.s32 @!p1 $0xFFFFFF80;
	s13 =	sadd.s32 $0xFFFFFF80, s25  }
0x7f: {  	p1 =	slt.u32 s13, $0x4E181  }
.Ltmp3:
0x80: {  	_ = 	snop;
	(pc) =	sbr.rel @p1 .LBB2_5-.Ltmp3, $3  }
0x81: {  	_ =	sdelay $0x1  }
0x82: {  	s22 =	smov.u32 s17  }
0x83: {  	[spmem:s1] =	stream.indirect.scatter.add.f32 [tilespmem:s28], [sflag:$0x3], $0x80, s20, s8, $0xb8;
	[tilespmem:$0x1EA00] =	vst v63  }
0x84: {  	p1 =	slt.u32 s13, $0x4E200  }
.Ltmp4:
0x85: {  	_ = 	snop;
	(pc) =	sbr.rel @p1 .LBB2_6-.Ltmp4, $1  }
0x86: {  	_ =	sdelay $0x3  }
0x87: {  	s13 =	sshrl.u32 s11, $0x3  }
0x88: {  	s22 =	sadd.s32 s5, s13  }
.LBB2_5:
0x89: {  	[tilespmem:s9], [sflag:$0x4] =	stream.linear.gather [hbm4b:s22+s3], $0x80, $0x38;
	[tilespmem:$0x1EA00] =	vst v63  }
.LBB2_6:
0x8a: {  	_ =	swait.ge [sflag:s31], $0x4000  }
0x8b: {  	[sflag:s31] =	ssyncset.done $0x0  }
0x8c: {  	s13 =	sadd.s32 $0x100, s15;
	[sflag:s31] =	ssyncadd.s32 $0xFFFFC000  }
0x8d: {  	[tilespmem:s28], [sflag:$0x1] =	stream.indirect.gather [hbm4b:s4+s26], $0x80, s13, s26, $0xb8;
	[tilespmem:$0x1EA00] =	vst v63  }
0x8e: {  	s22 =	sadd.s32 $0x140, s15  }
0x8f: {  	[tilespmem:s29], [sflag:$0x1] =	stream.indirect.gather [hbm4b:s4+s26], $0x80, s22, s26, $0xb8;
	[tilespmem:$0x1EA00] =	vst v63  }
0x90: {  	_ =	swait.ge [sflag:s10], $0x2000  }
0x91: {  	[sflag:s10] =	ssyncset.done $0x0  }
0x92: {  	[sflag:s10] =	ssyncadd.s32 $0xFFFFE000  }
0x93: {  	_ =	swait.ge [sflag:s10], $0x2000  }
0x94: {  	p1 =	slt.u32 s25, $0x4E181;
	[sflag:s10] =	ssyncset.done $0x0  }
.Ltmp5:
0x95: {  	[sflag:s10] =	ssyncadd.s32 $0xFFFFE000;
	(pc) =	sbr.rel @p1 .LBB2_9-.Ltmp5, $4  }
0x96: {  	_ =	swait.ge [sflag:s12], $0x80  }
0x97: {  	[sflag:s12] =	ssyncset.done $0x0  }
0x98: {  	s13 =	smov.u32 s24;
	[sflag:s12] =	ssyncadd.s32 $0xFFFFFF80  }
0x99: {  	[spmem:s1] =	stream.indirect.scatter.add.f32 [tilespmem:s0], [sflag:$0x3], $0x80, s30, s8, $0xb8;
	[tilespmem:$0x1EA00] =	vst v63  }
0x9a: {  	p1 =	slt.u32 s25, $0x4E200  }
.Ltmp6:
0x9b: {  	_ = 	snop;
	(pc) =	sbr.rel @p1 .LBB2_10-.Ltmp6, $1  }
0x9c: {  	_ =	sdelay $0x3  }
0x9d: {  	s13 =	sadd.s32 $0x100, s11  }
0x9e: {  	s13 =	sshrl.u32 s13, $0x3  }
0x9f: {  	s13 =	sadd.s32 s5, s13  }
.LBB2_9:
0xa0: {  	[tilespmem:s14], [sflag:$0x5] =	stream.linear.gather [hbm4b:s13+s3], $0x80, $0x38;
	[tilespmem:$0x1EA00] =	vst v63  }
.LBB2_10:
0xa1: {  	_ =	swait.ge [sflag:s31], $0x4000  }
0xa2: {  	[sflag:s31] =	ssyncset.done $0x0  }
0xa3: {  	s13 =	sadd.s32 $0x180, s15;
	[sflag:s31] =	ssyncadd.s32 $0xFFFFC000  }
0xa4: {  	[tilespmem:s0], [sflag:$0x2] =	stream.indirect.gather [hbm4b:s4+s26], $0x80, s13, s26, $0xb8;
	[tilespmem:$0x1EA00] =	vst v63  }
0xa5: {  	s22 =	sadd.s32 $0x1C0, s15  }
0xa6: {  	[tilespmem:s2], [sflag:$0x2] =	stream.indirect.gather [hbm4b:s4+s26], $0x80, s22, s26, $0xb8;
	[tilespmem:$0x1EA00] =	vst v63  }
0xa7: {  	_ =	swait.ge [sflag:s7], $0x2000  }
0xa8: {  	[sflag:s7] =	ssyncset.done $0x0  }
0xa9: {  	[sflag:s7] =	ssyncadd.s32 $0xFFFFE000  }
0xaa: {  	_ =	swait.ge [sflag:s7], $0x2000  }
0xab: {  	p1 =	seq.s32 s23, $0x9800;
	[sflag:s7] =	ssyncset.done $0x0  }
.Ltmp7:
0xac: {  	[sflag:s7] =	ssyncadd.s32 $0xFFFFE000;
	(pc) =	sbr.rel @!p1 .LBB2_11-.Ltmp7, $4  }
0xad: {  	_ =	swait.ge [sflag:s21], $0x80  }
0xae: {  	[sflag:s21] =	ssyncset.done $0x0  }
0xaf: {  	[sflag:s21] =	ssyncadd.s32 $0xFFFFFF80  }
0xb0: {  	[spmem:s1] =	stream.indirect.scatter.add.f32 [tilespmem:s28], [sflag:$0x3], $0x80, s9, s8, $0xb8;
	[tilespmem:$0x1EA00] =	vst v63  }
.Ltmp8:
0xb1: {  	(pc) =	sbr.rel .LBB2_17-.Ltmp8, $4  }
0xb2: {  	_ = 	snop  }
0xb3: {  	_ =	swait.ge [sflag:s31], $0x4000  }
0xb4: {  	[sflag:s31] =	ssyncset.done $0x0  }
0xb5: {  	[sflag:s31] =	ssyncadd.s32 $0xFFFFC000  }
.LBB2_11:
0xb6: {  	s13 =	sadd.s32 $0x80, s25  }
0xb7: {  	p2 =	slt.u32 s13, $0x4E181  }
.Ltmp9:
0xb8: {  	_ = 	snop;
	(pc) =	sbr.rel @p2 .LBB2_14-.Ltmp9, $2  }
0xb9: {  	_ =	sdelay $0x2  }
0xba: {  	s22 =	smov.u32 s19  }
0xbb: {  	p2 =	slt.u32 s13, $0x4E200  }
.Ltmp10:
0xbc: {  	_ = 	snop;
	(pc) =	sbr.rel @p2 .LBB2_15-.Ltmp10, $1  }
0xbd: {  	_ =	sdelay $0x3  }
0xbe: {  	s13 =	sadd.s32 $0x200, s11  }
0xbf: {  	s13 =	sshrl.u32 s13, $0x3  }
0xc0: {  	s22 =	sadd.s32 s5, s13  }
.LBB2_14:
0xc1: {  	[tilespmem:s20], [sflag:$0x4] =	stream.linear.gather [hbm4b:s22+s3], $0x80, $0x38;
	[tilespmem:$0x1EA00] =	vst v63  }
.LBB2_15:
0xc2: {  	_ =	swait.ge [sflag:s31], $0x4000  }
0xc3: {  	[sflag:s31] =	ssyncset.done $0x0  }
0xc4: {  	s13 =	sadd.s32 $0x200, s15;
	[sflag:s31] =	ssyncadd.s32 $0xFFFFC000  }
0xc5: {  	[tilespmem:s28], [sflag:$0x1] =	stream.indirect.gather [hbm4b:s4+s26], $0x80, s13, s26, $0xb8;
	[tilespmem:$0x1EA00] =	vst v63  }
0xc6: {  	s22 =	sadd.s32 $0x240, s15  }
0xc7: {  	[tilespmem:s29], [sflag:$0x1] =	stream.indirect.gather [hbm4b:s4+s26], $0x80, s22, s26, $0xb8;
	[tilespmem:$0x1EA00] =	vst v63  }
.LBB2_17:
0xc8: {  	_ =	swait.ge [sflag:s10], $0x2000  }
0xc9: {  	[sflag:s10] =	ssyncset.done $0x0  }
0xca: {  	[sflag:s10] =	ssyncadd.s32 $0xFFFFE000  }
0xcb: {  	_ =	swait.ge [sflag:s10], $0x2000  }
0xcc: {  	[sflag:s10] =	ssyncset.done $0x0  }
.Ltmp11:
0xcd: {  	[sflag:s10] =	ssyncadd.s32 $0xFFFFE000;
	(pc) =	sbr.rel @p1 .LBB2_23-.Ltmp11, $4  }
0xce: {  	_ =	swait.ge [sflag:s12], $0x80  }
0xcf: {  	[sflag:s12] =	ssyncset.done $0x0  }
0xd0: {  	[sflag:s12] =	ssyncadd.s32 $0xFFFFFF80  }
0xd1: {  	[spmem:s1] =	stream.indirect.scatter.add.f32 [tilespmem:s0], [sflag:$0x3], $0x80, s14, s8, $0xb8;
	[tilespmem:$0x1EA00] =	vst v63  }
0xd2: {  	s13 =	sadd.s32 $0x100, s25  }
0xd3: {  	p1 =	slt.u32 s13, $0x4E181  }
.Ltmp12:
0xd4: {  	_ = 	snop;
	(pc) =	sbr.rel @p1 .LBB2_21-.Ltmp12, $2  }
0xd5: {  	_ =	sdelay $0x2  }
0xd6: {  	s15 =	smov.u32 s18  }
0xd7: {  	p1 =	slt.u32 s13, $0x4E200  }
.Ltmp13:
0xd8: {  	_ = 	snop;
	(pc) =	sbr.rel @p1 .LBB2_22-.Ltmp13, $1  }
0xd9: {  	_ =	sdelay $0x3  }
.Ltmp14:
0xda: {  	(pc) =	sbr.rel .LBB2_21-.Ltmp14, $4  }
0xdb: {  	_ = 	snop  }
0xdc: {  	s13 =	sadd.s32 $0x300, s11  }
0xdd: {  	s13 =	sshrl.u32 s13, $0x3  }
0xde: {  	s15 =	sadd.s32 s5, s13  }
.LBB2_24:
0xdf: {  	_ =	sfence.sel $0x180000  }
0xe0: {  	[bflag:$0x0] =	sbarrier.arrive $0xFFFF  }
0xe1: {  	_ =	strace $0x9000004A  }
0xe2: {  	s0 =	stileid.u32;
	[bflag:$0x2] =	sbarrier.arrive $0xFFFF  }
0xe3: {  	p0 =	sne.s32 s0, $0x0;
	s0 =	rddreg [dreg:$0x3]  }
0xe4: {  	s0 =	sadd.s32 @!p0 $0x100000, s0  }
0xe5: {  	[sflag:s0] =	ssyncadd.tile.s32 @!p0 $0x1;
	_ =	shalt  }
.Lfunc_end2:
_tile_overlayer_lowered:
.L_overlay_start_2:
0xe6: {  	(tag) =	ssettag $0x2  }
0xe7: {  	s0 =	rddreg [dreg:$0x0];
	s2 =	stileid.u32  }
0xe8: {  	s1 =	rddreg [dreg:$0x1];
	p0 =	sne.s32 s2, $0x0  }
0xe9: {  	s3 =	rddreg [dreg:$0x2];
	[bflag:$0x3] =	sbarrier.arrive $0xFFFF;
	s2 =	simm.s32 @!p0 $0x1C06  }
0xea: {  	[timem:s3], [sflag:s2] =	dma.local @!p0 [hbm:s0], s1  }
0xeb: {  	s0 =	simm.s32 @!p0 $0x6  }
0xec: {  	_ =	swait.ge @!p0 [sflag:s0], s1  }
0xed: {  	s1 =	ssub.s32 @!p0 $0x0, s1;
	[sflag:s0] =	ssyncset.done @!p0 $0x0  }
0xee: {  	[sflag:s0] =	ssyncadd.s32 @!p0 s1  }
0xef: {  	[bflag:$0x3] =	sbarrier.arrive $0xFFFF  }
0xf0: {  	_ =	shalt  }

// kernel: kernel.14.cloned.1.call-start
scs
__scs_entry_jumppad:
0x0: {  	(pc) =	sbr.rel $0x88, $3  }
0x1: {  	(tag) =	ssettag $0x0;
	lr =	simm.s32 $0x1  }
0x2: {  	[smem:$0x3F8E] =	sst lr;
	_ =	strace $0xD0000000  }
0x3: {  	_ = 	snop  }
0x4: {  	_ = 	snop  }
0x5: {  	_ = 	snop  }
0x6: {  	_ = 	snop  }
0x7: {  	_ = 	snop  }
__scs_overlays_trampoline_lowered:
0x8: {  	[smem:$0x3F9D] =	sst s0  }
0x9: {  	[smem:$0x3F9E] =	sst s1  }
0xa: {  	[smem:$0x3F9F] =	sst s2  }
0xb: {  	[smem:$0x3FA0] =	sst s3  }
0xc: {  	[smem:$0x3FA1] =	sst s4  }
0xd: {  	[smem:$0x3FA2] =	sst s5  }
0xe: {  	[smem:$0x3FA3] =	sst s6  }
0xf: {  	[smem:$0x3FA4] =	sst s7  }
0x10: {  	[smem:$0x3FA5] =	sst s8  }
0x11: {  	[smem:$0x3FA6] =	sst s9;
	s0 =	simm.s32 @!p0 $0x0  }
0x12: {  	s1 =	sld [smem:$0x3F8C];
	s0 =	simm.s32 @p0 $0x1  }
0x13: {  	[smem:$0x3FA7] =	sst s0;
	s0 =	simm.s32 @!p1 $0x0  }
0x14: {  	s2 =	sld [smem:$0x3F8B];
	s0 =	simm.s32 @p1 $0x1  }
0x15: {  	[smem:$0x3FA8] =	sst s0;
	s0 =	simm.s32 @!p2 $0x0  }
0x16: {  	s3 =	sld [smem:$0x3FDB];
	s0 =	simm.s32 @p2 $0x1  }
0x17: {  	s4 =	simm.s32 $0x1BF5;
	[smem:$0x3FAA] =	sst s0  }
0x18: {  	s0 =	sld [smem:$0x3F8D];
	_ =	swait.ge [sflag:s4], $0x0  }
0x19: {  	s7 =	sld [smem:$0x3F8E]  }
0x1a: {  	s8 =	sadd.s32 $0xFFFFE003, lr  }
0x1b: {  	s9 =	sadd.s32 $0xFFFFFEF7, lr;
	s5 =	simm.s32 $0xFFFFFFFF;
	p2 =	slt.u32 s8, $0xFFFFF086  }
0x1c: {  	p1 =	slt.u32 s9, $0xF7A;
	s5 =	simm.s32 @!p2 $0x0  }
0x1d: {  	s5 =	simm.s32 @p1 $0x1;
	p0 =	seq.s32 s7, s2  }
0x1e: {  	s7 =	smul.u32 @!p0 $0xF7A, s2;
	p2 =	seq.s32 @!p0 s5, $0x0  }
0x1f: {  	s9 =	smul.u32 $0xF7A, s1;
	s8 =	simm.s32 @!p0 $0x1BF5;
	p2 =	por !p2, p0  }
0x20: {  	[sflag:s8] =	ssyncset.s32 @!p0 $0xFFFFF086;
	s6 =	sadd.s32 @!p0 s3, s7;
	s7 =	simm.s32 @!p0 $0x108  }
0x21: {  	s3 =	sadd.s32 s3, s9;
	s6 =	sadd.s32 @!p0 $0x88, s6;
	s7 =	simm.s32 @p2 $0x1082  }
0x22: {  	[simem:s7], [sflag:s8] =	dma.local @!p0 [hbm:s6], $0xF7A  }
0x23: {  	s9 =	sor.u32 $0xD0000000, s2;
	s6 =	simm.s32 $0x108;
	_ =	swait.ge @!p0 [sflag:s8], $0x0  }
0x24: {  	s3 =	sadd.s32 $0x88, s3;
	s6 =	simm.s32 @!p1 $0x1082;
	[sflag:s4] =	ssyncset.s32 $0xFFFFF086  }
0x25: {  	[simem:s6], [sflag:s4] =	dma.local [hbm:s3], $0xF7A  }
0x26: {  	[smem:$0x3F8E] =	sst s1;
	(tag) =	ssettag s2;
	_ =	strace s9  }
0x27: {  	s1 =	sld [smem:$0x3F9E]  }
0x28: {  	s2 =	sld [smem:$0x3F9F]  }
0x29: {  	s4 =	sld [smem:$0x3FA1]  }
0x2a: {  	p0 =	seq.s32 s5, $0x0;
	s5 =	sld [smem:$0x3FA2]  }
0x2b: {  	s6 =	sld [smem:$0x3FA3]  }
0x2c: {  	s7 =	sld [smem:$0x3FA4]  }
0x2d: {  	s3 =	simm.s32 $0x108;
	s8 =	sld [smem:$0x3FA5]  }
0x2e: {  	s3 =	simm.s32 @!p0 $0x1082;
	s9 =	sld [smem:$0x3FA6]  }
0x2f: {  	lr =	sadd.s32 s0, s3;
	s0 =	sld [smem:$0x3F9D]  }
0x30: {  	s3 =	sld [smem:$0x3FA0]  }
0x31: {  	[smem:$0x3FA9] =	sst s10  }
0x32: {  	s10 =	sld [smem:$0x3FA7];
	_ =	sdelay $0x3  }
0x33: {  	p0 =	seq.s32 s10, $0x1;
	s10 =	sld [smem:$0x3FA9];
	_ =	sdelay $0x3  }
0x34: {  	[smem:$0x3FA9] =	sst s10  }
0x35: {  	s10 =	sld [smem:$0x3FA8];
	_ =	sdelay $0x3  }
0x36: {  	p1 =	seq.s32 s10, $0x1;
	s10 =	sld [smem:$0x3FA9];
	_ =	sdelay $0x3  }
0x37: {  	[smem:$0x3FA9] =	sst s10  }
0x38: {  	s10 =	sld [smem:$0x3FAA]  }
0x39: {  	_ = 	snop;
	(pc) =	sbr.ind lr, $3  }
0x3a: {  	_ = 	snop  }
0x3b: {  	_ = 	snop  }
0x3c: {  	p2 =	seq.s32 s10, $0x1;
	s10 =	sld [smem:$0x3FA9]  }
0x3d: {  	_ =	shalt  }
0x3e: {  	_ =	shalt  }
0x3f: {  	_ =	shalt  }
0x40: {  	_ =	shalt  }
0x41: {  	_ =	shalt  }
0x42: {  	_ =	shalt  }
0x43: {  	_ =	shalt  }
0x44: {  	_ =	shalt  }
0x45: {  	_ =	shalt  }
0x46: {  	_ =	shalt  }
0x47: {  	_ =	shalt  }
0x48: {  	_ =	shalt  }
0x49: {  	_ =	shalt  }
0x4a: {  	_ =	shalt  }
0x4b: {  	_ =	shalt  }
0x4c: {  	_ =	shalt  }
0x4d: {  	_ =	shalt  }
0x4e: {  	_ =	shalt  }
0x4f: {  	_ =	shalt  }
0x50: {  	_ =	shalt  }
0x51: {  	_ =	shalt  }
0x52: {  	_ =	shalt  }
0x53: {  	_ =	shalt  }
0x54: {  	_ =	shalt  }
0x55: {  	_ =	shalt  }
0x56: {  	_ =	shalt  }
0x57: {  	_ =	shalt  }
0x58: {  	_ =	shalt  }
0x59: {  	_ =	shalt  }
0x5a: {  	_ =	shalt  }
0x5b: {  	_ =	shalt  }
0x5c: {  	_ =	shalt  }
0x5d: {  	_ =	shalt  }
0x5e: {  	_ =	shalt  }
0x5f: {  	_ =	shalt  }
0x60: {  	_ =	shalt  }
0x61: {  	_ =	shalt  }
0x62: {  	_ =	shalt  }
0x63: {  	_ =	shalt  }
0x64: {  	_ =	shalt  }
0x65: {  	_ =	shalt  }
0x66: {  	_ =	shalt  }
0x67: {  	_ =	shalt  }
0x68: {  	_ =	shalt  }
0x69: {  	_ =	shalt  }
0x6a: {  	_ =	shalt  }
0x6b: {  	_ =	shalt  }
0x6c: {  	_ =	shalt  }
0x6d: {  	_ =	shalt  }
0x6e: {  	_ =	shalt  }
0x6f: {  	_ =	shalt  }
0x70: {  	_ =	shalt  }
0x71: {  	_ =	shalt  }
0x72: {  	_ =	shalt  }
0x73: {  	_ =	shalt  }
0x74: {  	_ =	shalt  }
0x75: {  	_ =	shalt  }
0x76: {  	_ =	shalt  }
0x77: {  	_ =	shalt  }
0x78: {  	_ =	shalt  }
0x79: {  	_ =	shalt  }
0x7a: {  	_ =	shalt  }
0x7b: {  	_ =	shalt  }
0x7c: {  	_ =	shalt  }
0x7d: {  	_ =	shalt  }
0x7e: {  	_ =	shalt  }
0x7f: {  	_ =	shalt  }
0x80: {  	_ =	shalt  }
0x81: {  	_ =	shalt  }
0x82: {  	_ =	shalt  }
0x83: {  	_ =	shalt  }
0x84: {  	_ =	shalt  }
0x85: {  	_ =	shalt  }
0x86: {  	_ =	shalt  }
0x87: {  	_ =	shalt  }
.Lfunc_end0:
.L_simem_size_0:
called_computation.2_lowered:
.L_overlay_start_0:
0x88: {  	s2 =	sld [smem:$0x3FD9]  }
0x89: {  	s3 =	sld [smem:$0x3FFE];
	_ =	sdelay $0x1  }
0x8a: {  	s1 =	srdreg.scid  }
0x8b: {  	s0 =	sand.u32 $0x1, s1  }
0x8c: {  	s16 =	sshll.u32 s0, $0xA;
	s2 =	sadd.s32 s3, s2  }
0x8d: {  	s2 =	sadd.s32 s2, s16  }
0x8e: {  	[smem:$0x3FB5] =	sst s2  }
0x8f: {  	_ = 	snop  }
0x90: {  	(tm) =	ssettm $0x1  }
0x91: {  	s17 =	sld [smem:$0x3FFB];
	_ =	sdelay $0x3  }
0x92: {  	_ =	strace s17  }
0x93: {  	s2 =	sld [smem:$0x3FFC];
	_ =	sdelay $0x3  }
0x94: {  	_ =	strace s2  }
0x95: {  	s2 =	sld [smem:$0x3FFD];
	_ =	sdelay $0x3  }
0x96: {  	_ =	strace s2  }
0x97: {  	_ =	strace $0x8FFFFFFF  }
0x98: {  	s18 =	sld [smem:$0x3FDB];
	_ =	sdelay $0x1  }
0x99: {  	s19 =	simm.s32 $_scs_section_size  }
0x9a: {  	s4 =	simm.s32 $_size__tile_overlayer_lowered;
	s5 =	simm.s32 $_tile_overlayer_lowered  }
0x9b: {  	s22 =	simm.s32 $0x1BFF;
	s21 =	sshll.u32 s5, $0x1;
	s2 =	sadd.s32 s19, s18  }
0x9c: {  	s6 =	simm.s32 $0x0;
	s20 =	sshll.u32 s4, $0x1;
	s4 =	sadd.s32 s21, s2  }
0x9d: {  	[timem:s6], [sflag:s22] =	dma.local [hbm:s4], s20  }
0x9e: {  	_ =	swait.ge [sflag:s22], s20  }
0x9f: {  	s3 =	ssub.s32 $0x0, s20;
	[sflag:s22] =	ssyncset.done $0x0  }
0xa0: {  	[sflag:s22] =	ssyncadd.s32 s3;
	_ =	sdelay $0x1  }
0xa1: {  	s23 =	simm.s32 $0x1B8B  }
0xa2: {  	_ =	swait.ge [sflag:s23], $0x1  }
0xa3: {  	[sflag:s23] =	ssyncset.done $0x0  }
0xa4: {  	s25 =	simm.s32 $0x1B8E;
	s24 =	sld [smem:$0x3FFE];
	[sflag:s23] =	ssyncadd.s32 $0xFFFFFFFF  }
0xa5: {  	s26 =	simm.s32 $execute0_lowered;
	[smem:$0x3FD2] =	sst s25  }
0xa6: {  	s4 =	sshll.u32 s26, $0x1;
	_ =	strace $0x8000004C;
	[dreg:$0x1] =	wrdreg $0xFFFFFFFF  }
0xa7: {  	s28 =	simm.s32 $_size_execute0_lowered;
	s2 =	sadd.s32 s2, s4;
	[dreg:$0x0] =	wrdreg $0x0  }
0xa8: {  	s4 =	sshll.u32 s28, $0x1;
	[dreg:$0x2] =	wrdreg s2  }
0xa9: {  	[dreg:$0x3] =	wrdreg s4  }
0xaa: {  	[dreg:$0x4] =	wrdreg $0xC0  }
0xab: {  	_ =	task [dreg:s6], $0x5FFFF  }
0xac: {  	[dreg:$0x1] =	wrdreg $0xFFFFFFFF  }
0xad: {  	[dreg:$0x0] =	wrdreg $0x60  }
0xae: {  	[dreg:$0x2] =	wrdreg s24  }
0xaf: {  	[dreg:$0x3] =	wrdreg $0x9  }
0xb0: {  	_ =	task.clear_ibuf [dreg:s6], $0x4FFFF;
	_ =	strace $0x9000004C  }
0xb1: {  	s29 =	simm.s32 $0x9;
	_ =	strace $0x8000004E  }
0xb2: {  	_ =	swait.ge [sflag:s29], $0x1  }
0xb3: {  	[sflag:s29] =	ssyncadd.s32 $0xFFFFFFFF  }
0xb4: {  	_ =	strace $0x9000004E  }
0xb5: {  	_ =	sfence  }
0xb6: {  	s30 =	sld [smem:$0x0];
	_ =	sdelay $0x2  }
0xb7: {  	s31 =	sshll.u32 s1, $0xD;
	s1 =	sshrl.u32 s1, $0x2  }
0xb8: {  	s3 =	sand.u32 $0x4000, s31;
	s1 =	sadd.s32 s1, s30  }
0xb9: {  	s0 =	sor.u32 s3, s0;
	s1 =	sshll.u32 s1, $0x11  }
0xba: {  	s0 =	sor.u32 s1, s0  }
0xbb: {  	s0 =	sadd.s32 $0x8F2B, s0  }
0xbc: {  	[sflag:s0] =	ssyncadd.remote.s32 $0x1  }
0xbd: {  	_ =	sfence.sel $0xFFFF  }
0xbe: {  	[dreg:$0x0] =	wrdreg $0xFFFFFFFF;
	(pc) =	sbr.abs _section_cstart, $3  }
0xbf: {  	[dreg:$0x1] =	wrdreg $0xFFFFFFFF  }
0xc0: {  	_ =	task.clear_ibuf [dreg:s6], $0x2FFFF;
	_ =	strace $0x9FFFFFFF  }
0xc1: {  	(tm) =	ssettm $0x7FFFFFFF  }
tec
execute0_lowered:
.L_overlay_start_1:
0x0: {  	(tag) =	ssettag $0x1  }
0x1: {  	s1 =	srdreg.scid;
	s0 =	stileid.u32  }
0x2: {  	s6 =	sand.u32 $0x1, s1;
	s30 =	sshll.u32 s0, $0x1  }
0x3: {  	s9 =	rddreg [dreg:$0x0];
	s7 =	sor.u32 s6, s30  }
0x4: {  	s2 =	simm.s32 $0x0;
	s1 =	rddreg [dreg:$0x1];
	s3 =	smul.u32 $0xC, s7  }
0x5: {  	s8 =	simm.s32 $0x1;
	[smem:$0x7FF] =	sst s2;
	s5 =	sadd.s32 $0x3A00, s9  }
0x6: {  	_ =	strace $0x8000004D;
	s11 =	ssub.s32 $0x2, s6;
	s3 =	sadd.s32 s3, s9  }
0x7: {  	s6 =	simm.s32 $0x60;
	s4 =	sadd.s32 $0x3800, s3;
	s3 =	simm.s32 $0x2  }
0x8: {  	[tilespmem:s2], [sflag:$0x2] =	stream.linear.gather [hbm4b:s4+s2], $0x60, $0x38;
	[tilespmem:$0x3080] =	vst v63  }
0x9: {  	s10 =	smul.u32 $0x600, s7;
	s12 =	sshrl.u32 s11, $0x1;
	_ =	swait.ge [sflag:s3], $0x60  }
0xa: {  	s7 =	simm.s32 $0x80;
	s31 =	ssub.s32 s11, s12;
	[sflag:s3] =	ssyncset.done $0x0  }
0xb: {  	s9 =	sadd.s32 s10, s9;
	s10 =	smax.u32 s31, $0x1;
	[sflag:s3] =	ssyncadd.s32 $0xFFFFFFA0  }
0xc: {  	[tilespmem:s7], [sflag:$0x1] =	stream.indirect.gather [hbm4b:s5+s6], $0x80, s2, s6, $0xb8;
	[tilespmem:$0x3080] =	vst v63  }
0xd: {  	p0 =	sne.s32 s10, $0x1;
	_ =	swait.ge [sflag:s8], $0x3000  }
.Ltmp0:
0xe: {  	[sflag:s8] =	ssyncset.done $0x0;
	(pc) =	sbr.rel @!p0 .LBB2_2-.Ltmp0, $4  }
0xf: {  	s9 =	sadd.s32 $0x2AC00, s9;
	[sflag:s8] =	ssyncadd.s32 $0xFFFFD000  }
0x10: {  	[hbm4b:s9+s2] =	stream.linear.scatter [tilespmem:s7], [sflag:$0x2], $0x3000, $0x38;
	[tilespmem:$0x3080] =	vst v63  }
0x11: {  	_ =	swait.ge [sflag:s3], $0x3000  }
0x12: {  	s10 =	sadd.s32 $0xFFFFFFFF, s10;
	[sflag:s3] =	ssyncset.done $0x0  }
.LBB2_1:
0x13: {  	p0 =	sne.s32 s10, $0x1;
	s10 =	sadd.s32 $0xFFFFFFFF, s10;
	[sflag:s3] =	ssyncadd.s32 $0xFFFFD000  }
0x14: {  	[tilespmem:s2], [sflag:$0x2] =	stream.linear.gather [hbm4b:s4+s2], $0x60, $0x38;
	[tilespmem:$0x3080] =	vst v63  }
0x15: {  	_ =	swait.ge [sflag:s3], $0x60  }
0x16: {  	[sflag:s3] =	ssyncset.done $0x0  }
0x17: {  	[sflag:s3] =	ssyncadd.s32 $0xFFFFFFA0  }
0x18: {  	[tilespmem:s7], [sflag:$0x1] =	stream.indirect.gather [hbm4b:s5+s6], $0x80, s2, s6, $0xb8;
	[tilespmem:$0x3080] =	vst v63  }
0x19: {  	_ =	swait.ge [sflag:s8], $0x3000  }
.Ltmp1:
0x1a: {  	[sflag:s8] =	ssyncset.done $0x0;
	(pc) =	sbr.rel @p0 .LBB2_1-.Ltmp1, $4  }
0x1b: {  	[sflag:s8] =	ssyncadd.s32 $0xFFFFD000  }
0x1c: {  	[hbm4b:s9+s2] =	stream.linear.scatter [tilespmem:s7], [sflag:$0x2], $0x3000, $0x38;
	[tilespmem:$0x3080] =	vst v63  }
0x1d: {  	_ =	swait.ge [sflag:s3], $0x3000  }
0x1e: {  	[sflag:s3] =	ssyncset.done $0x0  }
.LBB2_2:
0x1f: {  	[sflag:s3] =	ssyncadd.s32 $0xFFFFD000  }
0x20: {  	_ =	sfence.sel $0x180000  }
0x21: {  	[bflag:$0x0] =	sbarrier.arrive $0xFFFF  }
0x22: {  	p0 =	sne.s32 s0, $0x0;
	_ =	strace $0x9000004D  }
0x23: {  	s0 =	sadd.s32 @!p0 $0x100000, s1;
	[bflag:$0x2] =	sbarrier.arrive $0xFFFF  }
0x24: {  	[sflag:s0] =	ssyncadd.tile.s32 @!p0 $0x1;
	_ =	shalt  }
.Lfunc_end2:
_tile_overlayer_lowered:
.L_overlay_start_2:
0x25: {  	(tag) =	ssettag $0x2  }
0x26: {  	s0 =	rddreg [dreg:$0x0];
	s2 =	stileid.u32  }
0x27: {  	s1 =	rddreg [dreg:$0x1];
	p0 =	sne.s32 s2, $0x0  }
0x28: {  	s3 =	rddreg [dreg:$0x2];
	[bflag:$0x3] =	sbarrier.arrive $0xFFFF;
	s2 =	simm.s32 @!p0 $0x1C02  }
0x29: {  	[timem:s3], [sflag:s2] =	dma.local @!p0 [hbm:s0], s1  }
0x2a: {  	s0 =	simm.s32 @!p0 $0x2  }
0x2b: {  	_ =	swait.ge @!p0 [sflag:s0], s1  }
0x2c: {  	s1 =	ssub.s32 @!p0 $0x0, s1;
	[sflag:s0] =	ssyncset.done @!p0 $0x0  }
0x2d: {  	[sflag:s0] =	ssyncadd.s32 @!p0 s1  }
0x2e: {  	[bflag:$0x3] =	sbarrier.arrive $0xFFFF  }
0x2f: {  	_ =	shalt  }

// kernel: kernel.8.cloned.1.call-start
scs
__scs_entry_jumppad:
0x0: {  	(pc) =	sbr.rel $0x88, $3  }
0x1: {  	(tag) =	ssettag $0x0;
	lr =	simm.s32 $0x1  }
0x2: {  	[smem:$0x3F8E] =	sst lr;
	_ =	strace $0xD0000000  }
0x3: {  	_ = 	snop  }
0x4: {  	_ = 	snop  }
0x5: {  	_ = 	snop  }
0x6: {  	_ = 	snop  }
0x7: {  	_ = 	snop  }
__scs_overlays_trampoline_lowered:
0x8: {  	[smem:$0x3F9D] =	sst s0  }
0x9: {  	[smem:$0x3F9E] =	sst s1  }
0xa: {  	[smem:$0x3F9F] =	sst s2  }
0xb: {  	[smem:$0x3FA0] =	sst s3  }
0xc: {  	[smem:$0x3FA1] =	sst s4  }
0xd: {  	[smem:$0x3FA2] =	sst s5  }
0xe: {  	[smem:$0x3FA3] =	sst s6  }
0xf: {  	[smem:$0x3FA4] =	sst s7  }
0x10: {  	[smem:$0x3FA5] =	sst s8  }
0x11: {  	[smem:$0x3FA6] =	sst s9;
	s0 =	simm.s32 @!p0 $0x0  }
0x12: {  	s1 =	sld [smem:$0x3F8C];
	s0 =	simm.s32 @p0 $0x1  }
0x13: {  	[smem:$0x3FA7] =	sst s0;
	s0 =	simm.s32 @!p1 $0x0  }
0x14: {  	s2 =	sld [smem:$0x3F8B];
	s0 =	simm.s32 @p1 $0x1  }
0x15: {  	[smem:$0x3FA8] =	sst s0;
	s0 =	simm.s32 @!p2 $0x0  }
0x16: {  	s3 =	sld [smem:$0x3FDB];
	s0 =	simm.s32 @p2 $0x1  }
0x17: {  	s4 =	simm.s32 $0x1BF5;
	[smem:$0x3FAA] =	sst s0  }
0x18: {  	s0 =	sld [smem:$0x3F8D];
	_ =	swait.ge [sflag:s4], $0x0  }
0x19: {  	s7 =	sld [smem:$0x3F8E]  }
0x1a: {  	s8 =	sadd.s32 $0xFFFFE003, lr  }
0x1b: {  	s9 =	sadd.s32 $0xFFFFFEF7, lr;
	s5 =	simm.s32 $0xFFFFFFFF;
	p2 =	slt.u32 s8, $0xFFFFF086  }
0x1c: {  	p1 =	slt.u32 s9, $0xF7A;
	s5 =	simm.s32 @!p2 $0x0  }
0x1d: {  	s5 =	simm.s32 @p1 $0x1;
	p0 =	seq.s32 s7, s2  }
0x1e: {  	s7 =	smul.u32 @!p0 $0xF7A, s2;
	p2 =	seq.s32 @!p0 s5, $0x0  }
0x1f: {  	s9 =	smul.u32 $0xF7A, s1;
	s8 =	simm.s32 @!p0 $0x1BF5;
	p2 =	por !p2, p0  }
0x20: {  	[sflag:s8] =	ssyncset.s32 @!p0 $0xFFFFF086;
	s6 =	sadd.s32 @!p0 s3, s7;
	s7 =	simm.s32 @!p0 $0x108  }
0x21: {  	s3 =	sadd.s32 s3, s9;
	s6 =	sadd.s32 @!p0 $0x88, s6;
	s7 =	simm.s32 @p2 $0x1082  }
0x22: {  	[simem:s7], [sflag:s8] =	dma.local @!p0 [hbm:s6], $0xF7A  }
0x23: {  	s9 =	sor.u32 $0xD0000000, s2;
	s6 =	simm.s32 $0x108;
	_ =	swait.ge @!p0 [sflag:s8], $0x0  }
0x24: {  	s3 =	sadd.s32 $0x88, s3;
	s6 =	simm.s32 @!p1 $0x1082;
	[sflag:s4] =	ssyncset.s32 $0xFFFFF086  }
0x25: {  	[simem:s6], [sflag:s4] =	dma.local [hbm:s3], $0xF7A  }
0x26: {  	[smem:$0x3F8E] =	sst s1;
	(tag) =	ssettag s2;
	_ =	strace s9  }
0x27: {  	s1 =	sld [smem:$0x3F9E]  }
0x28: {  	s2 =	sld [smem:$0x3F9F]  }
0x29: {  	s4 =	sld [smem:$0x3FA1]  }
0x2a: {  	p0 =	seq.s32 s5, $0x0;
	s5 =	sld [smem:$0x3FA2]  }
0x2b: {  	s6 =	sld [smem:$0x3FA3]  }
0x2c: {  	s7 =	sld [smem:$0x3FA4]  }
0x2d: {  	s3 =	simm.s32 $0x108;
	s8 =	sld [smem:$0x3FA5]  }
0x2e: {  	s3 =	simm.s32 @!p0 $0x1082;
	s9 =	sld [smem:$0x3FA6]  }
0x2f: {  	lr =	sadd.s32 s0, s3;
	s0 =	sld [smem:$0x3F9D]  }
0x30: {  	s3 =	sld [smem:$0x3FA0]  }
0x31: {  	[smem:$0x3FA9] =	sst s10  }
0x32: {  	s10 =	sld [smem:$0x3FA7];
	_ =	sdelay $0x3  }
0x33: {  	p0 =	seq.s32 s10, $0x1;
	s10 =	sld [smem:$0x3FA9];
	_ =	sdelay $0x3  }
0x34: {  	[smem:$0x3FA9] =	sst s10  }
0x35: {  	s10 =	sld [smem:$0x3FA8];
	_ =	sdelay $0x3  }
0x36: {  	p1 =	seq.s32 s10, $0x1;
	s10 =	sld [smem:$0x3FA9];
	_ =	sdelay $0x3  }
0x37: {  	[smem:$0x3FA9] =	sst s10  }
0x38: {  	s10 =	sld [smem:$0x3FAA]  }
0x39: {  	_ = 	snop;
	(pc) =	sbr.ind lr, $3  }
0x3a: {  	_ = 	snop  }
0x3b: {  	_ = 	snop  }
0x3c: {  	p2 =	seq.s32 s10, $0x1;
	s10 =	sld [smem:$0x3FA9]  }
0x3d: {  	_ =	shalt  }
0x3e: {  	_ =	shalt  }
0x3f: {  	_ =	shalt  }
0x40: {  	_ =	shalt  }
0x41: {  	_ =	shalt  }
0x42: {  	_ =	shalt  }
0x43: {  	_ =	shalt  }
0x44: {  	_ =	shalt  }
0x45: {  	_ =	shalt  }
0x46: {  	_ =	shalt  }
0x47: {  	_ =	shalt  }
0x48: {  	_ =	shalt  }
0x49: {  	_ =	shalt  }
0x4a: {  	_ =	shalt  }
0x4b: {  	_ =	shalt  }
0x4c: {  	_ =	shalt  }
0x4d: {  	_ =	shalt  }
0x4e: {  	_ =	shalt  }
0x4f: {  	_ =	shalt  }
0x50: {  	_ =	shalt  }
0x51: {  	_ =	shalt  }
0x52: {  	_ =	shalt  }
0x53: {  	_ =	shalt  }
0x54: {  	_ =	shalt  }
0x55: {  	_ =	shalt  }
0x56: {  	_ =	shalt  }
0x57: {  	_ =	shalt  }
0x58: {  	_ =	shalt  }
0x59: {  	_ =	shalt  }
0x5a: {  	_ =	shalt  }
0x5b: {  	_ =	shalt  }
0x5c: {  	_ =	shalt  }
0x5d: {  	_ =	shalt  }
0x5e: {  	_ =	shalt  }
0x5f: {  	_ =	shalt  }
0x60: {  	_ =	shalt  }
0x61: {  	_ =	shalt  }
0x62: {  	_ =	shalt  }
0x63: {  	_ =	shalt  }
0x64: {  	_ =	shalt  }
0x65: {  	_ =	shalt  }
0x66: {  	_ =	shalt  }
0x67: {  	_ =	shalt  }
0x68: {  	_ =	shalt  }
0x69: {  	_ =	shalt  }
0x6a: {  	_ =	shalt  }
0x6b: {  	_ =	shalt  }
0x6c: {  	_ =	shalt  }
0x6d: {  	_ =	shalt  }
0x6e: {  	_ =	shalt  }
0x6f: {  	_ =	shalt  }
0x70: {  	_ =	shalt  }
0x71: {  	_ =	shalt  }
0x72: {  	_ =	shalt  }
0x73: {  	_ =	shalt  }
0x74: {  	_ =	shalt  }
0x75: {  	_ =	shalt  }
0x76: {  	_ =	shalt  }
0x77: {  	_ =	shalt  }
0x78: {  	_ =	shalt  }
0x79: {  	_ =	shalt  }
0x7a: {  	_ =	shalt  }
0x7b: {  	_ =	shalt  }
0x7c: {  	_ =	shalt  }
0x7d: {  	_ =	shalt  }
0x7e: {  	_ =	shalt  }
0x7f: {  	_ =	shalt  }
0x80: {  	_ =	shalt  }
0x81: {  	_ =	shalt  }
0x82: {  	_ =	shalt  }
0x83: {  	_ =	shalt  }
0x84: {  	_ =	shalt  }
0x85: {  	_ =	shalt  }
0x86: {  	_ =	shalt  }
0x87: {  	_ =	shalt  }
.Lfunc_end0:
.L_simem_size_0:
called_computation_lowered:
.L_overlay_start_0:
0x88: {  	s2 =	sld [smem:$0x3FD9]  }
0x89: {  	s3 =	sld [smem:$0x3FFE];
	_ =	sdelay $0x1  }
0x8a: {  	s1 =	srdreg.scid  }
0x8b: {  	s0 =	sand.u32 $0x1, s1  }
0x8c: {  	s17 =	sshll.u32 s0, $0xA;
	s2 =	sadd.s32 s3, s2  }
0x8d: {  	s2 =	sadd.s32 s2, s17  }
0x8e: {  	[smem:$0x3FB5] =	sst s2  }
0x8f: {  	_ = 	snop  }
0x90: {  	s2 =	sld [smem:$0x3FC9]  }
0x91: {  	s18 =	sld [smem:$0x3FC8];
	(tm) =	ssettm $0x1  }
0x92: {  	s4 =	sld [smem:$0x3FFB];
	_ =	sdelay $0x3  }
0x93: {  	_ =	strace s4  }
0x94: {  	s4 =	sld [smem:$0x3FFC];
	_ =	sdelay $0x3  }
0x95: {  	_ =	strace s4  }
0x96: {  	s4 =	sld [smem:$0x3FFD];
	_ =	sdelay $0x3  }
0x97: {  	_ =	strace s4  }
0x98: {  	_ =	strace $0x8FFFFFFF  }
0x99: {  	s19 =	sld [smem:$0x3FDB];
	_ =	sdelay $0x1  }
0x9a: {  	s5 =	simm.s32 $_scs_section_size  }
0x9b: {  	s6 =	simm.s32 $_size__tile_overlayer_lowered;
	s7 =	simm.s32 $_tile_overlayer_lowered  }
0x9c: {  	s22 =	simm.s32 $0x1BFF;
	s21 =	sshll.u32 s7, $0x1;
	s4 =	sadd.s32 s5, s19  }
0x9d: {  	s8 =	simm.s32 $0x0;
	s20 =	sshll.u32 s6, $0x1;
	s6 =	sadd.s32 s21, s4  }
0x9e: {  	[timem:s8], [sflag:s22] =	dma.local [hbm:s6], s20  }
0x9f: {  	_ =	swait.ge [sflag:s22], s20  }
0xa0: {  	s5 =	ssub.s32 $0x0, s20;
	[sflag:s22] =	ssyncset.done $0x0  }
0xa1: {  	[sflag:s22] =	ssyncadd.s32 s5;
	_ =	sdelay $0x1  }
0xa2: {  	s23 =	simm.s32 $0x1B8B  }
0xa3: {  	_ =	swait.ge [sflag:s23], $0x1  }
0xa4: {  	[sflag:s23] =	ssyncset.done $0x0  }
0xa5: {  	s25 =	simm.s32 $0x1B8E;
	s24 =	sld [smem:$0x3FFE];
	[sflag:s23] =	ssyncadd.s32 $0xFFFFFFFF  }
0xa6: {  	s26 =	simm.s32 $execute0_lowered;
	[smem:$0x3FD2] =	sst s25  }
0xa7: {  	s6 =	sshll.u32 s26, $0x1;
	_ =	strace $0x80000046;
	[dreg:$0x1] =	wrdreg $0xFFFFFFFF  }
0xa8: {  	s28 =	simm.s32 $_size_execute0_lowered;
	s4 =	sadd.s32 s4, s6;
	[dreg:$0x0] =	wrdreg $0x0  }
0xa9: {  	s6 =	sshll.u32 s28, $0x1;
	[dreg:$0x2] =	wrdreg s4  }
0xaa: {  	[dreg:$0x3] =	wrdreg s6  }
0xab: {  	[dreg:$0x4] =	wrdreg $0xC0  }
0xac: {  	_ =	task [dreg:s8], $0x5FFFF  }
0xad: {  	[dreg:$0x1] =	wrdreg $0xFFFFFFFF  }
0xae: {  	[dreg:$0x0] =	wrdreg $0x60  }
0xaf: {  	[dreg:$0x2] =	wrdreg s2  }
0xb0: {  	[dreg:$0x3] =	wrdreg s18  }
0xb1: {  	[dreg:$0x4] =	wrdreg s24  }
0xb2: {  	[dreg:$0x5] =	wrdreg $0xAA000  }
0xb3: {  	[dreg:$0x6] =	wrdreg $0x9  }
0xb4: {  	_ =	task.clear_ibuf [dreg:s8], $0x7FFFF;
	_ =	strace $0x90000046  }
0xb5: {  	s29 =	simm.s32 $0x9;
	_ =	strace $0x80000048  }
0xb6: {  	_ =	swait.ge [sflag:s29], $0x1  }
0xb7: {  	[sflag:s29] =	ssyncadd.s32 $0xFFFFFFFF  }
0xb8: {  	_ =	strace $0x90000048  }
0xb9: {  	_ =	sfence  }
0xba: {  	s30 =	sld [smem:$0x0];
	_ =	sdelay $0x2  }
0xbb: {  	s31 =	sshll.u32 s1, $0xD;
	s1 =	sshrl.u32 s1, $0x2  }
0xbc: {  	s3 =	sand.u32 $0x4000, s31;
	s1 =	sadd.s32 s1, s30  }
0xbd: {  	s0 =	sor.u32 s3, s0;
	s1 =	sshll.u32 s1, $0x11  }
0xbe: {  	s0 =	sor.u32 s1, s0  }
0xbf: {  	s0 =	sadd.s32 $0x8F2B, s0  }
0xc0: {  	[sflag:s0] =	ssyncadd.remote.s32 $0x1  }
0xc1: {  	_ =	sfence.sel $0xFFFF  }
0xc2: {  	[dreg:$0x0] =	wrdreg $0xFFFFFFFF;
	(pc) =	sbr.abs _section_cstart, $3  }
0xc3: {  	[dreg:$0x1] =	wrdreg $0xFFFFFFFF  }
0xc4: {  	_ =	task.clear_ibuf [dreg:s8], $0x2FFFF;
	_ =	strace $0x9FFFFFFF  }
0xc5: {  	(tm) =	ssettm $0x7FFFFFFF  }
tec
execute0_lowered:
.L_overlay_start_1:
0x0: {  	(tag) =	ssettag $0x1  }
0x1: {  	s1 =	rddreg [dreg:$0x0]  }
0x2: {  	s0 =	rddreg [dreg:$0x1]  }
0x3: {  	s3 =	rddreg [dreg:$0x2]  }
0x4: {  	s2 =	rddreg [dreg:$0x3];
	s14 =	stileid.u32  }
0x5: {  	s4 =	simm.s32 $0x0;
	s5 =	srdreg.scid;
	s9 =	smul.u32 $0x14000, s14  }
0x6: {  	s28 =	simm.s32 $0x2A00;
	s29 =	simm.s32 $0x4A00;
	s13 =	smul.u32 $0x50000, s14  }
0x7: {  	s30 =	simm.s32 $0x2880;
	s31 =	simm.s32 $0x3;
	s22 =	smul.u32 $0x5000, s14  }
0x8: {  	s7 =	sand.u32 $0x1, s5;
	s10 =	sshll.u32 s14, $0x1;
	s14 =	smul.u32 $0xA000, s14  }
0x9: {  	[smem:$0x7FF] =	sst s4;
	s5 =	sadd.s32 $0x3800, s3;
	s8 =	smul.u32 $0x140000, s7  }
0xa: {  	s6 =	sadd.s32 $0x4800, s3;
	s15 =	sadd.s32 $0x13600, s0;
	s23 =	smul.u32 $0x2800, s7  }
0xb: {  	s17 =	ssub.s32 $0x2, s7;
	s10 =	sor.u32 s7, s10;
	s7 =	smul.u32 $0x5000, s7  }
0xc: {  	_ =	strace $0x80000047;
	[dreg:$0x6] =	wrdreg s15;
	s12 =	smul.u32 $0xA00, s10  }
0xd: {  	s11 =	sshrl.u32 s17, $0x1;
	s19 =	smul.u32 $0x2800, s10;
	s21 =	sshrl.u32 s13, $0x2  }
0xe: {  	p0 =	seq.s32 s10, $0x1F;
	s10 =	simm.s32 $0x2;
	s8 =	sadd.s32 s9, s8  }
0xf: {  	s18 =	ssub.s32 s17, s11;
	s11 =	sadd.s32 $0x10, s0;
	s16 =	sadd.s32 s21, s2  }
0x10: {  	s17 =	sadd.s32 s7, s14;
	s7 =	simm.s32 $0x1;
	s14 =	simm.s32 $0x2980  }
0x11: {  	s8 =	sshrl.u32 s8, $0x3;
	s20 =	sadd.s32 s0, s12;
	s12 =	sadd.s32 s12, s11  }
0x12: {  	s9 =	sshrl.u32 s19, $0x2;
	s24 =	sadd.s32 $0x8000, s16;
	[dreg:$0x9] =	wrdreg s16  }
0x13: {  	s25 =	sadd.s32 $0xC000, s16;
	s3 =	sadd.s32 s8, s3;
	[dreg:$0x5] =	wrdreg s20  }
0x14: {  	[dreg:$0x7] =	wrdreg s12;
	s0 =	sadd.s32 s9, s0;
	s8 =	smax.u32 s18, $0x1  }
0x15: {  	s9 =	sadd.s32 $0x4000, s16;
	s24 =	sshrl.u32 s24, $0x3;
	[dreg:$0xc] =	wrdreg s8  }
0x16: {  	s12 =	sadd.s32 $0x10000, s16;
	s25 =	sshrl.u32 s25, $0x3;
	[dreg:$0x13] =	wrdreg s24  }
0x17: {  	s16 =	simm.s32 $0x0;
	s0 =	sadd.s32 $0x30, s0;
	[dreg:$0x14] =	wrdreg s25  }
0x18: {  	s3 =	sadd.s32 $0x5000, s3;
	s8 =	simm.s32 $0x80;
	[dreg:$0x8] =	wrdreg s0  }
0x19: {  	s0 =	sadd.s32 s23, s22;
	[dreg:$0xa] =	wrdreg s3;
	s3 =	sadd.s32 $0xFFF63E80, s17  }
0x1a: {  	s23 =	sshrl.u32 s9, $0x3;
	s9 =	simm.s32 $0x2900;
	[dreg:$0xd] =	wrdreg s3  }
0x1b: {  	s26 =	sor.u32 $0x180, s0;
	s20 =	sor.u32 $0x100, s0;
	[dreg:$0x12] =	wrdreg s23  }
0x1c: {  	s21 =	sor.u32 $0x280, s0;
	s0 =	sor.u32 $0x200, s0;
	[dreg:$0xb] =	wrdreg s26  }
0x1d: {  	s18 =	sshrl.u32 s26, $0x2;
	s3 =	sshrl.u32 s20, $0x2;
	s22 =	sshrl.u32 s21, $0x2  }
0x1e: {  	s0 =	sshrl.u32 s0, $0x2;
	s20 =	simm.s32 $0x2800;
	s26 =	sshrl.u32 s12, $0x3  }
.Ltmp0:
0x1f: {  	s19 =	sadd.s32 s18, s11;
	[dreg:$0x15] =	wrdreg s26;
	(pc) =	sbr.rel .LBB2_1-.Ltmp0, $4  }
0x20: {  	s21 =	simm.s32 $0x4;
	s3 =	sadd.s32 s3, s11;
	[dreg:$0xe] =	wrdreg s19  }
0x21: {  	s12 =	simm.s32 $0x5;
	s0 =	sadd.s32 s0, s11;
	[dreg:$0xf] =	wrdreg s3  }
0x22: {  	s26 =	simm.s32 $0x40;
	s3 =	sadd.s32 s22, s11;
	[dreg:$0x11] =	wrdreg s0  }
0x23: {  	s0 =	simm.s32 $0x6A00;
	[dreg:$0x10] =	wrdreg s3;
	s3 =	simm.s32 $0x8A00  }
.LBB2_23:
0x24: {  	_ =	swait.ge [sflag:s31], $0x4000  }
0x25: {  	[sflag:s31] =	ssyncset.done $0x0  }
0x26: {  	[sflag:s31] =	ssyncadd.s32 $0xFFFFC000  }
0x27: {  	[bflag:$0x0] =	sbarrier.arrive $0xFFFF  }
0x28: {  	s11 =	rddreg [dreg:$0x16]  }
0x29: {  	s13 =	rddreg [dreg:$0xa]  }
0x2a: {  	s24 =	simm.s32 $0x6;
	s15 =	rddreg [dreg:$0x17];
	s11 =	sor.u32 $0x1C06, s11  }
0x2b: {  	[hbm:s13], [sflag:s11] =	dma.local [spmem:s15], $0x2800  }
0x2c: {  	_ =	swait.ge [sflag:s24], $0x2800  }
0x2d: {  	s16 =	sadd.s32 $0x1, s16;
	s25 =	rddreg [dreg:$0xc]  }
0x2e: {  	p1 =	sne.s32 s16, s25  }
.Ltmp1:
0x2f: {  	_ = 	snop;
	(pc) =	sbr.rel @!p1 .LBB2_24-.Ltmp1, $3  }
0x30: {  	_ =	sdelay $0x1  }
0x31: {  	[sflag:s24] =	ssyncset.done $0x0  }
0x32: {  	[sflag:s24] =	ssyncadd.s32 $0xFFFFD800  }
.LBB2_1:
0x33: {  	s11 =	simm.s32 @p0 $0x80  }
0x34: {  	s13 =	simm.s32 @p0 $0x100;
	s15 =	simm.s32 @p0 $0x0;
	s17 =	rddreg [dreg:$0x6]  }
0x35: {  	[tilespmem:s15], [sflag:$0x6] =	stream.strided.gather @p0 [hbm4b:s17+s11], $0xA00, s13, s11, $0x38;
	[tilespmem:$0x1EA00] =	vst v63  }
0x36: {  	s15 =	simm.s32 @p0 $0x6  }
0x37: {  	_ =	swait.ge @p0 [sflag:s15], $0xA00  }
0x38: {  	[sflag:s15] =	ssyncset.done @p0 $0x0  }
0x39: {  	s17 =	simm.s32 @p0 $0xA00;
	[sflag:s15] =	ssyncadd.s32 @p0 $0xFFFFF600  }
0x3a: {  	[tilespmem:s17], [sflag:$0x6] =	stream.strided.gather @p0 [hbm4b:s5+s11], $0x1E00, s13, s11, $0x38;
	[tilespmem:$0x1EA00] =	vst v63  }
0x3b: {  	_ =	swait.ge @p0 [sflag:s15], $0x1E00  }
0x3c: {  	s11 =	simm.s32 @!p0 $0x80;
	s13 =	simm.s32 @!p0 $0x100;
	[sflag:s15] =	ssyncset.done @p0 $0x0  }
0x3d: {  	s17 =	rddreg [dreg:$0x5];
	[sflag:s15] =	ssyncadd.s32 @p0 $0xFFFFE200;
	s15 =	simm.s32 @!p0 $0x0  }
0x3e: {  	[tilespmem:s15], [sflag:$0x6] =	stream.strided.gather @!p0 [hbm4b:s17+s11], $0x2800, s13, s11, $0x38;
	[tilespmem:$0x1EA00] =	vst v63  }
0x3f: {  	s11 =	simm.s32 @!p0 $0x6  }
0x40: {  	_ =	swait.ge @!p0 [sflag:s11], $0x2800  }
0x41: {  	[sflag:s11] =	ssyncset.done @!p0 $0x0  }
0x42: {  	s24 =	stileid.u32;
	s22 =	rddreg [dreg:$0x7];
	[sflag:s11] =	ssyncadd.s32 @!p0 $0xFFFFD800  }
0x43: {  	[tilespmem:s20], [sflag:$0x4] =	stream.linear.gather [hbm4b:s22+s4], $0x80, $0x38;
	[tilespmem:$0x1EA00] =	vst v63  }
0x44: {  	s11 =	sshll.u32 s24, $0x6;
	_ =	swait.ge [sflag:s21], $0x80  }
0x45: {  	[dreg:$0x16] =	wrdreg s11;
	[sflag:s21] =	ssyncset.done $0x0  }
0x46: {  	s25 =	rddreg [dreg:$0x9];
	[sflag:s21] =	ssyncadd.s32 $0xFFFFFF80  }
0x47: {  	[tilespmem:s28], [sflag:$0x1] =	stream.indirect.gather [hbm4b:s1+s26], $0x80, s4, s26, $0xb8;
	[tilespmem:$0x1EA00] =	vst v63  }
0x48: {  	s23 =	rddreg [dreg:$0x8];
	s13 =	sshrl.u32 s25, $0x3  }
0x49: {  	[tilespmem:s29], [sflag:$0x1] =	stream.indirect.gather [hbm4b:s1+s26], $0x80, s26, s26, $0xb8;
	[tilespmem:$0x1EA00] =	vst v63  }
0x4a: {  	s11 =	sor.u32 $0x1C03, s11;
	[dreg:$0x17] =	wrdreg s13  }
0x4b: {  	[tilespmem:s30], [sflag:$0x5] =	stream.linear.gather [hbm4b:s23+s4], $0x80, $0x38;
	[tilespmem:$0x1EA00] =	vst v63  }
0x4c: {  	[spmem:s13], [sflag:s11] =	dma.local [hbm:s6], $0x800  }
0x4d: {  	s13 =	rddreg [dreg:$0x12]  }
0x4e: {  	[spmem:s13], [sflag:s11] =	dma.local [hbm:s6], $0x800  }
0x4f: {  	s13 =	rddreg [dreg:$0x13]  }
0x50: {  	[spmem:s13], [sflag:s11] =	dma.local [hbm:s6], $0x800  }
0x51: {  	s13 =	rddreg [dreg:$0x14]  }
0x52: {  	[spmem:s13], [sflag:s11] =	dma.local [hbm:s6], $0x800  }
0x53: {  	s13 =	rddreg [dreg:$0x15]  }
0x54: {  	[spmem:s13], [sflag:s11] =	dma.local [hbm:s6], $0x800  }
0x55: {  	_ =	swait.ge [sflag:s31], $0x800  }
0x56: {  	[sflag:s31] =	ssyncset.done $0x0  }
0x57: {  	[sflag:s31] =	ssyncadd.s32 $0xFFFFF800  }
0x58: {  	_ =	swait.ge [sflag:s31], $0x800  }
0x59: {  	[sflag:s31] =	ssyncset.done $0x0  }
0x5a: {  	[sflag:s31] =	ssyncadd.s32 $0xFFFFF800  }
0x5b: {  	_ =	swait.ge [sflag:s31], $0x800  }
0x5c: {  	[sflag:s31] =	ssyncset.done $0x0  }
0x5d: {  	[sflag:s31] =	ssyncadd.s32 $0xFFFFF800  }
0x5e: {  	_ =	swait.ge [sflag:s31], $0x800  }
0x5f: {  	[sflag:s31] =	ssyncset.done $0x0  }
0x60: {  	[sflag:s31] =	ssyncadd.s32 $0xFFFFF800  }
0x61: {  	_ =	swait.ge [sflag:s31], $0x800  }
0x62: {  	[sflag:s31] =	ssyncset.done $0x0  }
0x63: {  	[sflag:s31] =	ssyncadd.s32 $0xFFFFF800  }
0x64: {  	[bflag:$0x0] =	sbarrier.arrive $0xFFFF  }
0x65: {  	s19 =	rddreg [dreg:$0x11]  }
.Ltmp2:
0x66: {  	s18 =	rddreg [dreg:$0x10];
	(pc) =	sbr.rel .LBB2_2-.Ltmp2, $4  }
0x67: {  	s17 =	rddreg [dreg:$0xf]  }
0x68: {  	s24 =	rddreg [dreg:$0xe]  }
0x69: {  	s25 =	rddreg [dreg:$0xb]  }
0x6a: {  	s23 =	simm.s32 $0x0;
	s11 =	rddreg [dreg:$0xd]  }
.LBB2_21:
0x6b: {  	[tilespmem:s30], [sflag:$0x5] =	stream.linear.gather [hbm4b:s15+s4], $0x80, $0x38;
	[tilespmem:$0x1EA00] =	vst v63  }
.LBB2_22:
0x6c: {  	s11 =	sadd.s32 $0x400, s11  }
0x6d: {  	s25 =	sadd.s32 $0x200, s25;
	s24 =	sadd.s32 $0x80, s24;
	s23 =	sadd.s32 $0x800, s23  }
0x6e: {  	s17 =	sadd.s32 $0x80, s17;
	s18 =	sadd.s32 $0x80, s18;
	s19 =	sadd.s32 $0x80, s19  }
.LBB2_2:
0x6f: {  	p1 =	seq.s32 s23, $0x0  }
0x70: {  	s13 =	simm.s32 @!p1 $0x3  }
0x71: {  	_ =	swait.ge @!p1 [sflag:s13], $0x4000  }
0x72: {  	s15 =	sshra.s32 s23, $0x2;
	[sflag:s13] =	ssyncset.done @!p1 $0x0  }
0x73: {  	s22 =	sadd.s32 $0x80, s15;
	[sflag:s13] =	ssyncadd.s32 @!p1 $0xFFFFC000  }
0x74: {  	[tilespmem:s0], [sflag:$0x2] =	stream.indirect.gather [hbm4b:s1+s26], $0x80, s22, s26, $0xb8;
	[tilespmem:$0x1EA00] =	vst v63  }
0x75: {  	s22 =	sadd.s32 $0xC0, s15  }
0x76: {  	[tilespmem:s3], [sflag:$0x2] =	stream.indirect.gather [hbm4b:s1+s26], $0x80, s22, s26, $0xb8;
	[tilespmem:$0x1EA00] =	vst v63  }
0x77: {  	_ =	swait.ge [sflag:s7], $0x2000  }
0x78: {  	[sflag:s7] =	ssyncset.done $0x0  }
0x79: {  	[sflag:s7] =	ssyncadd.s32 $0xFFFFE000  }
0x7a: {  	_ =	swait.ge [sflag:s7], $0x2000  }
0x7b: {  	[sflag:s7] =	ssyncset.done $0x0  }
0x7c: {  	s13 =	simm.s32 @!p1 $0x4;
	[sflag:s7] =	ssyncadd.s32 $0xFFFFE000  }
0x7d: {  	_ =	swait.ge @!p1 [sflag:s13], $0x80  }
0x7e: {  	[sflag:s13] =	ssyncset.done @!p1 $0x0  }
0x7f: {  	[sflag:s13] =	ssyncadd.s32 @!p1 $0xFFFFFF80;
	s13 =	sadd.s32 $0xFFFFFF80, s25  }
0x80: {  	p1 =	slt.u32 s13, $0x4E181  }
.Ltmp3:
0x81: {  	_ = 	snop;
	(pc) =	sbr.rel @p1 .LBB2_5-.Ltmp3, $3  }
0x82: {  	_ =	sdelay $0x1  }
0x83: {  	s22 =	smov.u32 s17  }
0x84: {  	[spmem:s2] =	stream.indirect.scatter.add.f32 [tilespmem:s28], [sflag:$0x3], $0x80, s20, s8, $0xb8;
	[tilespmem:$0x1EA00] =	vst v63  }
0x85: {  	p1 =	slt.u32 s13, $0x4E200  }
.Ltmp4:
0x86: {  	_ = 	snop;
	(pc) =	sbr.rel @p1 .LBB2_6-.Ltmp4, $1  }
0x87: {  	_ =	sdelay $0x3  }
0x88: {  	s13 =	sshrl.u32 s11, $0x3  }
0x89: {  	s22 =	sadd.s32 s5, s13  }
.LBB2_5:
0x8a: {  	[tilespmem:s9], [sflag:$0x4] =	stream.linear.gather [hbm4b:s22+s4], $0x80, $0x38;
	[tilespmem:$0x1EA00] =	vst v63  }
.LBB2_6:
0x8b: {  	_ =	swait.ge [sflag:s31], $0x4000  }
0x8c: {  	[sflag:s31] =	ssyncset.done $0x0  }
0x8d: {  	s13 =	sadd.s32 $0x100, s15;
	[sflag:s31] =	ssyncadd.s32 $0xFFFFC000  }
0x8e: {  	[tilespmem:s28], [sflag:$0x1] =	stream.indirect.gather [hbm4b:s1+s26], $0x80, s13, s26, $0xb8;
	[tilespmem:$0x1EA00] =	vst v63  }
0x8f: {  	s22 =	sadd.s32 $0x140, s15  }
0x90: {  	[tilespmem:s29], [sflag:$0x1] =	stream.indirect.gather [hbm4b:s1+s26], $0x80, s22, s26, $0xb8;
	[tilespmem:$0x1EA00] =	vst v63  }
0x91: {  	_ =	swait.ge [sflag:s10], $0x2000  }
0x92: {  	[sflag:s10] =	ssyncset.done $0x0  }
0x93: {  	[sflag:s10] =	ssyncadd.s32 $0xFFFFE000  }
0x94: {  	_ =	swait.ge [sflag:s10], $0x2000  }
0x95: {  	p1 =	slt.u32 s25, $0x4E181;
	[sflag:s10] =	ssyncset.done $0x0  }
.Ltmp5:
0x96: {  	[sflag:s10] =	ssyncadd.s32 $0xFFFFE000;
	(pc) =	sbr.rel @p1 .LBB2_9-.Ltmp5, $4  }
0x97: {  	_ =	swait.ge [sflag:s12], $0x80  }
0x98: {  	[sflag:s12] =	ssyncset.done $0x0  }
0x99: {  	s13 =	smov.u32 s24;
	[sflag:s12] =	ssyncadd.s32 $0xFFFFFF80  }
0x9a: {  	[spmem:s2] =	stream.indirect.scatter.add.f32 [tilespmem:s0], [sflag:$0x3], $0x80, s30, s8, $0xb8;
	[tilespmem:$0x1EA00] =	vst v63  }
0x9b: {  	p1 =	slt.u32 s25, $0x4E200  }
.Ltmp6:
0x9c: {  	_ = 	snop;
	(pc) =	sbr.rel @p1 .LBB2_10-.Ltmp6, $1  }
0x9d: {  	_ =	sdelay $0x3  }
0x9e: {  	s13 =	sadd.s32 $0x100, s11  }
0x9f: {  	s13 =	sshrl.u32 s13, $0x3  }
0xa0: {  	s13 =	sadd.s32 s5, s13  }
.LBB2_9:
0xa1: {  	[tilespmem:s14], [sflag:$0x5] =	stream.linear.gather [hbm4b:s13+s4], $0x80, $0x38;
	[tilespmem:$0x1EA00] =	vst v63  }
.LBB2_10:
0xa2: {  	_ =	swait.ge [sflag:s31], $0x4000  }
0xa3: {  	[sflag:s31] =	ssyncset.done $0x0  }
0xa4: {  	s13 =	sadd.s32 $0x180, s15;
	[sflag:s31] =	ssyncadd.s32 $0xFFFFC000  }
0xa5: {  	[tilespmem:s0], [sflag:$0x2] =	stream.indirect.gather [hbm4b:s1+s26], $0x80, s13, s26, $0xb8;
	[tilespmem:$0x1EA00] =	vst v63  }
0xa6: {  	s22 =	sadd.s32 $0x1C0, s15  }
0xa7: {  	[tilespmem:s3], [sflag:$0x2] =	stream.indirect.gather [hbm4b:s1+s26], $0x80, s22, s26, $0xb8;
	[tilespmem:$0x1EA00] =	vst v63  }
0xa8: {  	_ =	swait.ge [sflag:s7], $0x2000  }
0xa9: {  	[sflag:s7] =	ssyncset.done $0x0  }
0xaa: {  	[sflag:s7] =	ssyncadd.s32 $0xFFFFE000  }
0xab: {  	_ =	swait.ge [sflag:s7], $0x2000  }
0xac: {  	p1 =	seq.s32 s23, $0x9800;
	[sflag:s7] =	ssyncset.done $0x0  }
.Ltmp7:
0xad: {  	[sflag:s7] =	ssyncadd.s32 $0xFFFFE000;
	(pc) =	sbr.rel @!p1 .LBB2_11-.Ltmp7, $4  }
0xae: {  	_ =	swait.ge [sflag:s21], $0x80  }
0xaf: {  	[sflag:s21] =	ssyncset.done $0x0  }
0xb0: {  	[sflag:s21] =	ssyncadd.s32 $0xFFFFFF80  }
0xb1: {  	[spmem:s2] =	stream.indirect.scatter.add.f32 [tilespmem:s28], [sflag:$0x3], $0x80, s9, s8, $0xb8;
	[tilespmem:$0x1EA00] =	vst v63  }
.Ltmp8:
0xb2: {  	(pc) =	sbr.rel .LBB2_17-.Ltmp8, $4  }
0xb3: {  	_ = 	snop  }
0xb4: {  	_ =	swait.ge [sflag:s31], $0x4000  }
0xb5: {  	[sflag:s31] =	ssyncset.done $0x0  }
0xb6: {  	[sflag:s31] =	ssyncadd.s32 $0xFFFFC000  }
.LBB2_11:
0xb7: {  	s13 =	sadd.s32 $0x80, s25  }
0xb8: {  	p2 =	slt.u32 s13, $0x4E181  }
.Ltmp9:
0xb9: {  	_ = 	snop;
	(pc) =	sbr.rel @p2 .LBB2_14-.Ltmp9, $2  }
0xba: {  	_ =	sdelay $0x2  }
0xbb: {  	s22 =	smov.u32 s19  }
0xbc: {  	p2 =	slt.u32 s13, $0x4E200  }
.Ltmp10:
0xbd: {  	_ = 	snop;
	(pc) =	sbr.rel @p2 .LBB2_15-.Ltmp10, $1  }
0xbe: {  	_ =	sdelay $0x3  }
0xbf: {  	s13 =	sadd.s32 $0x200, s11  }
0xc0: {  	s13 =	sshrl.u32 s13, $0x3  }
0xc1: {  	s22 =	sadd.s32 s5, s13  }
.LBB2_14:
0xc2: {  	[tilespmem:s20], [sflag:$0x4] =	stream.linear.gather [hbm4b:s22+s4], $0x80, $0x38;
	[tilespmem:$0x1EA00] =	vst v63  }
.LBB2_15:
0xc3: {  	_ =	swait.ge [sflag:s31], $0x4000  }
0xc4: {  	[sflag:s31] =	ssyncset.done $0x0  }
0xc5: {  	s13 =	sadd.s32 $0x200, s15;
	[sflag:s31] =	ssyncadd.s32 $0xFFFFC000  }
0xc6: {  	[tilespmem:s28], [sflag:$0x1] =	stream.indirect.gather [hbm4b:s1+s26], $0x80, s13, s26, $0xb8;
	[tilespmem:$0x1EA00] =	vst v63  }
0xc7: {  	s22 =	sadd.s32 $0x240, s15  }
0xc8: {  	[tilespmem:s29], [sflag:$0x1] =	stream.indirect.gather [hbm4b:s1+s26], $0x80, s22, s26, $0xb8;
	[tilespmem:$0x1EA00] =	vst v63  }
.LBB2_17:
0xc9: {  	_ =	swait.ge [sflag:s10], $0x2000  }
0xca: {  	[sflag:s10] =	ssyncset.done $0x0  }
0xcb: {  	[sflag:s10] =	ssyncadd.s32 $0xFFFFE000  }
0xcc: {  	_ =	swait.ge [sflag:s10], $0x2000  }
0xcd: {  	[sflag:s10] =	ssyncset.done $0x0  }
.Ltmp11:
0xce: {  	[sflag:s10] =	ssyncadd.s32 $0xFFFFE000;
	(pc) =	sbr.rel @p1 .LBB2_23-.Ltmp11, $4  }
0xcf: {  	_ =	swait.ge [sflag:s12], $0x80  }
0xd0: {  	[sflag:s12] =	ssyncset.done $0x0  }
0xd1: {  	[sflag:s12] =	ssyncadd.s32 $0xFFFFFF80  }
0xd2: {  	[spmem:s2] =	stream.indirect.scatter.add.f32 [tilespmem:s0], [sflag:$0x3], $0x80, s14, s8, $0xb8;
	[tilespmem:$0x1EA00] =	vst v63  }
0xd3: {  	s13 =	sadd.s32 $0x100, s25  }
0xd4: {  	p1 =	slt.u32 s13, $0x4E181  }
.Ltmp12:
0xd5: {  	_ = 	snop;
	(pc) =	sbr.rel @p1 .LBB2_21-.Ltmp12, $2  }
0xd6: {  	_ =	sdelay $0x2  }
0xd7: {  	s15 =	smov.u32 s18  }
0xd8: {  	p1 =	slt.u32 s13, $0x4E200  }
.Ltmp13:
0xd9: {  	_ = 	snop;
	(pc) =	sbr.rel @p1 .LBB2_22-.Ltmp13, $1  }
0xda: {  	_ =	sdelay $0x3  }
.Ltmp14:
0xdb: {  	(pc) =	sbr.rel .LBB2_21-.Ltmp14, $4  }
0xdc: {  	_ = 	snop  }
0xdd: {  	s13 =	sadd.s32 $0x300, s11  }
0xde: {  	s13 =	sshrl.u32 s13, $0x3  }
0xdf: {  	s15 =	sadd.s32 s5, s13  }
.LBB2_24:
0xe0: {  	_ =	sfence.sel $0x180000  }
0xe1: {  	[bflag:$0x0] =	sbarrier.arrive $0xFFFF  }
0xe2: {  	_ =	strace $0x90000047  }
0xe3: {  	s0 =	stileid.u32;
	[bflag:$0x2] =	sbarrier.arrive $0xFFFF  }
0xe4: {  	p0 =	sne.s32 s0, $0x0;
	s0 =	rddreg [dreg:$0x4]  }
0xe5: {  	s0 =	sadd.s32 @!p0 $0x100000, s0  }
0xe6: {  	[sflag:s0] =	ssyncadd.tile.s32 @!p0 $0x1;
	_ =	shalt  }
.Lfunc_end2:
_tile_overlayer_lowered:
.L_overlay_start_2:
0xe7: {  	(tag) =	ssettag $0x2  }
0xe8: {  	s0 =	rddreg [dreg:$0x0];
	s2 =	stileid.u32  }
0xe9: {  	s1 =	rddreg [dreg:$0x1];
	p0 =	sne.s32 s2, $0x0  }
0xea: {  	s3 =	rddreg [dreg:$0x2];
	[bflag:$0x3] =	sbarrier.arrive $0xFFFF;
	s2 =	simm.s32 @!p0 $0x1C06  }
0xeb: {  	[timem:s3], [sflag:s2] =	dma.local @!p0 [hbm:s0], s1  }
0xec: {  	s0 =	simm.s32 @!p0 $0x6  }
0xed: {  	_ =	swait.ge @!p0 [sflag:s0], s1  }
0xee: {  	s1 =	ssub.s32 @!p0 $0x0, s1;
	[sflag:s0] =	ssyncset.done @!p0 $0x0  }
0xef: {  	[sflag:s0] =	ssyncadd.s32 @!p0 s1  }
0xf0: {  	[bflag:$0x3] =	sbarrier.arrive $0xFFFF  }
0xf1: {  	_ =	shalt  }

</sc_bundles>
